<compile_context>
chip_gen: v7x
topology: tpu7x:2x2x1
jax: 0.10.2.dev20260603
libtpu: 0.0.44.dev20260713+nightly
codegen_flags: <defaults>
</compile_context>

<pallas_src>
import functools

import jax
import jax.numpy as jnp
from jax import lax
from jax.experimental import pallas as pl
from jax.experimental.pallas import tpu as pltpu
from jax.experimental.pallas import tpu_sc as plsc

_H = 2
_C = 256
_NPAD = 10240
_HALFN = 5120
_EPAD = 172032


def _tc1_body(x_ref, w_ref, as_ref, ad_ref, h_ref, asrc_ref, adst_ref):
    hb = jnp.dot(x_ref[...], w_ref[...], preferred_element_type=jnp.float32)
    h_ref[0] = hb[:, :_C]
    h_ref[1] = hb[:, _C:]
    asrc_ref[...] = jnp.dot(hb, as_ref[...], preferred_element_type=jnp.float32)
    adst_ref[...] = jnp.dot(hb, ad_ref[...], preferred_element_type=jnp.float32)


def _tc1(x, W, As, Ad, blk=1000):
    n, d = x.shape
    grid = n // blk
    return pl.pallas_call(
        _tc1_body,
        grid=(grid,),
        in_specs=[
            pl.BlockSpec((blk, d), lambda i: (i, 0)),
            pl.BlockSpec((d, _H * _C), lambda i: (0, 0)),
            pl.BlockSpec((_H * _C, _H), lambda i: (0, 0)),
            pl.BlockSpec((_H * _C, _H), lambda i: (0, 0)),
        ],
        out_specs=[
            pl.BlockSpec((_H, blk, _C), lambda i: (0, i, 0)),
            pl.BlockSpec((blk, _H), lambda i: (i, 0)),
            pl.BlockSpec((blk, _H), lambda i: (i, 0)),
        ],
        out_shape=[
            jax.ShapeDtypeStruct((_H, n, _C), jnp.float32),
            jax.ShapeDtypeStruct((n, _H), jnp.float32),
            jax.ShapeDtypeStruct((n, _H), jnp.float32),
        ],
    )(x, W, As, Ad)


def _sc_softmax_denom(a_src, a_dst, srcp, dstp, e_valid):
    n = a_src.shape[0] // _H
    ach = _EPAD // 32

    @functools.partial(
        pl.kernel,
        out_type=[
            jax.ShapeDtypeStruct((_H * _EPAD,), jnp.float32),
            jax.ShapeDtypeStruct((2 * _H * _NPAD,), jnp.float32),
        ],
        mesh=plsc.VectorSubcoreMesh(core_axis_name="c", subcore_axis_name="s"),
        compiler_params=pltpu.CompilerParams(needs_layout_passes=False),
        scratch_types=[
            pltpu.VMEM((n * _H,), jnp.float32),
            pltpu.VMEM((n * _H,), jnp.float32),
            pltpu.VMEM((_NPAD,), jnp.float32),
            pltpu.VMEM((_NPAD,), jnp.float32),
            pltpu.VMEM((ach,), jnp.int32),
            pltpu.VMEM((ach,), jnp.int32),
            pltpu.VMEM((ach,), jnp.float32),
            pltpu.VMEM((ach,), jnp.float32),
            pltpu.VMEM((_NPAD // 16,), jnp.float32),
            pltpu.VMEM((_NPAD // 16,), jnp.float32),
            pltpu.VMEM_SHARED((16, _H, _NPAD), jnp.float32),
        ],
    )
    def k(asrc_hbm, adst_hbm, src_hbm, dst_hbm, ex_hbm, dnp_hbm,
          asv, adv, dn0, dn1, srcv, dstv, ex0v, ex1v, accv, tmpv, stage):
        c = lax.axis_index("c")
        s = lax.axis_index("s")
        w = s * 2 + c
        base = w * ach
        pltpu.sync_copy(asrc_hbm, asv)
        pltpu.sync_copy(adst_hbm, adv)
        pltpu.sync_copy(src_hbm.at[pl.ds(base, ach)], srcv)
        pltpu.sync_copy(dst_hbm.at[pl.ds(base, ach)], dstv)

        zf = jnp.zeros((16,), jnp.float32)

        def zb(i, _):
            dn0[pl.ds(i * 16, 16)] = zf
            dn1[pl.ds(i * 16, 16)] = zf
            return 0
        lax.fori_loop(0, _NPAD // 16, zb, 0)

        iot = lax.iota(jnp.int32, 16)

        def body(i, _):
            off = i * 16
            sv = srcv[pl.ds(off, 16)]
            dv = dstv[pl.ds(off, 16)]
            sv2 = sv + sv
            dv2 = dv + dv
            as0 = plsc.load_gather(asv, [sv2])
            as1 = plsc.load_gather(asv, [sv2 + 1])
            ad0 = plsc.load_gather(adv, [dv2])
            ad1 = plsc.load_gather(adv, [dv2 + 1])
            valid = (base + off + iot) < e_valid
            e0 = as0 + ad0
            e0 = jnp.maximum(e0, 0.2 * e0)
            x0 = jnp.where(valid, jnp.exp(e0), 0.0)
            e1 = as1 + ad1
            e1 = jnp.maximum(e1, 0.2 * e1)
            x1 = jnp.where(valid, jnp.exp(e1), 0.0)
            ex0v[pl.ds(off, 16)] = x0
            ex1v[pl.ds(off, 16)] = x1
            plsc.addupdate_scatter(dn0, [dv], x0)
            plsc.addupdate_scatter(dn1, [dv], x1)
            return 0
        lax.fori_loop(0, ach // 16, body, 0)

        pltpu.sync_copy(ex0v, ex_hbm.at[pl.ds(base, ach)])
        pltpu.sync_copy(ex1v, ex_hbm.at[pl.ds(_EPAD + base, ach)])

        pltpu.sync_copy(dn0, stage.at[s, 0])
        pltpu.sync_copy(dn1, stage.at[s, 1])
        plsc.subcore_barrier()
        nslc = _NPAD // 16
        lo = s * nslc
        for h in range(_H):
            def zacc(i, _):
                accv[pl.ds(i * 16, 16)] = zf
                return 0
            lax.fori_loop(0, nslc // 16, zacc, 0)

            def red(k2, _):
                pltpu.sync_copy(stage.at[k2, h, pl.ds(lo, nslc)], tmpv)

                def addv(v, _):
                    sl = pl.ds(v * 16, 16)
                    accv[sl] = accv[sl] + tmpv[sl]
                    return 0
                lax.fori_loop(0, nslc // 16, addv, 0)
                return 0
            lax.fori_loop(0, 16, red, 0)
            pltpu.sync_copy(accv, dnp_hbm.at[pl.ds((c + c + h) * _NPAD + lo, nslc)])

    return k(a_src, a_dst, srcp, dstp)


def _sc_aggregate(h_stk, srcp, dstp, ex, dnp, n):
    bch = _EPAD // 16
    sube = 1344
    nsub_a = bch // sube
    nsub_s = _EPAD // sube
    grp = 64
    cap = 2048
    win = _NPAD // 32
    arows = win + 8
    dchunk = 2000

    @functools.partial(
        pl.kernel,
        out_type=[
            jax.ShapeDtypeStruct((_H * _NPAD * _C,), jnp.float32),
            jax.ShapeDtypeStruct((_H * _EPAD,), jnp.float32),
        ],
        mesh=plsc.VectorSubcoreMesh(core_axis_name="c", subcore_axis_name="s"),
        compiler_params=pltpu.CompilerParams(needs_layout_passes=False),
        scratch_types=[
            pltpu.VMEM((n,), jnp.float32),
            pltpu.VMEM((dchunk,), jnp.float32),
            pltpu.VMEM((sube,), jnp.int32),
            pltpu.VMEM((sube,), jnp.int32),
            pltpu.VMEM((sube,), jnp.float32),
            pltpu.VMEM((arows * _C,), jnp.float32),
            pltpu.VMEM((cap // grp, grp), jnp.int32),
            pltpu.VMEM((cap,), jnp.int32),
            pltpu.VMEM((cap,), jnp.float32),
            pltpu.VMEM((grp, _C), jnp.float32),
            pltpu.SemaphoreType.DMA,
        ],
    )
    def k(h_hbm, src_hbm, dst_hbm, ex_hbm, dnp_hbm, out_hbm, al_hbm,
          dnv, dtv, ssub, dsub, aasub, acc, psrc, prel, pal, rowb, sem):
        c = lax.axis_index("c")
        s = lax.axis_index("s")
        zf16 = jnp.zeros((16,), jnp.float32)
        zi16 = jnp.zeros((16,), jnp.int32)
        iot = lax.iota(jnp.int32, 16)

        pltpu.sync_copy(dnp_hbm.at[pl.ds(c * _NPAD, n)], dnv)
        for q in range(n // dchunk):
            pltpu.sync_copy(dnp_hbm.at[pl.ds((c + 2) * _NPAD + q * dchunk, dchunk)], dtv)

            def addv(v, _, q=q):
                sl = pl.ds(q * dchunk + v * 16, 16)
                dnv[sl] = dnv[sl] + dtv[pl.ds(v * 16, 16)]
                return 0
            lax.fori_loop(0, dchunk // 16, addv, 0)

        base = s * bch

        def alsub(q2, _):
            off0 = base + q2 * sube
            pltpu.sync_copy(ex_hbm.at[pl.ds(c * _EPAD + off0, sube)], aasub)
            pltpu.sync_copy(dst_hbm.at[pl.ds(off0, sube)], dsub)

            def albody(i, _):
                off = i * 16
                dv = dsub[pl.ds(off, 16)]
                dn = plsc.load_gather(dnv, [dv])
                sl = pl.ds(off, 16)
                aasub[sl] = aasub[sl] / (dn + 1e-16)
                return 0
            lax.fori_loop(0, sube // 16, albody, 0)
            pltpu.sync_copy(aasub, al_hbm.at[pl.ds(c * _EPAD + off0, sube)])
            return 0
        lax.fori_loop(0, nsub_a, alsub, 0)
        plsc.subcore_barrier()

        for p in range(2):
            wlo = p * (_NPAD // 2) + s * win

            def zacc(i, _):
                acc[pl.ds(i * 16, 16)] = zf16
                return 0
            lax.fori_loop(0, (arows * _C) // 16, zacc, 0)

            def dogroup(j, cend):
                jr = lax.bitwise_and(j, (cap // grp) - 1)
                pltpu.async_copy(
                    h_hbm.at[c].at[psrc.at[jr]], rowb, sem).wait()

                def srow(r, _):
                    pp = jr * grp + r
                    a = plsc.load_gather(pal, [zi16 + pp])
                    relv = plsc.load_gather(prel, [zi16 + pp])

                    def svec(v, _):
                        sl = pl.ds(v * 16, 16)
                        idxv = relv * _C + (v * 16 + iot)
                        plsc.addupdate_scatter(acc, [idxv], rowb[r, sl] * a)
                        return 0
                    lax.fori_loop(0, _C // 16, svec, 0)
                    return 0
                lax.fori_loop(0, grp, srow, 0)
                return cend

            def scansub(q2, carry):
                cnt, gdone = carry
                off0 = q2 * sube
                pltpu.sync_copy(src_hbm.at[pl.ds(off0, sube)], ssub)
                pltpu.sync_copy(dst_hbm.at[pl.ds(off0, sube)], dsub)
                pltpu.sync_copy(al_hbm.at[pl.ds(c * _EPAD + off0, sube)], aasub)

                def pack(i, cnt, wlo=wlo):
                    off = i * 16
                    dv = dsub[pl.ds(off, 16)]
                    m = (dv >= wlo) & (dv < wlo + win)
                    mi = m.astype(jnp.int32)
                    pos = jnp.maximum(cnt + plsc.cumsum(mi) - 1, 0)
                    posw = lax.bitwise_and(pos, cap - 1)
                    rowi = lax.shift_right_logical(posw, 6)
                    coli = lax.bitwise_and(posw, grp - 1)
                    plsc.store_scatter(psrc, [rowi, coli], ssub[pl.ds(off, 16)], mask=m)
                    plsc.store_scatter(prel, [posw], dv - wlo, mask=m)
                    plsc.store_scatter(pal, [posw], aasub[pl.ds(off, 16)], mask=m)
                    return cnt + jnp.sum(mi)
                cnt = lax.fori_loop(0, sube // 16, pack, cnt)
                gdone = lax.fori_loop(gdone, lax.shift_right_logical(cnt, 6),
                                      dogroup, gdone)
                return cnt, lax.shift_right_logical(cnt, 6)

            cnt, gdone = lax.fori_loop(0, nsub_s, scansub,
                                       (jnp.int32(0), jnp.int32(0)))

            for kk in range(grp // 16):
                posd = lax.bitwise_and(cnt + kk * 16 + iot, cap - 1)
                plsc.store_scatter(psrc,
                                   [lax.shift_right_logical(posd, 6),
                                    lax.bitwise_and(posd, grp - 1)], zi16)
                plsc.store_scatter(prel, [posd], zi16 + win)
                plsc.store_scatter(pal, [posd], zf16)
            lax.fori_loop(gdone, lax.shift_right_logical(cnt + grp - 1, 6),
                          dogroup, gdone)

            pltpu.sync_copy(acc.at[pl.ds(0, win * _C)],
                            out_hbm.at[pl.ds(c * (_NPAD * _C) + wlo * _C, win * _C)])

    return k(h_stk, srcp, dstp, ex, dnp)


def _mlp_body(o0_ref, o1_ref, bc_ref, wa_ref, ba_ref, w1_ref, b1_ref,
              w2_ref, b2_ref, a_ref, bt_ref):
    blk = o0_ref.shape[1]
    g = jnp.concatenate([o0_ref[0], o1_ref[0]], axis=1) + bc_ref[...]
    g = jnp.maximum(g, 0.0)
    t = jnp.dot(g, wa_ref[...], preferred_element_type=jnp.float32) + ba_ref[...]
    t = jnp.maximum(t, 0.0)
    t = jnp.dot(t, w1_ref[...], preferred_element_type=jnp.float32) + b1_ref[...]
    t = jnp.maximum(t, 0.0)
    z8 = jnp.dot(t, w2_ref[...], preferred_element_type=jnp.float32) + b2_ref[...]
    sq = jnp.sum(z8 * z8, axis=1, keepdims=True)
    col = lax.broadcasted_iota(jnp.int32, (blk, 8), 1)
    a_ref[...] = jnp.where(col < 3, z8,
                           jnp.where(col == 3, sq,
                                     jnp.where(col == 4, 1.0, 0.0)))
    bt_ref[...] = jnp.where(col < 3, -2.0 * z8,
                            jnp.where(col == 3, 1.0,
                                      jnp.where(col == 4, sq, 0.0)))


def _mlp(out_conv, b_conv, Wa, ba, W1, b1, W2p, b2p, n, blk=1000):
    grid = n // blk
    return pl.pallas_call(
        _mlp_body,
        grid=(grid,),
        in_specs=[
            pl.BlockSpec((1, blk, _C), lambda i: (0, i, 0)),
            pl.BlockSpec((1, blk, _C), lambda i: (1, i, 0)),
            pl.BlockSpec((1, _H * _C), lambda i: (0, 0)),
            pl.BlockSpec((_H * _C, 128), lambda i: (0, 0)),
            pl.BlockSpec((1, 128), lambda i: (0, 0)),
            pl.BlockSpec((128, 32), lambda i: (0, 0)),
            pl.BlockSpec((1, 32), lambda i: (0, 0)),
            pl.BlockSpec((32, 8), lambda i: (0, 0)),
            pl.BlockSpec((1, 8), lambda i: (0, 0)),
        ],
        out_specs=[
            pl.BlockSpec((blk, 8), lambda i: (i, 0)),
            pl.BlockSpec((blk, 8), lambda i: (i, 0)),
        ],
        out_shape=[
            jax.ShapeDtypeStruct((n, 8), jnp.float32),
            jax.ShapeDtypeStruct((n, 8), jnp.float32),
        ],
    )(out_conv, out_conv, b_conv, Wa, ba, W1, b1, W2p, b2p)


def _dist_body(a_ref, bt_ref, out_ref):
    d2 = lax.dot_general(a_ref[...], bt_ref[...], (((1,), (1,)), ((), ())),
                         preferred_element_type=jnp.float32)
    out_ref[...] = jnp.where(d2 > 0.0, jnp.sqrt(jnp.where(d2 > 0.0, d2, 1.0)), 0.0)


def _dist(A, Bt, blk=400):
    n = A.shape[0]
    grid = n // blk
    return pl.pallas_call(
        _dist_body,
        grid=(grid,),
        in_specs=[
            pl.BlockSpec((blk, 8), lambda i: (i, 0)),
            pl.BlockSpec((n, 8), lambda i: (0, 0)),
        ],
        out_specs=pl.BlockSpec((blk, n), lambda i: (i, 0)),
        out_shape=jax.ShapeDtypeStruct((n, n), jnp.float32),
    )(A, Bt)


def kernel(x, edge_index, W, att_src, att_dst, b_conv, Wa, ba, W1, b1, W2, b2):
    n, d = x.shape
    hc = _H * _C
    e = edge_index.shape[1]
    e_valid = e + n

    As = jnp.zeros((hc, _H), jnp.float32)
    As = As.at[:_C, 0].set(att_src[0]).at[_C:, 1].set(att_src[1])
    Ad = jnp.zeros((hc, _H), jnp.float32)
    Ad = Ad.at[:_C, 0].set(att_dst[0]).at[_C:, 1].set(att_dst[1])

    h_stk, a_src, a_dst = _tc1(x, W, As, Ad)

    ar = jnp.arange(n, dtype=edge_index.dtype)
    pad = jnp.zeros((_EPAD - e_valid,), edge_index.dtype)
    srcp = jnp.concatenate([edge_index[0], ar, pad])
    dstp = jnp.concatenate([edge_index[1], ar, pad])

    ex, dnp = _sc_softmax_denom(a_src.reshape(-1), a_dst.reshape(-1), srcp, dstp, e_valid)
    out_flat, _alpha = _sc_aggregate(h_stk, srcp, dstp, ex, dnp, n)
    out_conv = out_flat.reshape(_H, _NPAD, _C)

    W2p = jnp.zeros((32, 8), jnp.float32).at[:, :3].set(W2)
    b2p = jnp.zeros((8,), jnp.float32).at[:3].set(b2)
    A, Bt = _mlp(out_conv, b_conv.reshape(1, hc), Wa, ba.reshape(1, 128),
                 W1, b1.reshape(1, 32), W2p, b2p.reshape(1, 8), n)
    return _dist(A, Bt)

# --- scband reference (transcript-rebuilt; emitter-appended) ---
"""Pipeline reference for scband-gatnet-more-reduced-30081950941399 (READ-ONLY COPY).

The authoritative reference and input builder live on the scoring server;
editing this copy changes nothing except your own understanding.
"""

import jax, jax.numpy as jnp
import numpy as np

N = 10000
E = 160000
D = 512
H = 2
C = 256


def setup_inputs(seed: int = 0) -> dict:
    key = jax.random.key(seed)
    ks = jax.random.split(key, 12)
    x = jax.random.normal(ks[0], (N, D), dtype=jnp.float32)
    edge_index = jax.random.randint(ks[1], (2, E), 0, N, dtype=jnp.int32)
    W = jax.random.normal(ks[2], (D, H * C), dtype=jnp.float32) * (1.0 / np.sqrt(D))
    att_src = jax.random.normal(ks[3], (H, C), dtype=jnp.float32) * (1.0 / np.sqrt(C))
    att_dst = jax.random.normal(ks[4], (H, C), dtype=jnp.float32) * (1.0 / np.sqrt(C))
    b_conv = jnp.zeros((H * C,), dtype=jnp.float32)
    Wa = jax.random.normal(ks[5], (512, 128), dtype=jnp.float32) * (1.0 / np.sqrt(512))
    ba = jnp.zeros((128,), dtype=jnp.float32)
    W1 = jax.random.normal(ks[6], (128, 32), dtype=jnp.float32) * (1.0 / np.sqrt(128))
    b1 = jnp.zeros((32,), dtype=jnp.float32)
    W2 = jax.random.normal(ks[7], (32, 3), dtype=jnp.float32) * (1.0 / np.sqrt(32))
    b2 = jnp.zeros((3,), dtype=jnp.float32)
    return {"x": x, "edge_index": edge_index, "W": W, "att_src": att_src,
            "att_dst": att_dst, "b_conv": b_conv, "Wa": Wa, "ba": ba,
            "W1": W1, "b1": b1, "W2": W2, "b2": b2}


def reference(x, edge_index, W, att_src, att_dst, b_conv, Wa, ba, W1, b1, W2, b2):
    n = x.shape[0]
    # GATConv (PyG semantics): add self loops, 2 heads, concat, negative_slope=0.2
    ar = jnp.arange(n, dtype=edge_index.dtype)
    ei = jnp.concatenate([edge_index, jnp.stack([ar, ar])], axis=1)
    src, dst = ei[0], ei[1]
    h = (x @ W).reshape(n, H, C)
    a_src = jnp.sum(h * att_src[None, :, :], axis=-1)  # [N, H]
    a_dst = jnp.sum(h * att_dst[None, :, :], axis=-1)  # [N, H]
    e = a_src[src] + a_dst[dst]                        # [E', H]
    e = jax.nn.leaky_relu(e, negative_slope=0.2)
    m = jax.ops.segment_max(e, dst, num_segments=n)
    m = jnp.where(jnp.isfinite(m), m, 0.0)
    ex = jnp.exp(e - m[dst])
    denom = jax.ops.segment_sum(ex, dst, num_segments=n)
    alpha = ex / (denom[dst] + 1e-16)
    msg = h[src] * alpha[..., None]                    # [E', H, C]
    out = jax.ops.segment_sum(msg, dst, num_segments=n).reshape(n, H * C) + b_conv
    out = jax.nn.relu(out)
    # dropout(p=0.4) is identity in eval mode
    out = jax.nn.relu(out @ Wa + ba)
    out = jax.nn.relu(out @ W1 + b1)
    z = out @ W2 + b2                                  # [N, 3]
    sq = jnp.sum(z * z, axis=1)
    d2 = sq[:, None] + sq[None, :] - 2.0 * (z @ z.T)
    d2 = jnp.maximum(d2, 0.0)
    dist = jnp.where(d2 > 0, jnp.sqrt(jnp.where(d2 > 0, d2, 1.0)), 0.0)
    return dist

if __name__ == "__main__":
    import jax
    _d = setup_inputs()
    print(jax.jit(kernel)(*tuple(_d.values())))

</pallas_src>

<mosaic_0001>
#map = affine_map<(d0, d1) -> (0)>
module attributes {stable_mosaic.version = 14 : i64} {
  func.func @k(%arg0: i32, %arg1: i32, %arg2: memref<20000xf32, #tpu.memory_space<hbm>>, %arg3: memref<20000xf32, #tpu.memory_space<hbm>>, %arg4: memref<172032xi32, #tpu.memory_space<hbm>>, %arg5: memref<172032xi32, #tpu.memory_space<hbm>>, %arg6: memref<344064xf32, #tpu.memory_space<hbm>>, %arg7: memref<40960xf32, #tpu.memory_space<hbm>>, %arg8: memref<20000xf32, #tpu.memory_space<vmem>>, %arg9: memref<20000xf32, #tpu.memory_space<vmem>>, %arg10: memref<10240xf32, #tpu.memory_space<vmem>>, %arg11: memref<10240xf32, #tpu.memory_space<vmem>>, %arg12: memref<5376xi32, #tpu.memory_space<vmem>>, %arg13: memref<5376xi32, #tpu.memory_space<vmem>>, %arg14: memref<5376xf32, #tpu.memory_space<vmem>>, %arg15: memref<5376xf32, #tpu.memory_space<vmem>>, %arg16: memref<640xf32, #tpu.memory_space<vmem>>, %arg17: memref<640xf32, #tpu.memory_space<vmem>>, %arg18: memref<16x2x10240xf32, #tpu.memory_space<vmem_shared>>) attributes {dimension_semantics = [#tpu.dimension_semantics<core_parallel>, #tpu.dimension_semantics<subcore_parallel>], iteration_bounds = array<i64: 2, 16>, scalar_prefetch = 0 : i64, scratch_operands = 11 : i64, tpu.core_type = #tpu.core_type<sc_vector_subcore>, window_params = [{transform_indices = #map}, {transform_indices = #map}, {transform_indices = #map}, {transform_indices = #map}, {transform_indices = #map}, {transform_indices = #map}]} {
    %mul3A = arith.constant 2 : i32
    %mul3A_0 = arith.muli %arg1, %mul3A : i32
    %add3A = arith.addi %mul3A_0, %arg0 : i32
    %mul3A_1 = arith.constant 5376 : i32
    %mul3A_2 = arith.muli %add3A, %mul3A_1 : i32
    "tpu.region"() ({
      %run_scoped3A_62 = tpu.sem_alloc : memref<!tpu.dma_semaphore, #tpu.memory_space<semaphore_mem>>
      tpu.enqueue_dma source(%arg2 : memref<20000xf32, #tpu.memory_space<hbm>>) target(%arg8 : memref<20000xf32, #tpu.memory_space<vmem>>) target_semaphore(%run_scoped3A_62 : memref<!tpu.dma_semaphore, #tpu.memory_space<semaphore_mem>>)
      tpu.wait_dma2 semaphore(%run_scoped3A_62 : memref<!tpu.dma_semaphore, #tpu.memory_space<semaphore_mem>>) src(%arg2 : memref<20000xf32, #tpu.memory_space<hbm>>) dst(%arg8 : memref<20000xf32, #tpu.memory_space<vmem>>)
      tpu.yield
    }) : () -> ()
    "tpu.region"() ({
      %run_scoped3A_62 = tpu.sem_alloc : memref<!tpu.dma_semaphore, #tpu.memory_space<semaphore_mem>>
      tpu.enqueue_dma source(%arg3 : memref<20000xf32, #tpu.memory_space<hbm>>) target(%arg9 : memref<20000xf32, #tpu.memory_space<vmem>>) target_semaphore(%run_scoped3A_62 : memref<!tpu.dma_semaphore, #tpu.memory_space<semaphore_mem>>)
      tpu.wait_dma2 semaphore(%run_scoped3A_62 : memref<!tpu.dma_semaphore, #tpu.memory_space<semaphore_mem>>) src(%arg3 : memref<20000xf32, #tpu.memory_space<hbm>>) dst(%arg9 : memref<20000xf32, #tpu.memory_space<vmem>>)
      tpu.yield
    }) : () -> ()
    "tpu.region"() ({
      %run_scoped3A_62 = tpu.sem_alloc : memref<!tpu.dma_semaphore, #tpu.memory_space<semaphore_mem>>
      %dma_start3A = tpu.memref_slice %arg4[%mul3A_2] : memref<172032xi32, #tpu.memory_space<hbm>> -> memref<5376xi32, #tpu.memory_space<hbm>>
      %dma_start3A_63 = tpu.memref_slice %arg4[%mul3A_2] : memref<172032xi32, #tpu.memory_space<hbm>> -> memref<5376xi32, #tpu.memory_space<hbm>>
      tpu.enqueue_dma source(%dma_start3A_63 : memref<5376xi32, #tpu.memory_space<hbm>>) target(%arg12 : memref<5376xi32, #tpu.memory_space<vmem>>) target_semaphore(%run_scoped3A_62 : memref<!tpu.dma_semaphore, #tpu.memory_space<semaphore_mem>>)
      %dma_wait3A = tpu.memref_slice %arg4[%mul3A_2] : memref<172032xi32, #tpu.memory_space<hbm>> -> memref<5376xi32, #tpu.memory_space<hbm>>
      %dma_wait3A_64 = tpu.memref_slice %arg4[%mul3A_2] : memref<172032xi32, #tpu.memory_space<hbm>> -> memref<5376xi32, #tpu.memory_space<hbm>>
      tpu.wait_dma2 semaphore(%run_scoped3A_62 : memref<!tpu.dma_semaphore, #tpu.memory_space<semaphore_mem>>) src(%dma_wait3A_64 : memref<5376xi32, #tpu.memory_space<hbm>>) dst(%arg12 : memref<5376xi32, #tpu.memory_space<vmem>>)
      tpu.yield
    }) : () -> ()
    "tpu.region"() ({
      %run_scoped3A_62 = tpu.sem_alloc : memref<!tpu.dma_semaphore, #tpu.memory_space<semaphore_mem>>
      %dma_start3A = tpu.memref_slice %arg5[%mul3A_2] : memref<172032xi32, #tpu.memory_space<hbm>> -> memref<5376xi32, #tpu.memory_space<hbm>>
      %dma_start3A_63 = tpu.memref_slice %arg5[%mul3A_2] : memref<172032xi32, #tpu.memory_space<hbm>> -> memref<5376xi32, #tpu.memory_space<hbm>>
      tpu.enqueue_dma source(%dma_start3A_63 : memref<5376xi32, #tpu.memory_space<hbm>>) target(%arg13 : memref<5376xi32, #tpu.memory_space<vmem>>) target_semaphore(%run_scoped3A_62 : memref<!tpu.dma_semaphore, #tpu.memory_space<semaphore_mem>>)
      %dma_wait3A = tpu.memref_slice %arg5[%mul3A_2] : memref<172032xi32, #tpu.memory_space<hbm>> -> memref<5376xi32, #tpu.memory_space<hbm>>
      %dma_wait3A_64 = tpu.memref_slice %arg5[%mul3A_2] : memref<172032xi32, #tpu.memory_space<hbm>> -> memref<5376xi32, #tpu.memory_space<hbm>>
      tpu.wait_dma2 semaphore(%run_scoped3A_62 : memref<!tpu.dma_semaphore, #tpu.memory_space<semaphore_mem>>) src(%dma_wait3A_64 : memref<5376xi32, #tpu.memory_space<hbm>>) dst(%arg13 : memref<5376xi32, #tpu.memory_space<vmem>>)
      tpu.yield
    }) : () -> ()
    %broadcast_in_dim3A = arith.constant 0.000000e+00 : f32
    %broadcast_in_dim3A_3 = vector.broadcast %broadcast_in_dim3A : f32 to vector<16xf32>
    %scan3A = arith.constant 0 : i32
    %scan3A_4 = arith.constant 0 : i32
    %scan3A_5 = arith.constant 640 : i32
    %scan3A_6 = arith.addi %scan3A_4, %scan3A_5 : i32
    %scan3A_7 = arith.constant 1 : i32
    %scan3A_8 = scf.for %scan3A_62 = %scan3A_4 to %scan3A_6 step %scan3A_7 iter_args(%scan3A_63 = %scan3A) -> (i32)  : i32 {
      %mul3A_64 = arith.constant 16 : i32
      %mul3A_65 = arith.muli %scan3A_62, %mul3A_64 : i32
      %swap3A = arith.index_cast %mul3A_65 : i32 to index
      %swap3A_66 = tpu.vector_load %arg10[%swap3A] {strides = array<i32>} : memref<10240xf32, #tpu.memory_space<vmem>>, vector<16xf32>,
      tpu.vector_store %arg10[%swap3A], %broadcast_in_dim3A_3 {strides = array<i32>} : memref<10240xf32, #tpu.memory_space<vmem>>, vector<16xf32>,
      %mul3A_67 = arith.constant 16 : i32
      %mul3A_68 = arith.muli %scan3A_62, %mul3A_67 : i32
      %swap3A_69 = arith.index_cast %mul3A_68 : i32 to index
      %swap3A_70 = tpu.vector_load %arg11[%swap3A_69] {strides = array<i32>} : memref<10240xf32, #tpu.memory_space<vmem>>, vector<16xf32>,
      tpu.vector_store %arg11[%swap3A_69], %broadcast_in_dim3A_3 {strides = array<i32>} : memref<10240xf32, #tpu.memory_space<vmem>>, vector<16xf32>,
      %scan3A_71 = arith.constant 0 : i32
      scf.yield %scan3A_71 : i32
    }
    %scan3A_9 = arith.constant 640 : i32
    %iota3A = tpu.iota {dimensions = array<i32: 0>} : vector<16xi32>
    %scan3A_10 = arith.constant 0 : i32
    %scan3A_11 = arith.constant 0 : i32
    %scan3A_12 = arith.constant 336 : i32
    %scan3A_13 = arith.addi %scan3A_11, %scan3A_12 : i32
    %scan3A_14 = arith.constant 1 : i32
    %scan3A_15 = scf.for %scan3A_62 = %scan3A_11 to %scan3A_13 step %scan3A_14 iter_args(%scan3A_63 = %scan3A_10) -> (i32)  : i32 {
      %mul3A_64 = arith.constant 16 : i32
      %mul3A_65 = arith.muli %scan3A_62, %mul3A_64 : i32
      %get3A = arith.index_cast %mul3A_65 : i32 to index
      %get3A_66 = tpu.vector_load %arg12[%get3A] {strides = array<i32>} : memref<5376xi32, #tpu.memory_space<vmem>>, vector<16xi32>,
      %get3A_67 = arith.index_cast %mul3A_65 : i32 to index
      %get3A_68 = tpu.vector_load %arg13[%get3A_67] {strides = array<i32>} : memref<5376xi32, #tpu.memory_space<vmem>>, vector<16xi32>,
      %add3A_69 = arith.addi %get3A_66, %get3A_66 : vector<16xi32>
      %add3A_70 = arith.addi %get3A_68, %get3A_68 : vector<16xi32>
      %gather3A = tpu.vector_load_idx %arg8[%add3A_69] : memref<20000xf32, #tpu.memory_space<vmem>>[vector<16xi32>], vector<16xf32>,
      %add3A_71 = arith.constant 1 : i32
      %add3A_72 = vector.broadcast %add3A_71 : i32 to vector<16xi32>
      %add3A_73 = arith.addi %add3A_69, %add3A_72 : vector<16xi32>
      %gather3A_74 = tpu.vector_load_idx %arg8[%add3A_73] : memref<20000xf32, #tpu.memory_space<vmem>>[vector<16xi32>], vector<16xf32>,
      %gather3A_75 = tpu.vector_load_idx %arg9[%add3A_70] : memref<20000xf32, #tpu.memory_space<vmem>>[vector<16xi32>], vector<16xf32>,
      %add3A_76 = arith.constant 1 : i32
      %add3A_77 = vector.broadcast %add3A_76 : i32 to vector<16xi32>
      %add3A_78 = arith.addi %add3A_70, %add3A_77 : vector<16xi32>
      %gather3A_79 = tpu.vector_load_idx %arg9[%add3A_78] : memref<20000xf32, #tpu.memory_space<vmem>>[vector<16xi32>], vector<16xf32>,
      %add3A_80 = arith.addi %mul3A_2, %mul3A_65 : i32
      %add3A_81 = vector.broadcast %add3A_80 : i32 to vector<16xi32>
      %add3A_82 = arith.addi %add3A_81, %iota3A : vector<16xi32>
      %lt3A = arith.constant 170000 : i32
      %lt3A_83 = vector.broadcast %lt3A : i32 to vector<16xi32>
      %lt3A_84 = arith.cmpi slt, %add3A_82, %lt3A_83 : vector<16xi32>
      %add3A_85 = arith.addf %gather3A, %gather3A_75 : vector<16xf32>
      %mul3A_86 = arith.constant 2.000000e-01 : f32
      %mul3A_87 = vector.broadcast %mul3A_86 : f32 to vector<16xf32>
      %mul3A_88 = arith.mulf %mul3A_87, %add3A_85 : vector<16xf32>
      %max3A = arith.maximumf %add3A_85, %mul3A_88 : vector<16xf32>
      %exp3A = math.exp %max3A : vector<16xf32>
      %jit3A = arith.constant 0.000000e+00 : f32
      %broadcast_in_dim3A_89 = vector.broadcast %jit3A : f32 to vector<16xf32>
      %select_n3A = arith.select %lt3A_84, %exp3A, %broadcast_in_dim3A_89 : vector<16xi1>, vector<16xf32>
      %add3A_90 = arith.addf %gather3A_74, %gather3A_79 : vector<16xf32>
      %mul3A_91 = arith.constant 2.000000e-01 : f32
      %mul3A_92 = vector.broadcast %mul3A_91 : f32 to vector<16xf32>
      %mul3A_93 = arith.mulf %mul3A_92, %add3A_90 : vector<16xf32>
      %max3A_94 = arith.maximumf %add3A_90, %mul3A_93 : vector<16xf32>
      %exp3A_95 = math.exp %max3A_94 : vector<16xf32>
      %jit3A_96 = arith.constant 0.000000e+00 : f32
      %broadcast_in_dim3A_97 = vector.broadcast %jit3A_96 : f32 to vector<16xf32>
      %select_n3A_98 = arith.select %lt3A_84, %exp3A_95, %broadcast_in_dim3A_97 : vector<16xi1>, vector<16xf32>
      %swap3A = arith.index_cast %mul3A_65 : i32 to index
      %swap3A_99 = tpu.vector_load %arg14[%swap3A] {strides = array<i32>} : memref<5376xf32, #tpu.memory_space<vmem>>, vector<16xf32>,
      tpu.vector_store %arg14[%swap3A], %select_n3A {strides = array<i32>} : memref<5376xf32, #tpu.memory_space<vmem>>, vector<16xf32>,
      %swap3A_100 = arith.index_cast %mul3A_65 : i32 to index
      %swap3A_101 = tpu.vector_load %arg15[%swap3A_100] {strides = array<i32>} : memref<5376xf32, #tpu.memory_space<vmem>>, vector<16xf32>,
      tpu.vector_store %arg15[%swap3A_100], %select_n3A_98 {strides = array<i32>} : memref<5376xf32, #tpu.memory_space<vmem>>, vector<16xf32>,
      tpu.vector_store_idx %arg10[%get3A_68], %select_n3A {add = true} : memref<10240xf32, #tpu.memory_space<vmem>>[vector<16xi32>], vector<16xf32>,
      tpu.vector_store_idx %arg11[%get3A_68], %select_n3A_98 {add = true} : memref<10240xf32, #tpu.memory_space<vmem>>[vector<16xi32>], vector<16xf32>,
      %scan3A_102 = arith.constant 0 : i32
      scf.yield %scan3A_102 : i32
    }
    %scan3A_16 = arith.constant 336 : i32
    "tpu.region"() ({
      %run_scoped3A_62 = tpu.sem_alloc : memref<!tpu.dma_semaphore, #tpu.memory_space<semaphore_mem>>
      %dma_start3A = tpu.memref_slice %arg6[%mul3A_2] : memref<344064xf32, #tpu.memory_space<hbm>> -> memref<5376xf32, #tpu.memory_space<hbm>>
      %dma_start3A_63 = tpu.memref_slice %arg6[%mul3A_2] : memref<344064xf32, #tpu.memory_space<hbm>> -> memref<5376xf32, #tpu.memory_space<hbm>>
      tpu.enqueue_dma source(%arg14 : memref<5376xf32, #tpu.memory_space<vmem>>) target(%dma_start3A_63 : memref<5376xf32, #tpu.memory_space<hbm>>) target_semaphore(%run_scoped3A_62 : memref<!tpu.dma_semaphore, #tpu.memory_space<semaphore_mem>>)
      %dma_wait3A = tpu.memref_slice %arg6[%mul3A_2] : memref<344064xf32, #tpu.memory_space<hbm>> -> memref<5376xf32, #tpu.memory_space<hbm>>
      %dma_wait3A_64 = tpu.memref_slice %arg6[%mul3A_2] : memref<344064xf32, #tpu.memory_space<hbm>> -> memref<5376xf32, #tpu.memory_space<hbm>>
      tpu.wait_dma2 semaphore(%run_scoped3A_62 : memref<!tpu.dma_semaphore, #tpu.memory_space<semaphore_mem>>) src(%arg14 : memref<5376xf32, #tpu.memory_space<vmem>>) dst(%dma_wait3A_64 : memref<5376xf32, #tpu.memory_space<hbm>>)
      tpu.yield
    }) : () -> ()
    %add3A_17 = arith.constant 172032 : i32
    %add3A_18 = arith.addi %add3A_17, %mul3A_2 : i32
    "tpu.region"() ({
      %run_scoped3A_62 = tpu.sem_alloc : memref<!tpu.dma_semaphore, #tpu.memory_space<semaphore_mem>>
      %dma_start3A = tpu.memref_slice %arg6[%add3A_18] : memref<344064xf32, #tpu.memory_space<hbm>> -> memref<5376xf32, #tpu.memory_space<hbm>>
      %dma_start3A_63 = tpu.memref_slice %arg6[%add3A_18] : memref<344064xf32, #tpu.memory_space<hbm>> -> memref<5376xf32, #tpu.memory_space<hbm>>
      tpu.enqueue_dma source(%arg15 : memref<5376xf32, #tpu.memory_space<vmem>>) target(%dma_start3A_63 : memref<5376xf32, #tpu.memory_space<hbm>>) target_semaphore(%run_scoped3A_62 : memref<!tpu.dma_semaphore, #tpu.memory_space<semaphore_mem>>)
      %dma_wait3A = tpu.memref_slice %arg6[%add3A_18] : memref<344064xf32, #tpu.memory_space<hbm>> -> memref<5376xf32, #tpu.memory_space<hbm>>
      %dma_wait3A_64 = tpu.memref_slice %arg6[%add3A_18] : memref<344064xf32, #tpu.memory_space<hbm>> -> memref<5376xf32, #tpu.memory_space<hbm>>
      tpu.wait_dma2 semaphore(%run_scoped3A_62 : memref<!tpu.dma_semaphore, #tpu.memory_space<semaphore_mem>>) src(%arg15 : memref<5376xf32, #tpu.memory_space<vmem>>) dst(%dma_wait3A_64 : memref<5376xf32, #tpu.memory_space<hbm>>)
      tpu.yield
    }) : () -> ()
    %run_scoped3A = arith.constant 0 : i32
    "tpu.region"() ({
      %run_scoped3A_62 = tpu.sem_alloc : memref<!tpu.dma_semaphore, #tpu.memory_space<semaphore_mem>>
      %dma_start3A = arith.constant 0 : i32
      %dma_start3A_63 = tpu.memref_slice %arg18[%arg1, %run_scoped3A, %dma_start3A] : memref<16x2x10240xf32, #tpu.memory_space<vmem_shared>> -> memref<1x1x10240xf32, #tpu.memory_space<vmem_shared>>
      %dma_start3A_64 = tpu.memref_squeeze %dma_start3A_63 : memref<1x1x10240xf32, #tpu.memory_space<vmem_shared>> -> memref<10240xf32, #tpu.memory_space<vmem_shared>>
      %dma_start3A_65 = arith.constant 0 : i32
      %dma_start3A_66 = tpu.memref_slice %arg18[%arg1, %run_scoped3A, %dma_start3A_65] : memref<16x2x10240xf32, #tpu.memory_space<vmem_shared>> -> memref<1x1x10240xf32, #tpu.memory_space<vmem_shared>>
      %dma_start3A_67 = tpu.memref_squeeze %dma_start3A_66 : memref<1x1x10240xf32, #tpu.memory_space<vmem_shared>> -> memref<10240xf32, #tpu.memory_space<vmem_shared>>
      tpu.enqueue_dma source(%arg10 : memref<10240xf32, #tpu.memory_space<vmem>>) target(%dma_start3A_67 : memref<10240xf32, #tpu.memory_space<vmem_shared>>) target_semaphore(%run_scoped3A_62 : memref<!tpu.dma_semaphore, #tpu.memory_space<semaphore_mem>>)
      %dma_wait3A = arith.constant 0 : i32
      %dma_wait3A_68 = tpu.memref_slice %arg18[%arg1, %run_scoped3A, %dma_wait3A] : memref<16x2x10240xf32, #tpu.memory_space<vmem_shared>> -> memref<1x1x10240xf32, #tpu.memory_space<vmem_shared>>
      %dma_wait3A_69 = tpu.memref_squeeze %dma_wait3A_68 : memref<1x1x10240xf32, #tpu.memory_space<vmem_shared>> -> memref<10240xf32, #tpu.memory_space<vmem_shared>>
      %dma_wait3A_70 = arith.constant 0 : i32
      %dma_wait3A_71 = tpu.memref_slice %arg18[%arg1, %run_scoped3A, %dma_wait3A_70] : memref<16x2x10240xf32, #tpu.memory_space<vmem_shared>> -> memref<1x1x10240xf32, #tpu.memory_space<vmem_shared>>
      %dma_wait3A_72 = tpu.memref_squeeze %dma_wait3A_71 : memref<1x1x10240xf32, #tpu.memory_space<vmem_shared>> -> memref<10240xf32, #tpu.memory_space<vmem_shared>>
      tpu.wait_dma2 semaphore(%run_scoped3A_62 : memref<!tpu.dma_semaphore, #tpu.memory_space<semaphore_mem>>) src(%arg10 : memref<10240xf32, #tpu.memory_space<vmem>>) dst(%dma_wait3A_72 : memref<10240xf32, #tpu.memory_space<vmem_shared>>)
      tpu.yield
    }) : () -> ()
    %run_scoped3A_19 = arith.constant 1 : i32
    "tpu.region"() ({
      %run_scoped3A_62 = tpu.sem_alloc : memref<!tpu.dma_semaphore, #tpu.memory_space<semaphore_mem>>
      %dma_start3A = arith.constant 0 : i32
      %dma_start3A_63 = tpu.memref_slice %arg18[%arg1, %run_scoped3A_19, %dma_start3A] : memref<16x2x10240xf32, #tpu.memory_space<vmem_shared>> -> memref<1x1x10240xf32, #tpu.memory_space<vmem_shared>>
      %dma_start3A_64 = tpu.memref_squeeze %dma_start3A_63 : memref<1x1x10240xf32, #tpu.memory_space<vmem_shared>> -> memref<10240xf32, #tpu.memory_space<vmem_shared>>
      %dma_start3A_65 = arith.constant 0 : i32
      %dma_start3A_66 = tpu.memref_slice %arg18[%arg1, %run_scoped3A_19, %dma_start3A_65] : memref<16x2x10240xf32, #tpu.memory_space<vmem_shared>> -> memref<1x1x10240xf32, #tpu.memory_space<vmem_shared>>
      %dma_start3A_67 = tpu.memref_squeeze %dma_start3A_66 : memref<1x1x10240xf32, #tpu.memory_space<vmem_shared>> -> memref<10240xf32, #tpu.memory_space<vmem_shared>>
      tpu.enqueue_dma source(%arg11 : memref<10240xf32, #tpu.memory_space<vmem>>) target(%dma_start3A_67 : memref<10240xf32, #tpu.memory_space<vmem_shared>>) target_semaphore(%run_scoped3A_62 : memref<!tpu.dma_semaphore, #tpu.memory_space<semaphore_mem>>)
      %dma_wait3A = arith.constant 0 : i32
      %dma_wait3A_68 = tpu.memref_slice %arg18[%arg1, %run_scoped3A_19, %dma_wait3A] : memref<16x2x10240xf32, #tpu.memory_space<vmem_shared>> -> memref<1x1x10240xf32, #tpu.memory_space<vmem_shared>>
      %dma_wait3A_69 = tpu.memref_squeeze %dma_wait3A_68 : memref<1x1x10240xf32, #tpu.memory_space<vmem_shared>> -> memref<10240xf32, #tpu.memory_space<vmem_shared>>
      %dma_wait3A_70 = arith.constant 0 : i32
      %dma_wait3A_71 = tpu.memref_slice %arg18[%arg1, %run_scoped3A_19, %dma_wait3A_70] : memref<16x2x10240xf32, #tpu.memory_space<vmem_shared>> -> memref<1x1x10240xf32, #tpu.memory_space<vmem_shared>>
      %dma_wait3A_72 = tpu.memref_squeeze %dma_wait3A_71 : memref<1x1x10240xf32, #tpu.memory_space<vmem_shared>> -> memref<10240xf32, #tpu.memory_space<vmem_shared>>
      tpu.wait_dma2 semaphore(%run_scoped3A_62 : memref<!tpu.dma_semaphore, #tpu.memory_space<semaphore_mem>>) src(%arg11 : memref<10240xf32, #tpu.memory_space<vmem>>) dst(%dma_wait3A_72 : memref<10240xf32, #tpu.memory_space<vmem_shared>>)
      tpu.yield
    }) : () -> ()
    %barrier3A = arith.constant 0 : index
    tpu.barrier barrier_id(%barrier3A)
    %mul3A_20 = arith.constant 640 : i32
    %mul3A_21 = arith.muli %arg1, %mul3A_20 : i32
    %scan3A_22 = arith.constant 0 : i32
    %scan3A_23 = arith.constant 0 : i32
    %scan3A_24 = arith.constant 40 : i32
    %scan3A_25 = arith.addi %scan3A_23, %scan3A_24 : i32
    %scan3A_26 = arith.constant 1 : i32
    %scan3A_27 = scf.for %scan3A_62 = %scan3A_23 to %scan3A_25 step %scan3A_26 iter_args(%scan3A_63 = %scan3A_22) -> (i32)  : i32 {
      %mul3A_64 = arith.constant 16 : i32
      %mul3A_65 = arith.muli %scan3A_62, %mul3A_64 : i32
      %swap3A = arith.index_cast %mul3A_65 : i32 to index
      %swap3A_66 = tpu.vector_load %arg16[%swap3A] {strides = array<i32>} : memref<640xf32, #tpu.memory_space<vmem>>, vector<16xf32>,
      tpu.vector_store %arg16[%swap3A], %broadcast_in_dim3A_3 {strides = array<i32>} : memref<640xf32, #tpu.memory_space<vmem>>, vector<16xf32>,
      %scan3A_67 = arith.constant 0 : i32
      scf.yield %scan3A_67 : i32
    }
    %scan3A_28 = arith.constant 40 : i32
    %scan3A_29 = arith.constant 0 : i32
    %scan3A_30 = arith.constant 0 : i32
    %scan3A_31 = arith.constant 16 : i32
    %scan3A_32 = arith.addi %scan3A_30, %scan3A_31 : i32
    %scan3A_33 = arith.constant 1 : i32
    %scan3A_34 = scf.for %scan3A_62 = %scan3A_30 to %scan3A_32 step %scan3A_33 iter_args(%scan3A_63 = %scan3A_29) -> (i32)  : i32 {
      %run_scoped3A_64 = arith.constant 0 : i32
      "tpu.region"() ({
        %run_scoped3A_73 = tpu.sem_alloc : memref<!tpu.dma_semaphore, #tpu.memory_space<semaphore_mem>>
        %dma_start3A = tpu.memref_slice %arg18[%scan3A_62, %run_scoped3A_64, %mul3A_21] : memref<16x2x10240xf32, #tpu.memory_space<vmem_shared>> -> memref<1x1x640xf32, #tpu.memory_space<vmem_shared>>
        %dma_start3A_74 = tpu.memref_squeeze %dma_start3A : memref<1x1x640xf32, #tpu.memory_space<vmem_shared>> -> memref<640xf32, #tpu.memory_space<vmem_shared>>
        %dma_start3A_75 = tpu.memref_slice %arg18[%scan3A_62, %run_scoped3A_64, %mul3A_21] : memref<16x2x10240xf32, #tpu.memory_space<vmem_shared>> -> memref<1x1x640xf32, #tpu.memory_space<vmem_shared>>
        %dma_start3A_76 = tpu.memref_squeeze %dma_start3A_75 : memref<1x1x640xf32, #tpu.memory_space<vmem_shared>> -> memref<640xf32, #tpu.memory_space<vmem_shared>>
        tpu.enqueue_dma source(%dma_start3A_76 : memref<640xf32, #tpu.memory_space<vmem_shared>>) target(%arg17 : memref<640xf32, #tpu.memory_space<vmem>>) target_semaphore(%run_scoped3A_73 : memref<!tpu.dma_semaphore, #tpu.memory_space<semaphore_mem>>)
        %dma_wait3A = tpu.memref_slice %arg18[%scan3A_62, %run_scoped3A_64, %mul3A_21] : memref<16x2x10240xf32, #tpu.memory_space<vmem_shared>> -> memref<1x1x640xf32, #tpu.memory_space<vmem_shared>>
        %dma_wait3A_77 = tpu.memref_squeeze %dma_wait3A : memref<1x1x640xf32, #tpu.memory_space<vmem_shared>> -> memref<640xf32, #tpu.memory_space<vmem_shared>>
        %dma_wait3A_78 = tpu.memref_slice %arg18[%scan3A_62, %run_scoped3A_64, %mul3A_21] : memref<16x2x10240xf32, #tpu.memory_space<vmem_shared>> -> memref<1x1x640xf32, #tpu.memory_space<vmem_shared>>
        %dma_wait3A_79 = tpu.memref_squeeze %dma_wait3A_78 : memref<1x1x640xf32, #tpu.memory_space<vmem_shared>> -> memref<640xf32, #tpu.memory_space<vmem_shared>>
        tpu.wait_dma2 semaphore(%run_scoped3A_73 : memref<!tpu.dma_semaphore, #tpu.memory_space<semaphore_mem>>) src(%dma_wait3A_79 : memref<640xf32, #tpu.memory_space<vmem_shared>>) dst(%arg17 : memref<640xf32, #tpu.memory_space<vmem>>)
        tpu.yield
      }) : () -> ()
      %scan3A_65 = arith.constant 0 : i32
      %scan3A_66 = arith.constant 0 : i32
      %scan3A_67 = arith.constant 40 : i32
      %scan3A_68 = arith.addi %scan3A_66, %scan3A_67 : i32
      %scan3A_69 = arith.constant 1 : i32
      %scan3A_70 = scf.for %scan3A_73 = %scan3A_66 to %scan3A_68 step %scan3A_69 iter_args(%scan3A_74 = %scan3A_65) -> (i32)  : i32 {
        %mul3A_75 = arith.constant 16 : i32
        %mul3A_76 = arith.muli %scan3A_73, %mul3A_75 : i32
        %get3A = arith.index_cast %mul3A_76 : i32 to index
        %get3A_77 = tpu.vector_load %arg16[%get3A] {strides = array<i32>} : memref<640xf32, #tpu.memory_space<vmem>>, vector<16xf32>,
        %get3A_78 = arith.index_cast %mul3A_76 : i32 to index
        %get3A_79 = tpu.vector_load %arg17[%get3A_78] {strides = array<i32>} : memref<640xf32, #tpu.memory_space<vmem>>, vector<16xf32>,
        %add3A_80 = arith.addf %get3A_77, %get3A_79 : vector<16xf32>
        %swap3A = arith.index_cast %mul3A_76 : i32 to index
        %swap3A_81 = tpu.vector_load %arg16[%swap3A] {strides = array<i32>} : memref<640xf32, #tpu.memory_space<vmem>>, vector<16xf32>,
        tpu.vector_store %arg16[%swap3A], %add3A_80 {strides = array<i32>} : memref<640xf32, #tpu.memory_space<vmem>>, vector<16xf32>,
        %scan3A_82 = arith.constant 0 : i32
        scf.yield %scan3A_82 : i32
      }
      %scan3A_71 = arith.constant 40 : i32
      %scan3A_72 = arith.constant 0 : i32
      scf.yield %scan3A_72 : i32
    }
    %scan3A_35 = arith.constant 16 : i32
    %add3A_36 = arith.addi %arg0, %arg0 : i32
    %add3A_37 = arith.constant 0 : i32
    %add3A_38 = arith.addi %add3A_36, %add3A_37 : i32
    %mul3A_39 = arith.constant 10240 : i32
    %mul3A_40 = arith.muli %add3A_38, %mul3A_39 : i32
    %add3A_41 = arith.addi %mul3A_40, %mul3A_21 : i32
    "tpu.region"() ({
      %run_scoped3A_62 = tpu.sem_alloc : memref<!tpu.dma_semaphore, #tpu.memory_space<semaphore_mem>>
      %dma_start3A = tpu.memref_slice %arg7[%add3A_41] : memref<40960xf32, #tpu.memory_space<hbm>> -> memref<640xf32, #tpu.memory_space<hbm>>
      %dma_start3A_63 = tpu.memref_slice %arg7[%add3A_41] : memref<40960xf32, #tpu.memory_space<hbm>> -> memref<640xf32, #tpu.memory_space<hbm>>
      tpu.enqueue_dma source(%arg16 : memref<640xf32, #tpu.memory_space<vmem>>) target(%dma_start3A_63 : memref<640xf32, #tpu.memory_space<hbm>>) target_semaphore(%run_scoped3A_62 : memref<!tpu.dma_semaphore, #tpu.memory_space<semaphore_mem>>)
      %dma_wait3A = tpu.memref_slice %arg7[%add3A_41] : memref<40960xf32, #tpu.memory_space<hbm>> -> memref<640xf32, #tpu.memory_space<hbm>>
      %dma_wait3A_64 = tpu.memref_slice %arg7[%add3A_41] : memref<40960xf32, #tpu.memory_space<hbm>> -> memref<640xf32, #tpu.memory_space<hbm>>
      tpu.wait_dma2 semaphore(%run_scoped3A_62 : memref<!tpu.dma_semaphore, #tpu.memory_space<semaphore_mem>>) src(%arg16 : memref<640xf32, #tpu.memory_space<vmem>>) dst(%dma_wait3A_64 : memref<640xf32, #tpu.memory_space<hbm>>)
      tpu.yield
    }) : () -> ()
    %scan3A_42 = arith.constant 0 : i32
    %scan3A_43 = arith.constant 0 : i32
    %scan3A_44 = arith.constant 40 : i32
    %scan3A_45 = arith.addi %scan3A_43, %scan3A_44 : i32
    %scan3A_46 = arith.constant 1 : i32
    %scan3A_47 = scf.for %scan3A_62 = %scan3A_43 to %scan3A_45 step %scan3A_46 iter_args(%scan3A_63 = %scan3A_42) -> (i32)  : i32 {
      %mul3A_64 = arith.constant 16 : i32
      %mul3A_65 = arith.muli %scan3A_62, %mul3A_64 : i32
      %swap3A = arith.index_cast %mul3A_65 : i32 to index
      %swap3A_66 = tpu.vector_load %arg16[%swap3A] {strides = array<i32>} : memref<640xf32, #tpu.memory_space<vmem>>, vector<16xf32>,
      tpu.vector_store %arg16[%swap3A], %broadcast_in_dim3A_3 {strides = array<i32>} : memref<640xf32, #tpu.memory_space<vmem>>, vector<16xf32>,
      %scan3A_67 = arith.constant 0 : i32
      scf.yield %scan3A_67 : i32
    }
    %scan3A_48 = arith.constant 40 : i32
    %scan3A_49 = arith.constant 0 : i32
    %scan3A_50 = arith.constant 0 : i32
    %scan3A_51 = arith.constant 16 : i32
    %scan3A_52 = arith.addi %scan3A_50, %scan3A_51 : i32
    %scan3A_53 = arith.constant 1 : i32
    %scan3A_54 = scf.for %scan3A_62 = %scan3A_50 to %scan3A_52 step %scan3A_53 iter_args(%scan3A_63 = %scan3A_49) -> (i32)  : i32 {
      %run_scoped3A_64 = arith.constant 1 : i32
      "tpu.region"() ({
        %run_scoped3A_73 = tpu.sem_alloc : memref<!tpu.dma_semaphore, #tpu.memory_space<semaphore_mem>>
        %dma_start3A = tpu.memref_slice %arg18[%scan3A_62, %run_scoped3A_64, %mul3A_21] : memref<16x2x10240xf32, #tpu.memory_space<vmem_shared>> -> memref<1x1x640xf32, #tpu.memory_space<vmem_shared>>
        %dma_start3A_74 = tpu.memref_squeeze %dma_start3A : memref<1x1x640xf32, #tpu.memory_space<vmem_shared>> -> memref<640xf32, #tpu.memory_space<vmem_shared>>
        %dma_start3A_75 = tpu.memref_slice %arg18[%scan3A_62, %run_scoped3A_64, %mul3A_21] : memref<16x2x10240xf32, #tpu.memory_space<vmem_shared>> -> memref<1x1x640xf32, #tpu.memory_space<vmem_shared>>
        %dma_start3A_76 = tpu.memref_squeeze %dma_start3A_75 : memref<1x1x640xf32, #tpu.memory_space<vmem_shared>> -> memref<640xf32, #tpu.memory_space<vmem_shared>>
        tpu.enqueue_dma source(%dma_start3A_76 : memref<640xf32, #tpu.memory_space<vmem_shared>>) target(%arg17 : memref<640xf32, #tpu.memory_space<vmem>>) target_semaphore(%run_scoped3A_73 : memref<!tpu.dma_semaphore, #tpu.memory_space<semaphore_mem>>)
        %dma_wait3A = tpu.memref_slice %arg18[%scan3A_62, %run_scoped3A_64, %mul3A_21] : memref<16x2x10240xf32, #tpu.memory_space<vmem_shared>> -> memref<1x1x640xf32, #tpu.memory_space<vmem_shared>>
        %dma_wait3A_77 = tpu.memref_squeeze %dma_wait3A : memref<1x1x640xf32, #tpu.memory_space<vmem_shared>> -> memref<640xf32, #tpu.memory_space<vmem_shared>>
        %dma_wait3A_78 = tpu.memref_slice %arg18[%scan3A_62, %run_scoped3A_64, %mul3A_21] : memref<16x2x10240xf32, #tpu.memory_space<vmem_shared>> -> memref<1x1x640xf32, #tpu.memory_space<vmem_shared>>
        %dma_wait3A_79 = tpu.memref_squeeze %dma_wait3A_78 : memref<1x1x640xf32, #tpu.memory_space<vmem_shared>> -> memref<640xf32, #tpu.memory_space<vmem_shared>>
        tpu.wait_dma2 semaphore(%run_scoped3A_73 : memref<!tpu.dma_semaphore, #tpu.memory_space<semaphore_mem>>) src(%dma_wait3A_79 : memref<640xf32, #tpu.memory_space<vmem_shared>>) dst(%arg17 : memref<640xf32, #tpu.memory_space<vmem>>)
        tpu.yield
      }) : () -> ()
      %scan3A_65 = arith.constant 0 : i32
      %scan3A_66 = arith.constant 0 : i32
      %scan3A_67 = arith.constant 40 : i32
      %scan3A_68 = arith.addi %scan3A_66, %scan3A_67 : i32
      %scan3A_69 = arith.constant 1 : i32
      %scan3A_70 = scf.for %scan3A_73 = %scan3A_66 to %scan3A_68 step %scan3A_69 iter_args(%scan3A_74 = %scan3A_65) -> (i32)  : i32 {
        %mul3A_75 = arith.constant 16 : i32
        %mul3A_76 = arith.muli %scan3A_73, %mul3A_75 : i32
        %get3A = arith.index_cast %mul3A_76 : i32 to index
        %get3A_77 = tpu.vector_load %arg16[%get3A] {strides = array<i32>} : memref<640xf32, #tpu.memory_space<vmem>>, vector<16xf32>,
        %get3A_78 = arith.index_cast %mul3A_76 : i32 to index
        %get3A_79 = tpu.vector_load %arg17[%get3A_78] {strides = array<i32>} : memref<640xf32, #tpu.memory_space<vmem>>, vector<16xf32>,
        %add3A_80 = arith.addf %get3A_77, %get3A_79 : vector<16xf32>
        %swap3A = arith.index_cast %mul3A_76 : i32 to index
        %swap3A_81 = tpu.vector_load %arg16[%swap3A] {strides = array<i32>} : memref<640xf32, #tpu.memory_space<vmem>>, vector<16xf32>,
        tpu.vector_store %arg16[%swap3A], %add3A_80 {strides = array<i32>} : memref<640xf32, #tpu.memory_space<vmem>>, vector<16xf32>,
        %scan3A_82 = arith.constant 0 : i32
        scf.yield %scan3A_82 : i32
      }
      %scan3A_71 = arith.constant 40 : i32
      %scan3A_72 = arith.constant 0 : i32
      scf.yield %scan3A_72 : i32
    }
    %scan3A_55 = arith.constant 16 : i32
    %add3A_56 = arith.addi %arg0, %arg0 : i32
    %add3A_57 = arith.constant 1 : i32
    %add3A_58 = arith.addi %add3A_56, %add3A_57 : i32
    %mul3A_59 = arith.constant 10240 : i32
    %mul3A_60 = arith.muli %add3A_58, %mul3A_59 : i32
    %add3A_61 = arith.addi %mul3A_60, %mul3A_21 : i32
    "tpu.region"() ({
      %run_scoped3A_62 = tpu.sem_alloc : memref<!tpu.dma_semaphore, #tpu.memory_space<semaphore_mem>>
      %dma_start3A = tpu.memref_slice %arg7[%add3A_61] : memref<40960xf32, #tpu.memory_space<hbm>> -> memref<640xf32, #tpu.memory_space<hbm>>
      %dma_start3A_63 = tpu.memref_slice %arg7[%add3A_61] : memref<40960xf32, #tpu.memory_space<hbm>> -> memref<640xf32, #tpu.memory_space<hbm>>
      tpu.enqueue_dma source(%arg16 : memref<640xf32, #tpu.memory_space<vmem>>) target(%dma_start3A_63 : memref<640xf32, #tpu.memory_space<hbm>>) target_semaphore(%run_scoped3A_62 : memref<!tpu.dma_semaphore, #tpu.memory_space<semaphore_mem>>)
      %dma_wait3A = tpu.memref_slice %arg7[%add3A_61] : memref<40960xf32, #tpu.memory_space<hbm>> -> memref<640xf32, #tpu.memory_space<hbm>>
      %dma_wait3A_64 = tpu.memref_slice %arg7[%add3A_61] : memref<40960xf32, #tpu.memory_space<hbm>> -> memref<640xf32, #tpu.memory_space<hbm>>
      tpu.wait_dma2 semaphore(%run_scoped3A_62 : memref<!tpu.dma_semaphore, #tpu.memory_space<semaphore_mem>>) src(%arg16 : memref<640xf32, #tpu.memory_space<vmem>>) dst(%dma_wait3A_64 : memref<640xf32, #tpu.memory_space<hbm>>)
      tpu.yield
    }) : () -> ()
    return
  }
}

#map = affine_map<(d0, d1) -> (0, 0, 0)>
#map1 = affine_map<(d0, d1) -> (0)>
module attributes {stable_mosaic.version = 14 : i64} {
  func.func @k(%arg0: i32, %arg1: i32, %arg2: memref<2x10000x256xf32, #tpu.memory_space<hbm>>, %arg3: memref<172032xi32, #tpu.memory_space<hbm>>, %arg4: memref<172032xi32, #tpu.memory_space<hbm>>, %arg5: memref<344064xf32, #tpu.memory_space<hbm>>, %arg6: memref<40960xf32, #tpu.memory_space<hbm>>, %arg7: memref<5242880xf32, #tpu.memory_space<hbm>>, %arg8: memref<344064xf32, #tpu.memory_space<hbm>>, %arg9: memref<10000xf32, #tpu.memory_space<vmem>>, %arg10: memref<2000xf32, #tpu.memory_space<vmem>>, %arg11: memref<1344xi32, #tpu.memory_space<vmem>>, %arg12: memref<1344xi32, #tpu.memory_space<vmem>>, %arg13: memref<1344xf32, #tpu.memory_space<vmem>>, %arg14: memref<83968xf32, #tpu.memory_space<vmem>>, %arg15: memref<32x64xi32, #tpu.memory_space<vmem>>, %arg16: memref<2048xi32, #tpu.memory_space<vmem>>, %arg17: memref<2048xf32, #tpu.memory_space<vmem>>, %arg18: memref<64x256xf32, #tpu.memory_space<vmem>>, %arg19: memref<!tpu.dma_semaphore, #tpu.memory_space<semaphore_mem>>) attributes {dimension_semantics = [#tpu.dimension_semantics<core_parallel>, #tpu.dimension_semantics<subcore_parallel>], iteration_bounds = array<i64: 2, 16>, scalar_prefetch = 0 : i64, scratch_operands = 11 : i64, tpu.core_type = #tpu.core_type<sc_vector_subcore>, window_params = [{transform_indices = #map}, {transform_indices = #map1}, {transform_indices = #map1}, {transform_indices = #map1}, {transform_indices = #map1}, {transform_indices = #map1}, {transform_indices = #map1}]} {
    %broadcast_in_dim3A = arith.constant 0.000000e+00 : f32
    %broadcast_in_dim3A_0 = vector.broadcast %broadcast_in_dim3A : f32 to vector<16xf32>
    %broadcast_in_dim3A_1 = arith.constant 0 : i32
    %broadcast_in_dim3A_2 = vector.broadcast %broadcast_in_dim3A_1 : i32 to vector<16xi32>
    %iota3A = tpu.iota {dimensions = array<i32: 0>} : vector<16xi32>
    %mul3A = arith.constant 10240 : i32
    %mul3A_3 = arith.muli %arg0, %mul3A : i32
    "tpu.region"() ({
      %run_scoped3A = tpu.sem_alloc : memref<!tpu.dma_semaphore, #tpu.memory_space<semaphore_mem>>
      %dma_start3A = tpu.memref_slice %arg6[%mul3A_3] : memref<40960xf32, #tpu.memory_space<hbm>> -> memref<10000xf32, #tpu.memory_space<hbm>>
      %dma_start3A_276 = tpu.memref_slice %arg6[%mul3A_3] : memref<40960xf32, #tpu.memory_space<hbm>> -> memref<10000xf32, #tpu.memory_space<hbm>>
      tpu.enqueue_dma source(%dma_start3A_276 : memref<10000xf32, #tpu.memory_space<hbm>>) target(%arg9 : memref<10000xf32, #tpu.memory_space<vmem>>) target_semaphore(%run_scoped3A : memref<!tpu.dma_semaphore, #tpu.memory_space<semaphore_mem>>)
      %dma_wait3A = tpu.memref_slice %arg6[%mul3A_3] : memref<40960xf32, #tpu.memory_space<hbm>> -> memref<10000xf32, #tpu.memory_space<hbm>>
      %dma_wait3A_277 = tpu.memref_slice %arg6[%mul3A_3] : memref<40960xf32, #tpu.memory_space<hbm>> -> memref<10000xf32, #tpu.memory_space<hbm>>
      tpu.wait_dma2 semaphore(%run_scoped3A : memref<!tpu.dma_semaphore, #tpu.memory_space<semaphore_mem>>) src(%dma_wait3A_277 : memref<10000xf32, #tpu.memory_space<hbm>>) dst(%arg9 : memref<10000xf32, #tpu.memory_space<vmem>>)
      tpu.yield
    }) : () -> ()
    %add3A = arith.constant 2 : i32
    %add3A_4 = arith.addi %arg0, %add3A : i32
    %mul3A_5 = arith.constant 10240 : i32
    %mul3A_6 = arith.muli %add3A_4, %mul3A_5 : i32
    %add3A_7 = arith.constant 0 : i32
    %add3A_8 = arith.addi %mul3A_6, %add3A_7 : i32
    "tpu.region"() ({
      %run_scoped3A = tpu.sem_alloc : memref<!tpu.dma_semaphore, #tpu.memory_space<semaphore_mem>>
      %dma_start3A = tpu.memref_slice %arg6[%add3A_8] : memref<40960xf32, #tpu.memory_space<hbm>> -> memref<2000xf32, #tpu.memory_space<hbm>>
      %dma_start3A_276 = tpu.memref_slice %arg6[%add3A_8] : memref<40960xf32, #tpu.memory_space<hbm>> -> memref<2000xf32, #tpu.memory_space<hbm>>
      tpu.enqueue_dma source(%dma_start3A_276 : memref<2000xf32, #tpu.memory_space<hbm>>) target(%arg10 : memref<2000xf32, #tpu.memory_space<vmem>>) target_semaphore(%run_scoped3A : memref<!tpu.dma_semaphore, #tpu.memory_space<semaphore_mem>>)
      %dma_wait3A = tpu.memref_slice %arg6[%add3A_8] : memref<40960xf32, #tpu.memory_space<hbm>> -> memref<2000xf32, #tpu.memory_space<hbm>>
      %dma_wait3A_277 = tpu.memref_slice %arg6[%add3A_8] : memref<40960xf32, #tpu.memory_space<hbm>> -> memref<2000xf32, #tpu.memory_space<hbm>>
      tpu.wait_dma2 semaphore(%run_scoped3A : memref<!tpu.dma_semaphore, #tpu.memory_space<semaphore_mem>>) src(%dma_wait3A_277 : memref<2000xf32, #tpu.memory_space<hbm>>) dst(%arg10 : memref<2000xf32, #tpu.memory_space<vmem>>)
      tpu.yield
    }) : () -> ()
    %scan3A = arith.constant 0 : i32
    %scan3A_9 = arith.constant 0 : i32
    %scan3A_10 = arith.constant 125 : i32
    %scan3A_11 = arith.addi %scan3A_9, %scan3A_10 : i32
    %scan3A_12 = arith.constant 1 : i32
    %scan3A_13 = scf.for %scan3A_276 = %scan3A_9 to %scan3A_11 step %scan3A_12 iter_args(%scan3A_277 = %scan3A) -> (i32)  : i32 {
      %mul3A_278 = arith.constant 16 : i32
      %mul3A_279 = arith.muli %scan3A_276, %mul3A_278 : i32
      %add3A_280 = arith.constant 0 : i32
      %add3A_281 = arith.addi %add3A_280, %mul3A_279 : i32
      %get3A = arith.index_cast %add3A_281 : i32 to index
      %get3A_282 = tpu.vector_load %arg9[%get3A] {strides = array<i32>} : memref<10000xf32, #tpu.memory_space<vmem>>, vector<16xf32>,
      %mul3A_283 = arith.constant 16 : i32
      %mul3A_284 = arith.muli %scan3A_276, %mul3A_283 : i32
      %get3A_285 = arith.index_cast %mul3A_284 : i32 to index
      %get3A_286 = tpu.vector_load %arg10[%get3A_285] {strides = array<i32>} : memref<2000xf32, #tpu.memory_space<vmem>>, vector<16xf32>,
      %add3A_287 = arith.addf %get3A_282, %get3A_286 : vector<16xf32>
      %swap3A = arith.index_cast %add3A_281 : i32 to index
      %swap3A_288 = tpu.vector_load %arg9[%swap3A] {strides = array<i32>} : memref<10000xf32, #tpu.memory_space<vmem>>, vector<16xf32>,
      tpu.vector_store %arg9[%swap3A], %add3A_287 {strides = array<i32>} : memref<10000xf32, #tpu.memory_space<vmem>>, vector<16xf32>,
      %scan3A_289 = arith.constant 0 : i32
      scf.yield %scan3A_289 : i32
    }
    %scan3A_14 = arith.constant 125 : i32
    %add3A_15 = arith.constant 2 : i32
    %add3A_16 = arith.addi %arg0, %add3A_15 : i32
    %mul3A_17 = arith.constant 10240 : i32
    %mul3A_18 = arith.muli %add3A_16, %mul3A_17 : i32
    %add3A_19 = arith.constant 2000 : i32
    %add3A_20 = arith.addi %mul3A_18, %add3A_19 : i32
    "tpu.region"() ({
      %run_scoped3A = tpu.sem_alloc : memref<!tpu.dma_semaphore, #tpu.memory_space<semaphore_mem>>
      %dma_start3A = tpu.memref_slice %arg6[%add3A_20] : memref<40960xf32, #tpu.memory_space<hbm>> -> memref<2000xf32, #tpu.memory_space<hbm>>
      %dma_start3A_276 = tpu.memref_slice %arg6[%add3A_20] : memref<40960xf32, #tpu.memory_space<hbm>> -> memref<2000xf32, #tpu.memory_space<hbm>>
      tpu.enqueue_dma source(%dma_start3A_276 : memref<2000xf32, #tpu.memory_space<hbm>>) target(%arg10 : memref<2000xf32, #tpu.memory_space<vmem>>) target_semaphore(%run_scoped3A : memref<!tpu.dma_semaphore, #tpu.memory_space<semaphore_mem>>)
      %dma_wait3A = tpu.memref_slice %arg6[%add3A_20] : memref<40960xf32, #tpu.memory_space<hbm>> -> memref<2000xf32, #tpu.memory_space<hbm>>
      %dma_wait3A_277 = tpu.memref_slice %arg6[%add3A_20] : memref<40960xf32, #tpu.memory_space<hbm>> -> memref<2000xf32, #tpu.memory_space<hbm>>
      tpu.wait_dma2 semaphore(%run_scoped3A : memref<!tpu.dma_semaphore, #tpu.memory_space<semaphore_mem>>) src(%dma_wait3A_277 : memref<2000xf32, #tpu.memory_space<hbm>>) dst(%arg10 : memref<2000xf32, #tpu.memory_space<vmem>>)
      tpu.yield
    }) : () -> ()
    %scan3A_21 = arith.constant 0 : i32
    %scan3A_22 = arith.constant 0 : i32
    %scan3A_23 = arith.constant 125 : i32
    %scan3A_24 = arith.addi %scan3A_22, %scan3A_23 : i32
    %scan3A_25 = arith.constant 1 : i32
    %scan3A_26 = scf.for %scan3A_276 = %scan3A_22 to %scan3A_24 step %scan3A_25 iter_args(%scan3A_277 = %scan3A_21) -> (i32)  : i32 {
      %mul3A_278 = arith.constant 16 : i32
      %mul3A_279 = arith.muli %scan3A_276, %mul3A_278 : i32
      %add3A_280 = arith.constant 2000 : i32
      %add3A_281 = arith.addi %add3A_280, %mul3A_279 : i32
      %get3A = arith.index_cast %add3A_281 : i32 to index
      %get3A_282 = tpu.vector_load %arg9[%get3A] {strides = array<i32>} : memref<10000xf32, #tpu.memory_space<vmem>>, vector<16xf32>,
      %mul3A_283 = arith.constant 16 : i32
      %mul3A_284 = arith.muli %scan3A_276, %mul3A_283 : i32
      %get3A_285 = arith.index_cast %mul3A_284 : i32 to index
      %get3A_286 = tpu.vector_load %arg10[%get3A_285] {strides = array<i32>} : memref<2000xf32, #tpu.memory_space<vmem>>, vector<16xf32>,
      %add3A_287 = arith.addf %get3A_282, %get3A_286 : vector<16xf32>
      %swap3A = arith.index_cast %add3A_281 : i32 to index
      %swap3A_288 = tpu.vector_load %arg9[%swap3A] {strides = array<i32>} : memref<10000xf32, #tpu.memory_space<vmem>>, vector<16xf32>,
      tpu.vector_store %arg9[%swap3A], %add3A_287 {strides = array<i32>} : memref<10000xf32, #tpu.memory_space<vmem>>, vector<16xf32>,
      %scan3A_289 = arith.constant 0 : i32
      scf.yield %scan3A_289 : i32
    }
    %scan3A_27 = arith.constant 125 : i32
    %add3A_28 = arith.constant 2 : i32
    %add3A_29 = arith.addi %arg0, %add3A_28 : i32
    %mul3A_30 = arith.constant 10240 : i32
    %mul3A_31 = arith.muli %add3A_29, %mul3A_30 : i32
    %add3A_32 = arith.constant 4000 : i32
    %add3A_33 = arith.addi %mul3A_31, %add3A_32 : i32
    "tpu.region"() ({
      %run_scoped3A = tpu.sem_alloc : memref<!tpu.dma_semaphore, #tpu.memory_space<semaphore_mem>>
      %dma_start3A = tpu.memref_slice %arg6[%add3A_33] : memref<40960xf32, #tpu.memory_space<hbm>> -> memref<2000xf32, #tpu.memory_space<hbm>>
      %dma_start3A_276 = tpu.memref_slice %arg6[%add3A_33] : memref<40960xf32, #tpu.memory_space<hbm>> -> memref<2000xf32, #tpu.memory_space<hbm>>
      tpu.enqueue_dma source(%dma_start3A_276 : memref<2000xf32, #tpu.memory_space<hbm>>) target(%arg10 : memref<2000xf32, #tpu.memory_space<vmem>>) target_semaphore(%run_scoped3A : memref<!tpu.dma_semaphore, #tpu.memory_space<semaphore_mem>>)
      %dma_wait3A = tpu.memref_slice %arg6[%add3A_33] : memref<40960xf32, #tpu.memory_space<hbm>> -> memref<2000xf32, #tpu.memory_space<hbm>>
      %dma_wait3A_277 = tpu.memref_slice %arg6[%add3A_33] : memref<40960xf32, #tpu.memory_space<hbm>> -> memref<2000xf32, #tpu.memory_space<hbm>>
      tpu.wait_dma2 semaphore(%run_scoped3A : memref<!tpu.dma_semaphore, #tpu.memory_space<semaphore_mem>>) src(%dma_wait3A_277 : memref<2000xf32, #tpu.memory_space<hbm>>) dst(%arg10 : memref<2000xf32, #tpu.memory_space<vmem>>)
      tpu.yield
    }) : () -> ()
    %scan3A_34 = arith.constant 0 : i32
    %scan3A_35 = arith.constant 0 : i32
    %scan3A_36 = arith.constant 125 : i32
    %scan3A_37 = arith.addi %scan3A_35, %scan3A_36 : i32
    %scan3A_38 = arith.constant 1 : i32
    %scan3A_39 = scf.for %scan3A_276 = %scan3A_35 to %scan3A_37 step %scan3A_38 iter_args(%scan3A_277 = %scan3A_34) -> (i32)  : i32 {
      %mul3A_278 = arith.constant 16 : i32
      %mul3A_279 = arith.muli %scan3A_276, %mul3A_278 : i32
      %add3A_280 = arith.constant 4000 : i32
      %add3A_281 = arith.addi %add3A_280, %mul3A_279 : i32
      %get3A = arith.index_cast %add3A_281 : i32 to index
      %get3A_282 = tpu.vector_load %arg9[%get3A] {strides = array<i32>} : memref<10000xf32, #tpu.memory_space<vmem>>, vector<16xf32>,
      %mul3A_283 = arith.constant 16 : i32
      %mul3A_284 = arith.muli %scan3A_276, %mul3A_283 : i32
      %get3A_285 = arith.index_cast %mul3A_284 : i32 to index
      %get3A_286 = tpu.vector_load %arg10[%get3A_285] {strides = array<i32>} : memref<2000xf32, #tpu.memory_space<vmem>>, vector<16xf32>,
      %add3A_287 = arith.addf %get3A_282, %get3A_286 : vector<16xf32>
      %swap3A = arith.index_cast %add3A_281 : i32 to index
      %swap3A_288 = tpu.vector_load %arg9[%swap3A] {strides = array<i32>} : memref<10000xf32, #tpu.memory_space<vmem>>, vector<16xf32>,
      tpu.vector_store %arg9[%swap3A], %add3A_287 {strides = array<i32>} : memref<10000xf32, #tpu.memory_space<vmem>>, vector<16xf32>,
      %scan3A_289 = arith.constant 0 : i32
      scf.yield %scan3A_289 : i32
    }
    %scan3A_40 = arith.constant 125 : i32
    %add3A_41 = arith.constant 2 : i32
    %add3A_42 = arith.addi %arg0, %add3A_41 : i32
    %mul3A_43 = arith.constant 10240 : i32
    %mul3A_44 = arith.muli %add3A_42, %mul3A_43 : i32
    %add3A_45 = arith.constant 6000 : i32
    %add3A_46 = arith.addi %mul3A_44, %add3A_45 : i32
    "tpu.region"() ({
      %run_scoped3A = tpu.sem_alloc : memref<!tpu.dma_semaphore, #tpu.memory_space<semaphore_mem>>
      %dma_start3A = tpu.memref_slice %arg6[%add3A_46] : memref<40960xf32, #tpu.memory_space<hbm>> -> memref<2000xf32, #tpu.memory_space<hbm>>
      %dma_start3A_276 = tpu.memref_slice %arg6[%add3A_46] : memref<40960xf32, #tpu.memory_space<hbm>> -> memref<2000xf32, #tpu.memory_space<hbm>>
      tpu.enqueue_dma source(%dma_start3A_276 : memref<2000xf32, #tpu.memory_space<hbm>>) target(%arg10 : memref<2000xf32, #tpu.memory_space<vmem>>) target_semaphore(%run_scoped3A : memref<!tpu.dma_semaphore, #tpu.memory_space<semaphore_mem>>)
      %dma_wait3A = tpu.memref_slice %arg6[%add3A_46] : memref<40960xf32, #tpu.memory_space<hbm>> -> memref<2000xf32, #tpu.memory_space<hbm>>
      %dma_wait3A_277 = tpu.memref_slice %arg6[%add3A_46] : memref<40960xf32, #tpu.memory_space<hbm>> -> memref<2000xf32, #tpu.memory_space<hbm>>
      tpu.wait_dma2 semaphore(%run_scoped3A : memref<!tpu.dma_semaphore, #tpu.memory_space<semaphore_mem>>) src(%dma_wait3A_277 : memref<2000xf32, #tpu.memory_space<hbm>>) dst(%arg10 : memref<2000xf32, #tpu.memory_space<vmem>>)
      tpu.yield
    }) : () -> ()
    %scan3A_47 = arith.constant 0 : i32
    %scan3A_48 = arith.constant 0 : i32
    %scan3A_49 = arith.constant 125 : i32
    %scan3A_50 = arith.addi %scan3A_48, %scan3A_49 : i32
    %scan3A_51 = arith.constant 1 : i32
    %scan3A_52 = scf.for %scan3A_276 = %scan3A_48 to %scan3A_50 step %scan3A_51 iter_args(%scan3A_277 = %scan3A_47) -> (i32)  : i32 {
      %mul3A_278 = arith.constant 16 : i32
      %mul3A_279 = arith.muli %scan3A_276, %mul3A_278 : i32
      %add3A_280 = arith.constant 6000 : i32
      %add3A_281 = arith.addi %add3A_280, %mul3A_279 : i32
      %get3A = arith.index_cast %add3A_281 : i32 to index
      %get3A_282 = tpu.vector_load %arg9[%get3A] {strides = array<i32>} : memref<10000xf32, #tpu.memory_space<vmem>>, vector<16xf32>,
      %mul3A_283 = arith.constant 16 : i32
      %mul3A_284 = arith.muli %scan3A_276, %mul3A_283 : i32
      %get3A_285 = arith.index_cast %mul3A_284 : i32 to index
      %get3A_286 = tpu.vector_load %arg10[%get3A_285] {strides = array<i32>} : memref<2000xf32, #tpu.memory_space<vmem>>, vector<16xf32>,
      %add3A_287 = arith.addf %get3A_282, %get3A_286 : vector<16xf32>
      %swap3A = arith.index_cast %add3A_281 : i32 to index
      %swap3A_288 = tpu.vector_load %arg9[%swap3A] {strides = array<i32>} : memref<10000xf32, #tpu.memory_space<vmem>>, vector<16xf32>,
      tpu.vector_store %arg9[%swap3A], %add3A_287 {strides = array<i32>} : memref<10000xf32, #tpu.memory_space<vmem>>, vector<16xf32>,
      %scan3A_289 = arith.constant 0 : i32
      scf.yield %scan3A_289 : i32
    }
    %scan3A_53 = arith.constant 125 : i32
    %add3A_54 = arith.constant 2 : i32
    %add3A_55 = arith.addi %arg0, %add3A_54 : i32
    %mul3A_56 = arith.constant 10240 : i32
    %mul3A_57 = arith.muli %add3A_55, %mul3A_56 : i32
    %add3A_58 = arith.constant 8000 : i32
    %add3A_59 = arith.addi %mul3A_57, %add3A_58 : i32
    "tpu.region"() ({
      %run_scoped3A = tpu.sem_alloc : memref<!tpu.dma_semaphore, #tpu.memory_space<semaphore_mem>>
      %dma_start3A = tpu.memref_slice %arg6[%add3A_59] : memref<40960xf32, #tpu.memory_space<hbm>> -> memref<2000xf32, #tpu.memory_space<hbm>>
      %dma_start3A_276 = tpu.memref_slice %arg6[%add3A_59] : memref<40960xf32, #tpu.memory_space<hbm>> -> memref<2000xf32, #tpu.memory_space<hbm>>
      tpu.enqueue_dma source(%dma_start3A_276 : memref<2000xf32, #tpu.memory_space<hbm>>) target(%arg10 : memref<2000xf32, #tpu.memory_space<vmem>>) target_semaphore(%run_scoped3A : memref<!tpu.dma_semaphore, #tpu.memory_space<semaphore_mem>>)
      %dma_wait3A = tpu.memref_slice %arg6[%add3A_59] : memref<40960xf32, #tpu.memory_space<hbm>> -> memref<2000xf32, #tpu.memory_space<hbm>>
      %dma_wait3A_277 = tpu.memref_slice %arg6[%add3A_59] : memref<40960xf32, #tpu.memory_space<hbm>> -> memref<2000xf32, #tpu.memory_space<hbm>>
      tpu.wait_dma2 semaphore(%run_scoped3A : memref<!tpu.dma_semaphore, #tpu.memory_space<semaphore_mem>>) src(%dma_wait3A_277 : memref<2000xf32, #tpu.memory_space<hbm>>) dst(%arg10 : memref<2000xf32, #tpu.memory_space<vmem>>)
      tpu.yield
    }) : () -> ()
    %scan3A_60 = arith.constant 0 : i32
    %scan3A_61 = arith.constant 0 : i32
    %scan3A_62 = arith.constant 125 : i32
    %scan3A_63 = arith.addi %scan3A_61, %scan3A_62 : i32
    %scan3A_64 = arith.constant 1 : i32
    %scan3A_65 = scf.for %scan3A_276 = %scan3A_61 to %scan3A_63 step %scan3A_64 iter_args(%scan3A_277 = %scan3A_60) -> (i32)  : i32 {
      %mul3A_278 = arith.constant 16 : i32
      %mul3A_279 = arith.muli %scan3A_276, %mul3A_278 : i32
      %add3A_280 = arith.constant 8000 : i32
      %add3A_281 = arith.addi %add3A_280, %mul3A_279 : i32
      %get3A = arith.index_cast %add3A_281 : i32 to index
      %get3A_282 = tpu.vector_load %arg9[%get3A] {strides = array<i32>} : memref<10000xf32, #tpu.memory_space<vmem>>, vector<16xf32>,
      %mul3A_283 = arith.constant 16 : i32
      %mul3A_284 = arith.muli %scan3A_276, %mul3A_283 : i32
      %get3A_285 = arith.index_cast %mul3A_284 : i32 to index
      %get3A_286 = tpu.vector_load %arg10[%get3A_285] {strides = array<i32>} : memref<2000xf32, #tpu.memory_space<vmem>>, vector<16xf32>,
      %add3A_287 = arith.addf %get3A_282, %get3A_286 : vector<16xf32>
      %swap3A = arith.index_cast %add3A_281 : i32 to index
      %swap3A_288 = tpu.vector_load %arg9[%swap3A] {strides = array<i32>} : memref<10000xf32, #tpu.memory_space<vmem>>, vector<16xf32>,
      tpu.vector_store %arg9[%swap3A], %add3A_287 {strides = array<i32>} : memref<10000xf32, #tpu.memory_space<vmem>>, vector<16xf32>,
      %scan3A_289 = arith.constant 0 : i32
      scf.yield %scan3A_289 : i32
    }
    %scan3A_66 = arith.constant 125 : i32
    %mul3A_67 = arith.constant 10752 : i32
    %mul3A_68 = arith.muli %arg1, %mul3A_67 : i32
    %scan3A_69 = arith.constant 0 : i32
    %scan3A_70 = arith.constant 0 : i32
    %scan3A_71 = arith.constant 8 : i32
    %scan3A_72 = arith.addi %scan3A_70, %scan3A_71 : i32
    %scan3A_73 = arith.constant 1 : i32
    %scan3A_74 = scf.for %scan3A_276 = %scan3A_70 to %scan3A_72 step %scan3A_73 iter_args(%scan3A_277 = %scan3A_69) -> (i32)  : i32 {
      %mul3A_278 = arith.constant 1344 : i32
      %mul3A_279 = arith.muli %scan3A_276, %mul3A_278 : i32
      %add3A_280 = arith.addi %mul3A_68, %mul3A_279 : i32
      %mul3A_281 = arith.constant 172032 : i32
      %mul3A_282 = arith.muli %arg0, %mul3A_281 : i32
      %add3A_283 = arith.addi %mul3A_282, %add3A_280 : i32
      "tpu.region"() ({
        %run_scoped3A = tpu.sem_alloc : memref<!tpu.dma_semaphore, #tpu.memory_space<semaphore_mem>>
        %dma_start3A = tpu.memref_slice %arg5[%add3A_283] : memref<344064xf32, #tpu.memory_space<hbm>> -> memref<1344xf32, #tpu.memory_space<hbm>>
        %dma_start3A_295 = tpu.memref_slice %arg5[%add3A_283] : memref<344064xf32, #tpu.memory_space<hbm>> -> memref<1344xf32, #tpu.memory_space<hbm>>
        tpu.enqueue_dma source(%dma_start3A_295 : memref<1344xf32, #tpu.memory_space<hbm>>) target(%arg13 : memref<1344xf32, #tpu.memory_space<vmem>>) target_semaphore(%run_scoped3A : memref<!tpu.dma_semaphore, #tpu.memory_space<semaphore_mem>>)
        %dma_wait3A = tpu.memref_slice %arg5[%add3A_283] : memref<344064xf32, #tpu.memory_space<hbm>> -> memref<1344xf32, #tpu.memory_space<hbm>>
        %dma_wait3A_296 = tpu.memref_slice %arg5[%add3A_283] : memref<344064xf32, #tpu.memory_space<hbm>> -> memref<1344xf32, #tpu.memory_space<hbm>>
        tpu.wait_dma2 semaphore(%run_scoped3A : memref<!tpu.dma_semaphore, #tpu.memory_space<semaphore_mem>>) src(%dma_wait3A_296 : memref<1344xf32, #tpu.memory_space<hbm>>) dst(%arg13 : memref<1344xf32, #tpu.memory_space<vmem>>)
        tpu.yield
      }) : () -> ()
      "tpu.region"() ({
        %run_scoped3A = tpu.sem_alloc : memref<!tpu.dma_semaphore, #tpu.memory_space<semaphore_mem>>
        %dma_start3A = tpu.memref_slice %arg4[%add3A_280] : memref<172032xi32, #tpu.memory_space<hbm>> -> memref<1344xi32, #tpu.memory_space<hbm>>
        %dma_start3A_295 = tpu.memref_slice %arg4[%add3A_280] : memref<172032xi32, #tpu.memory_space<hbm>> -> memref<1344xi32, #tpu.memory_space<hbm>>
        tpu.enqueue_dma source(%dma_start3A_295 : memref<1344xi32, #tpu.memory_space<hbm>>) target(%arg12 : memref<1344xi32, #tpu.memory_space<vmem>>) target_semaphore(%run_scoped3A : memref<!tpu.dma_semaphore, #tpu.memory_space<semaphore_mem>>)
        %dma_wait3A = tpu.memref_slice %arg4[%add3A_280] : memref<172032xi32, #tpu.memory_space<hbm>> -> memref<1344xi32, #tpu.memory_space<hbm>>
        %dma_wait3A_296 = tpu.memref_slice %arg4[%add3A_280] : memref<172032xi32, #tpu.memory_space<hbm>> -> memref<1344xi32, #tpu.memory_space<hbm>>
        tpu.wait_dma2 semaphore(%run_scoped3A : memref<!tpu.dma_semaphore, #tpu.memory_space<semaphore_mem>>) src(%dma_wait3A_296 : memref<1344xi32, #tpu.memory_space<hbm>>) dst(%arg12 : memref<1344xi32, #tpu.memory_space<vmem>>)
        tpu.yield
      }) : () -> ()
      %scan3A_284 = arith.constant 0 : i32
      %scan3A_285 = arith.constant 0 : i32
      %scan3A_286 = arith.constant 84 : i32
      %scan3A_287 = arith.addi %scan3A_285, %scan3A_286 : i32
      %scan3A_288 = arith.constant 1 : i32
      %scan3A_289 = scf.for %scan3A_295 = %scan3A_285 to %scan3A_287 step %scan3A_288 iter_args(%scan3A_296 = %scan3A_284) -> (i32)  : i32 {
        %mul3A_297 = arith.constant 16 : i32
        %mul3A_298 = arith.muli %scan3A_295, %mul3A_297 : i32
        %get3A = arith.index_cast %mul3A_298 : i32 to index
        %get3A_299 = tpu.vector_load %arg12[%get3A] {strides = array<i32>} : memref<1344xi32, #tpu.memory_space<vmem>>, vector<16xi32>,
        %gather3A = tpu.vector_load_idx %arg9[%get3A_299] : memref<10000xf32, #tpu.memory_space<vmem>>[vector<16xi32>], vector<16xf32>,
        %get3A_300 = arith.index_cast %mul3A_298 : i32 to index
        %get3A_301 = tpu.vector_load %arg13[%get3A_300] {strides = array<i32>} : memref<1344xf32, #tpu.memory_space<vmem>>, vector<16xf32>,
        %add3A_302 = arith.constant 1.000000e-16 : f32
        %add3A_303 = vector.broadcast %add3A_302 : f32 to vector<16xf32>
        %add3A_304 = arith.addf %gather3A, %add3A_303 : vector<16xf32>
        %div3A = arith.divf %get3A_301, %add3A_304 : vector<16xf32>
        %swap3A = arith.index_cast %mul3A_298 : i32 to index
        %swap3A_305 = tpu.vector_load %arg13[%swap3A] {strides = array<i32>} : memref<1344xf32, #tpu.memory_space<vmem>>, vector<16xf32>,
        tpu.vector_store %arg13[%swap3A], %div3A {strides = array<i32>} : memref<1344xf32, #tpu.memory_space<vmem>>, vector<16xf32>,
        %scan3A_306 = arith.constant 0 : i32
        scf.yield %scan3A_306 : i32
      }
      %scan3A_290 = arith.constant 84 : i32
      %mul3A_291 = arith.constant 172032 : i32
      %mul3A_292 = arith.muli %arg0, %mul3A_291 : i32
      %add3A_293 = arith.addi %mul3A_292, %add3A_280 : i32
      "tpu.region"() ({
        %run_scoped3A = tpu.sem_alloc : memref<!tpu.dma_semaphore, #tpu.memory_space<semaphore_mem>>
        %dma_start3A = tpu.memref_slice %arg8[%add3A_293] : memref<344064xf32, #tpu.memory_space<hbm>> -> memref<1344xf32, #tpu.memory_space<hbm>>
        %dma_start3A_295 = tpu.memref_slice %arg8[%add3A_293] : memref<344064xf32, #tpu.memory_space<hbm>> -> memref<1344xf32, #tpu.memory_space<hbm>>
        tpu.enqueue_dma source(%arg13 : memref<1344xf32, #tpu.memory_space<vmem>>) target(%dma_start3A_295 : memref<1344xf32, #tpu.memory_space<hbm>>) target_semaphore(%run_scoped3A : memref<!tpu.dma_semaphore, #tpu.memory_space<semaphore_mem>>)
        %dma_wait3A = tpu.memref_slice %arg8[%add3A_293] : memref<344064xf32, #tpu.memory_space<hbm>> -> memref<1344xf32, #tpu.memory_space<hbm>>
        %dma_wait3A_296 = tpu.memref_slice %arg8[%add3A_293] : memref<344064xf32, #tpu.memory_space<hbm>> -> memref<1344xf32, #tpu.memory_space<hbm>>
        tpu.wait_dma2 semaphore(%run_scoped3A : memref<!tpu.dma_semaphore, #tpu.memory_space<semaphore_mem>>) src(%arg13 : memref<1344xf32, #tpu.memory_space<vmem>>) dst(%dma_wait3A_296 : memref<1344xf32, #tpu.memory_space<hbm>>)
        tpu.yield
      }) : () -> ()
      %scan3A_294 = arith.constant 0 : i32
      scf.yield %scan3A_294 : i32
    }
    %scan3A_75 = arith.constant 8 : i32
    %barrier3A = arith.constant 0 : index
    tpu.barrier barrier_id(%barrier3A)
    %mul3A_76 = arith.constant 320 : i32
    %mul3A_77 = arith.muli %arg1, %mul3A_76 : i32
    %add3A_78 = arith.constant 0 : i32
    %add3A_79 = arith.addi %add3A_78, %mul3A_77 : i32
    %scan3A_80 = arith.constant 0 : i32
    %scan3A_81 = arith.constant 0 : i32
    %scan3A_82 = arith.constant 5248 : i32
    %scan3A_83 = arith.addi %scan3A_81, %scan3A_82 : i32
    %scan3A_84 = arith.constant 1 : i32
    %scan3A_85 = scf.for %scan3A_276 = %scan3A_81 to %scan3A_83 step %scan3A_84 iter_args(%scan3A_277 = %scan3A_80) -> (i32)  : i32 {
      %mul3A_278 = arith.constant 16 : i32
      %mul3A_279 = arith.muli %scan3A_276, %mul3A_278 : i32
      %swap3A = arith.index_cast %mul3A_279 : i32 to index
      %swap3A_280 = tpu.vector_load %arg14[%swap3A] {strides = array<i32>} : memref<83968xf32, #tpu.memory_space<vmem>>, vector<16xf32>,
      tpu.vector_store %arg14[%swap3A], %broadcast_in_dim3A_0 {strides = array<i32>} : memref<83968xf32, #tpu.memory_space<vmem>>, vector<16xf32>,
      %scan3A_281 = arith.constant 0 : i32
      scf.yield %scan3A_281 : i32
    }
    %scan3A_86 = arith.constant 5248 : i32
    %scan3A_87 = arith.constant 0 : i32
    %scan3A_88 = arith.constant 0 : i32
    %scan3A_89 = arith.constant 0 : i32
    %scan3A_90 = arith.constant 128 : i32
    %scan3A_91 = arith.addi %scan3A_89, %scan3A_90 : i32
    %scan3A_92 = arith.constant 1 : i32
    %scan3A_93:2 = scf.for %scan3A_276 = %scan3A_89 to %scan3A_91 step %scan3A_92 iter_args(%scan3A_277 = %scan3A_87, %scan3A_278 = %scan3A_88) -> (i32, i32)  : i32 {
      %mul3A_279 = arith.constant 1344 : i32
      %mul3A_280 = arith.muli %scan3A_276, %mul3A_279 : i32
      "tpu.region"() ({
        %run_scoped3A = tpu.sem_alloc : memref<!tpu.dma_semaphore, #tpu.memory_space<semaphore_mem>>
        %dma_start3A = tpu.memref_slice %arg3[%mul3A_280] : memref<172032xi32, #tpu.memory_space<hbm>> -> memref<1344xi32, #tpu.memory_space<hbm>>
        %dma_start3A_302 = tpu.memref_slice %arg3[%mul3A_280] : memref<172032xi32, #tpu.memory_space<hbm>> -> memref<1344xi32, #tpu.memory_space<hbm>>
        tpu.enqueue_dma source(%dma_start3A_302 : memref<1344xi32, #tpu.memory_space<hbm>>) target(%arg11 : memref<1344xi32, #tpu.memory_space<vmem>>) target_semaphore(%run_scoped3A : memref<!tpu.dma_semaphore, #tpu.memory_space<semaphore_mem>>)
        %dma_wait3A = tpu.memref_slice %arg3[%mul3A_280] : memref<172032xi32, #tpu.memory_space<hbm>> -> memref<1344xi32, #tpu.memory_space<hbm>>
        %dma_wait3A_303 = tpu.memref_slice %arg3[%mul3A_280] : memref<172032xi32, #tpu.memory_space<hbm>> -> memref<1344xi32, #tpu.memory_space<hbm>>
        tpu.wait_dma2 semaphore(%run_scoped3A : memref<!tpu.dma_semaphore, #tpu.memory_space<semaphore_mem>>) src(%dma_wait3A_303 : memref<1344xi32, #tpu.memory_space<hbm>>) dst(%arg11 : memref<1344xi32, #tpu.memory_space<vmem>>)
        tpu.yield
      }) : () -> ()
      "tpu.region"() ({
        %run_scoped3A = tpu.sem_alloc : memref<!tpu.dma_semaphore, #tpu.memory_space<semaphore_mem>>
        %dma_start3A = tpu.memref_slice %arg4[%mul3A_280] : memref<172032xi32, #tpu.memory_space<hbm>> -> memref<1344xi32, #tpu.memory_space<hbm>>
        %dma_start3A_302 = tpu.memref_slice %arg4[%mul3A_280] : memref<172032xi32, #tpu.memory_space<hbm>> -> memref<1344xi32, #tpu.memory_space<hbm>>
        tpu.enqueue_dma source(%dma_start3A_302 : memref<1344xi32, #tpu.memory_space<hbm>>) target(%arg12 : memref<1344xi32, #tpu.memory_space<vmem>>) target_semaphore(%run_scoped3A : memref<!tpu.dma_semaphore, #tpu.memory_space<semaphore_mem>>)
        %dma_wait3A = tpu.memref_slice %arg4[%mul3A_280] : memref<172032xi32, #tpu.memory_space<hbm>> -> memref<1344xi32, #tpu.memory_space<hbm>>
        %dma_wait3A_303 = tpu.memref_slice %arg4[%mul3A_280] : memref<172032xi32, #tpu.memory_space<hbm>> -> memref<1344xi32, #tpu.memory_space<hbm>>
        tpu.wait_dma2 semaphore(%run_scoped3A : memref<!tpu.dma_semaphore, #tpu.memory_space<semaphore_mem>>) src(%dma_wait3A_303 : memref<1344xi32, #tpu.memory_space<hbm>>) dst(%arg12 : memref<1344xi32, #tpu.memory_space<vmem>>)
        tpu.yield
      }) : () -> ()
      %mul3A_281 = arith.constant 172032 : i32
      %mul3A_282 = arith.muli %arg0, %mul3A_281 : i32
      %add3A_283 = arith.addi %mul3A_282, %mul3A_280 : i32
      "tpu.region"() ({
        %run_scoped3A = tpu.sem_alloc : memref<!tpu.dma_semaphore, #tpu.memory_space<semaphore_mem>>
        %dma_start3A = tpu.memref_slice %arg8[%add3A_283] : memref<344064xf32, #tpu.memory_space<hbm>> -> memref<1344xf32, #tpu.memory_space<hbm>>
        %dma_start3A_302 = tpu.memref_slice %arg8[%add3A_283] : memref<344064xf32, #tpu.memory_space<hbm>> -> memref<1344xf32, #tpu.memory_space<hbm>>
        tpu.enqueue_dma source(%dma_start3A_302 : memref<1344xf32, #tpu.memory_space<hbm>>) target(%arg13 : memref<1344xf32, #tpu.memory_space<vmem>>) target_semaphore(%run_scoped3A : memref<!tpu.dma_semaphore, #tpu.memory_space<semaphore_mem>>)
        %dma_wait3A = tpu.memref_slice %arg8[%add3A_283] : memref<344064xf32, #tpu.memory_space<hbm>> -> memref<1344xf32, #tpu.memory_space<hbm>>
        %dma_wait3A_303 = tpu.memref_slice %arg8[%add3A_283] : memref<344064xf32, #tpu.memory_space<hbm>> -> memref<1344xf32, #tpu.memory_space<hbm>>
        tpu.wait_dma2 semaphore(%run_scoped3A : memref<!tpu.dma_semaphore, #tpu.memory_space<semaphore_mem>>) src(%dma_wait3A_303 : memref<1344xf32, #tpu.memory_space<hbm>>) dst(%arg13 : memref<1344xf32, #tpu.memory_space<vmem>>)
        tpu.yield
      }) : () -> ()
      %scan3A_284 = arith.constant 0 : i32
      %scan3A_285 = arith.constant 84 : i32
      %scan3A_286 = arith.addi %scan3A_284, %scan3A_285 : i32
      %scan3A_287 = arith.constant 1 : i32
      %scan3A_288 = scf.for %scan3A_302 = %scan3A_284 to %scan3A_286 step %scan3A_287 iter_args(%scan3A_303 = %scan3A_277) -> (i32)  : i32 {
        %mul3A_304 = arith.constant 16 : i32
        %mul3A_305 = arith.muli %scan3A_302, %mul3A_304 : i32
        %get3A = arith.index_cast %mul3A_305 : i32 to index
        %get3A_306 = tpu.vector_load %arg12[%get3A] {strides = array<i32>} : memref<1344xi32, #tpu.memory_space<vmem>>, vector<16xi32>,
        %ge3A = vector.broadcast %add3A_79 : i32 to vector<16xi32>
        %ge3A_307 = arith.cmpi sge, %get3A_306, %ge3A : vector<16xi32>
        %add3A_308 = arith.constant 320 : i32
        %add3A_309 = arith.addi %add3A_79, %add3A_308 : i32
        %lt3A = vector.broadcast %add3A_309 : i32 to vector<16xi32>
        %lt3A_310 = arith.cmpi slt, %get3A_306, %lt3A : vector<16xi32>
        %and3A_311 = arith.andi %ge3A_307, %lt3A_310 : vector<16xi1>
        %convert_element_type3A = arith.extui %and3A_311 : vector<16xi1> to vector<16xi32>
        %broadcast_in_dim3A_312 = arith.constant true
        %broadcast_in_dim3A_313 = vector.broadcast %broadcast_in_dim3A_312 : i1 to vector<16xi1>
        %masked_cumsum3A = tpu.scan <sum>, %convert_element_type3A masked %broadcast_in_dim3A_313 : vector<16xi32>, vector<16xi1> -> vector<16xi32>
        %add3A_314 = vector.broadcast %scan3A_303 : i32 to vector<16xi32>
        %add3A_315 = arith.addi %add3A_314, %masked_cumsum3A : vector<16xi32>
        %sub3A_316 = arith.constant 1 : i32
        %sub3A_317 = vector.broadcast %sub3A_316 : i32 to vector<16xi32>
        %sub3A_318 = arith.subi %add3A_315, %sub3A_317 : vector<16xi32>
        %max3A = arith.constant 0 : i32
        %max3A_319 = vector.broadcast %max3A : i32 to vector<16xi32>
        %max3A_320 = arith.maxsi %sub3A_318, %max3A_319 : vector<16xi32>
        %and3A_321 = arith.constant 2047 : i32
        %and3A_322 = vector.broadcast %and3A_321 : i32 to vector<16xi32>
        %and3A_323 = arith.andi %max3A_320, %and3A_322 : vector<16xi32>
        %shift_right_logical3A_324 = arith.constant 6 : i32
        %shift_right_logical3A_325 = vector.broadcast %shift_right_logical3A_324 : i32 to vector<16xi32>
        %shift_right_logical3A_326 = arith.shrui %and3A_323, %shift_right_logical3A_325 : vector<16xi32>
        %and3A_327 = arith.constant 63 : i32
        %and3A_328 = vector.broadcast %and3A_327 : i32 to vector<16xi32>
        %and3A_329 = arith.andi %and3A_323, %and3A_328 : vector<16xi32>
        %get3A_330 = arith.index_cast %mul3A_305 : i32 to index
        %get3A_331 = tpu.vector_load %arg11[%get3A_330] {strides = array<i32>} : memref<1344xi32, #tpu.memory_space<vmem>>, vector<16xi32>,
        tpu.vector_store_idx %arg15[%shift_right_logical3A_326, %and3A_329], %get3A_331 masked %and3A_311 : memref<32x64xi32, #tpu.memory_space<vmem>>[vector<16xi32>, vector<16xi32>], vector<16xi32>, vector<16xi1>
        %sub3A_332 = vector.broadcast %add3A_79 : i32 to vector<16xi32>
        %sub3A_333 = arith.subi %get3A_306, %sub3A_332 : vector<16xi32>
        tpu.vector_store_idx %arg16[%and3A_323], %sub3A_333 masked %and3A_311 : memref<2048xi32, #tpu.memory_space<vmem>>[vector<16xi32>], vector<16xi32>, vector<16xi1>
        %get3A_334 = arith.index_cast %mul3A_305 : i32 to index
        %get3A_335 = tpu.vector_load %arg13[%get3A_334] {strides = array<i32>} : memref<1344xf32, #tpu.memory_space<vmem>>, vector<16xf32>,
        tpu.vector_store_idx %arg17[%and3A_323], %get3A_335 masked %and3A_311 : memref<2048xf32, #tpu.memory_space<vmem>>[vector<16xi32>], vector<16xf32>, vector<16xi1>
        %reduce_sum3A = arith.constant true
        %reduce_sum3A_336 = vector.broadcast %reduce_sum3A : i1 to vector<16xi1>
        %reduce_sum3A_337 = tpu.scan <sum>, %convert_element_type3A masked %reduce_sum3A_336 : vector<16xi32>, vector<16xi1> -> vector<16xi32>
        %reduce_sum3A_338 = vector.extract %reduce_sum3A_337[15] : i32 from vector<16xi32>
        %add3A_339 = arith.addi %scan3A_303, %reduce_sum3A_338 : i32
        scf.yield %add3A_339 : i32
      }
      %scan3A_289 = arith.constant 84 : i32
      %shift_right_logical3A_290 = arith.constant 6 : i32
      %shift_right_logical3A_291 = arith.shrui %scan3A_288, %shift_right_logical3A_290 : i32
      %while3A_292 = arith.subi %shift_right_logical3A_291, %scan3A_278 : i32
      %while3A_293 = arith.addi %scan3A_278, %while3A_292 : i32
      %while3A_294 = arith.constant 1 : i32
      %while3A_295 = arith.divsi %while3A_292, %while3A_294 : i32
      %while3A_296 = arith.muli %while3A_295, %while3A_294 : i32
      %while3A_297 = arith.addi %scan3A_278, %while3A_296 : i32
      %while3A_298 = arith.constant 1 : i32
      scf.for %while3A_302 = %scan3A_278 to %while3A_297 step %while3A_298  : i32 {
        %and3A_303 = arith.constant 31 : i32
        %and3A_304 = arith.andi %while3A_302, %and3A_303 : i32
        %dma_start3A = arith.constant 0 : i32
        %dma_start3A_305 = tpu.memref_slice %arg15[%and3A_304, %dma_start3A] : memref<32x64xi32, #tpu.memory_space<vmem>> -> memref<1x64xi32, #tpu.memory_space<vmem>>
        %dma_start3A_306 = tpu.memref_squeeze %dma_start3A_305 : memref<1x64xi32, #tpu.memory_space<vmem>> -> memref<64xi32, #tpu.memory_space<vmem>>
        %dma_start3A_307 = arith.constant 0 : i32
        %dma_start3A_308 = arith.constant 0 : i32
        %dma_start3A_309 = tpu.memref_slice %arg2[%arg0, %dma_start3A_307, %dma_start3A_308] : memref<2x10000x256xf32, #tpu.memory_space<hbm>> -> memref<1x10000x256xf32, #tpu.memory_space<hbm>>
        %dma_start3A_310 = tpu.memref_squeeze %dma_start3A_309 : memref<1x10000x256xf32, #tpu.memory_space<hbm>> -> memref<10000x256xf32, #tpu.memory_space<hbm>>
        %dma_start3A_311 = arith.constant 0 : i32
        %dma_start3A_312 = arith.constant 0 : i32
        %dma_start3A_313 = tpu.memref_slice %dma_start3A_310[%dma_start3A_311, %dma_start3A_312] : memref<10000x256xf32, #tpu.memory_space<hbm>> -> memref<10000x256xf32, #tpu.memory_space<hbm>>
        tpu.enqueue_indirect_dma source(%dma_start3A_313 : memref<10000x256xf32, #tpu.memory_space<hbm>>) target(%arg18 : memref<64x256xf32, #tpu.memory_space<vmem>>) offsets(%dma_start3A_306 : memref<64xi32, #tpu.memory_space<vmem>>) semaphore(%arg19 : memref<!tpu.dma_semaphore, #tpu.memory_space<semaphore_mem>>)
        %dma_wait3A = arith.constant 0 : i32
        %dma_wait3A_314 = tpu.memref_slice %arg15[%and3A_304, %dma_wait3A] : memref<32x64xi32, #tpu.memory_space<vmem>> -> memref<1x64xi32, #tpu.memory_space<vmem>>
        %dma_wait3A_315 = tpu.memref_squeeze %dma_wait3A_314 : memref<1x64xi32, #tpu.memory_space<vmem>> -> memref<64xi32, #tpu.memory_space<vmem>>
        %dma_wait3A_316 = arith.constant 0 : i32
        %dma_wait3A_317 = arith.constant 0 : i32
        %dma_wait3A_318 = tpu.memref_slice %arg2[%arg0, %dma_wait3A_316, %dma_wait3A_317] : memref<2x10000x256xf32, #tpu.memory_space<hbm>> -> memref<1x10000x256xf32, #tpu.memory_space<hbm>>
        %dma_wait3A_319 = tpu.memref_squeeze %dma_wait3A_318 : memref<1x10000x256xf32, #tpu.memory_space<hbm>> -> memref<10000x256xf32, #tpu.memory_space<hbm>>
        %dma_wait3A_320 = arith.constant 0 : i32
        %dma_wait3A_321 = arith.constant 0 : i32
        %dma_wait3A_322 = tpu.memref_slice %dma_wait3A_319[%dma_wait3A_320, %dma_wait3A_321] : memref<10000x256xf32, #tpu.memory_space<hbm>> -> memref<10000x256xf32, #tpu.memory_space<hbm>>
        tpu.wait_indirect_dma semaphore(%arg19 : memref<!tpu.dma_semaphore, #tpu.memory_space<semaphore_mem>>) src(%dma_wait3A_322 : memref<10000x256xf32, #tpu.memory_space<hbm>>) dst(%arg18 : memref<64x256xf32, #tpu.memory_space<vmem>>)
        %scan3A_323 = arith.constant 0 : i32
        %scan3A_324 = arith.constant 0 : i32
        %scan3A_325 = arith.constant 64 : i32
        %scan3A_326 = arith.addi %scan3A_324, %scan3A_325 : i32
        %scan3A_327 = arith.constant 1 : i32
        %scan3A_328 = scf.for %scan3A_330 = %scan3A_324 to %scan3A_326 step %scan3A_327 iter_args(%scan3A_331 = %scan3A_323) -> (i32)  : i32 {
          %mul3A_332 = arith.constant 64 : i32
          %mul3A_333 = arith.muli %and3A_304, %mul3A_332 : i32
          %add3A_334 = arith.addi %mul3A_333, %scan3A_330 : i32
          %add3A_335 = vector.broadcast %add3A_334 : i32 to vector<16xi32>
          %add3A_336 = arith.addi %broadcast_in_dim3A_2, %add3A_335 : vector<16xi32>
          %gather3A = tpu.vector_load_idx %arg17[%add3A_336] : memref<2048xf32, #tpu.memory_space<vmem>>[vector<16xi32>], vector<16xf32>,
          %add3A_337 = vector.broadcast %add3A_334 : i32 to vector<16xi32>
          %add3A_338 = arith.addi %broadcast_in_dim3A_2, %add3A_337 : vector<16xi32>
          %gather3A_339 = tpu.vector_load_idx %arg16[%add3A_338] : memref<2048xi32, #tpu.memory_space<vmem>>[vector<16xi32>], vector<16xi32>,
          %scan3A_340 = arith.constant 0 : i32
          %scan3A_341 = arith.constant 0 : i32
          %scan3A_342 = arith.constant 16 : i32
          %scan3A_343 = arith.addi %scan3A_341, %scan3A_342 : i32
          %scan3A_344 = arith.constant 1 : i32
          %scan3A_345 = scf.for %scan3A_348 = %scan3A_341 to %scan3A_343 step %scan3A_344 iter_args(%scan3A_349 = %scan3A_340) -> (i32)  : i32 {
            %mul3A_350 = arith.constant 16 : i32
            %mul3A_351 = arith.muli %scan3A_348, %mul3A_350 : i32
            %mul3A_352 = arith.constant 256 : i32
            %mul3A_353 = vector.broadcast %mul3A_352 : i32 to vector<16xi32>
            %mul3A_354 = arith.muli %gather3A_339, %mul3A_353 : vector<16xi32>
            %mul3A_355 = arith.constant 16 : i32
            %mul3A_356 = arith.muli %scan3A_348, %mul3A_355 : i32
            %add3A_357 = vector.broadcast %mul3A_356 : i32 to vector<16xi32>
            %add3A_358 = arith.addi %add3A_357, %iota3A : vector<16xi32>
            %add3A_359 = arith.addi %mul3A_354, %add3A_358 : vector<16xi32>
            %get3A = arith.index_cast %scan3A_330 : i32 to index
            %get3A_360 = arith.index_cast %mul3A_351 : i32 to index
            %get3A_361 = tpu.vector_load %arg18[%get3A, %get3A_360] {strides = array<i32>} : memref<64x256xf32, #tpu.memory_space<vmem>>, vector<16xf32>,
            %mul3A_362 = arith.mulf %get3A_361, %gather3A : vector<16xf32>
            tpu.vector_store_idx %arg14[%add3A_359], %mul3A_362 {add = true} : memref<83968xf32, #tpu.memory_space<vmem>>[vector<16xi32>], vector<16xf32>,
            %scan3A_363 = arith.constant 0 : i32
            scf.yield %scan3A_363 : i32
          }
          %scan3A_346 = arith.constant 16 : i32
          %scan3A_347 = arith.constant 0 : i32
          scf.yield %scan3A_347 : i32
        }
        %scan3A_329 = arith.constant 64 : i32
      }
      %while3A_299 = arith.constant 1 : i32
      scf.for %while3A_302 = %while3A_297 to %while3A_293 step %while3A_299  : i32 {
        %and3A_303 = arith.constant 31 : i32
        %and3A_304 = arith.andi %while3A_302, %and3A_303 : i32
        %dma_start3A = arith.constant 0 : i32
        %dma_start3A_305 = tpu.memref_slice %arg15[%and3A_304, %dma_start3A] : memref<32x64xi32, #tpu.memory_space<vmem>> -> memref<1x64xi32, #tpu.memory_space<vmem>>
        %dma_start3A_306 = tpu.memref_squeeze %dma_start3A_305 : memref<1x64xi32, #tpu.memory_space<vmem>> -> memref<64xi32, #tpu.memory_space<vmem>>
        %dma_start3A_307 = arith.constant 0 : i32
        %dma_start3A_308 = arith.constant 0 : i32
        %dma_start3A_309 = tpu.memref_slice %arg2[%arg0, %dma_start3A_307, %dma_start3A_308] : memref<2x10000x256xf32, #tpu.memory_space<hbm>> -> memref<1x10000x256xf32, #tpu.memory_space<hbm>>
        %dma_start3A_310 = tpu.memref_squeeze %dma_start3A_309 : memref<1x10000x256xf32, #tpu.memory_space<hbm>> -> memref<10000x256xf32, #tpu.memory_space<hbm>>
        %dma_start3A_311 = arith.constant 0 : i32
        %dma_start3A_312 = arith.constant 0 : i32
        %dma_start3A_313 = tpu.memref_slice %dma_start3A_310[%dma_start3A_311, %dma_start3A_312] : memref<10000x256xf32, #tpu.memory_space<hbm>> -> memref<10000x256xf32, #tpu.memory_space<hbm>>
        tpu.enqueue_indirect_dma source(%dma_start3A_313 : memref<10000x256xf32, #tpu.memory_space<hbm>>) target(%arg18 : memref<64x256xf32, #tpu.memory_space<vmem>>) offsets(%dma_start3A_306 : memref<64xi32, #tpu.memory_space<vmem>>) semaphore(%arg19 : memref<!tpu.dma_semaphore, #tpu.memory_space<semaphore_mem>>)
        %dma_wait3A = arith.constant 0 : i32
        %dma_wait3A_314 = tpu.memref_slice %arg15[%and3A_304, %dma_wait3A] : memref<32x64xi32, #tpu.memory_space<vmem>> -> memref<1x64xi32, #tpu.memory_space<vmem>>
        %dma_wait3A_315 = tpu.memref_squeeze %dma_wait3A_314 : memref<1x64xi32, #tpu.memory_space<vmem>> -> memref<64xi32, #tpu.memory_space<vmem>>
        %dma_wait3A_316 = arith.constant 0 : i32
        %dma_wait3A_317 = arith.constant 0 : i32
        %dma_wait3A_318 = tpu.memref_slice %arg2[%arg0, %dma_wait3A_316, %dma_wait3A_317] : memref<2x10000x256xf32, #tpu.memory_space<hbm>> -> memref<1x10000x256xf32, #tpu.memory_space<hbm>>
        %dma_wait3A_319 = tpu.memref_squeeze %dma_wait3A_318 : memref<1x10000x256xf32, #tpu.memory_space<hbm>> -> memref<10000x256xf32, #tpu.memory_space<hbm>>
        %dma_wait3A_320 = arith.constant 0 : i32
        %dma_wait3A_321 = arith.constant 0 : i32
        %dma_wait3A_322 = tpu.memref_slice %dma_wait3A_319[%dma_wait3A_320, %dma_wait3A_321] : memref<10000x256xf32, #tpu.memory_space<hbm>> -> memref<10000x256xf32, #tpu.memory_space<hbm>>
        tpu.wait_indirect_dma semaphore(%arg19 : memref<!tpu.dma_semaphore, #tpu.memory_space<semaphore_mem>>) src(%dma_wait3A_322 : memref<10000x256xf32, #tpu.memory_space<hbm>>) dst(%arg18 : memref<64x256xf32, #tpu.memory_space<vmem>>)
        %scan3A_323 = arith.constant 0 : i32
        %scan3A_324 = arith.constant 0 : i32
        %scan3A_325 = arith.constant 64 : i32
        %scan3A_326 = arith.addi %scan3A_324, %scan3A_325 : i32
        %scan3A_327 = arith.constant 1 : i32
        %scan3A_328 = scf.for %scan3A_330 = %scan3A_324 to %scan3A_326 step %scan3A_327 iter_args(%scan3A_331 = %scan3A_323) -> (i32)  : i32 {
          %mul3A_332 = arith.constant 64 : i32
          %mul3A_333 = arith.muli %and3A_304, %mul3A_332 : i32
          %add3A_334 = arith.addi %mul3A_333, %scan3A_330 : i32
          %add3A_335 = vector.broadcast %add3A_334 : i32 to vector<16xi32>
          %add3A_336 = arith.addi %broadcast_in_dim3A_2, %add3A_335 : vector<16xi32>
          %gather3A = tpu.vector_load_idx %arg17[%add3A_336] : memref<2048xf32, #tpu.memory_space<vmem>>[vector<16xi32>], vector<16xf32>,
          %add3A_337 = vector.broadcast %add3A_334 : i32 to vector<16xi32>
          %add3A_338 = arith.addi %broadcast_in_dim3A_2, %add3A_337 : vector<16xi32>
          %gather3A_339 = tpu.vector_load_idx %arg16[%add3A_338] : memref<2048xi32, #tpu.memory_space<vmem>>[vector<16xi32>], vector<16xi32>,
          %scan3A_340 = arith.constant 0 : i32
          %scan3A_341 = arith.constant 0 : i32
          %scan3A_342 = arith.constant 16 : i32
          %scan3A_343 = arith.addi %scan3A_341, %scan3A_342 : i32
          %scan3A_344 = arith.constant 1 : i32
          %scan3A_345 = scf.for %scan3A_348 = %scan3A_341 to %scan3A_343 step %scan3A_344 iter_args(%scan3A_349 = %scan3A_340) -> (i32)  : i32 {
            %mul3A_350 = arith.constant 16 : i32
            %mul3A_351 = arith.muli %scan3A_348, %mul3A_350 : i32
            %mul3A_352 = arith.constant 256 : i32
            %mul3A_353 = vector.broadcast %mul3A_352 : i32 to vector<16xi32>
            %mul3A_354 = arith.muli %gather3A_339, %mul3A_353 : vector<16xi32>
            %mul3A_355 = arith.constant 16 : i32
            %mul3A_356 = arith.muli %scan3A_348, %mul3A_355 : i32
            %add3A_357 = vector.broadcast %mul3A_356 : i32 to vector<16xi32>
            %add3A_358 = arith.addi %add3A_357, %iota3A : vector<16xi32>
            %add3A_359 = arith.addi %mul3A_354, %add3A_358 : vector<16xi32>
            %get3A = arith.index_cast %scan3A_330 : i32 to index
            %get3A_360 = arith.index_cast %mul3A_351 : i32 to index
            %get3A_361 = tpu.vector_load %arg18[%get3A, %get3A_360] {strides = array<i32>} : memref<64x256xf32, #tpu.memory_space<vmem>>, vector<16xf32>,
            %mul3A_362 = arith.mulf %get3A_361, %gather3A : vector<16xf32>
            tpu.vector_store_idx %arg14[%add3A_359], %mul3A_362 {add = true} : memref<83968xf32, #tpu.memory_space<vmem>>[vector<16xi32>], vector<16xf32>,
            %scan3A_363 = arith.constant 0 : i32
            scf.yield %scan3A_363 : i32
          }
          %scan3A_346 = arith.constant 16 : i32
          %scan3A_347 = arith.constant 0 : i32
          scf.yield %scan3A_347 : i32
        }
        %scan3A_329 = arith.constant 64 : i32
      }
      %shift_right_logical3A_300 = arith.constant 6 : i32
      %shift_right_logical3A_301 = arith.shrui %scan3A_288, %shift_right_logical3A_300 : i32
      scf.yield %scan3A_288, %shift_right_logical3A_301 : i32, i32
    }
    %scan3A_94 = arith.constant 128 : i32
    %add3A_95 = arith.constant 0 : i32
    %add3A_96 = arith.addi %scan3A_93#0, %add3A_95 : i32
    %add3A_97 = vector.broadcast %add3A_96 : i32 to vector<16xi32>
    %add3A_98 = arith.addi %add3A_97, %iota3A : vector<16xi32>
    %and3A = arith.constant 2047 : i32
    %and3A_99 = vector.broadcast %and3A : i32 to vector<16xi32>
    %and3A_100 = arith.andi %add3A_98, %and3A_99 : vector<16xi32>
    %shift_right_logical3A = arith.constant 6 : i32
    %shift_right_logical3A_101 = vector.broadcast %shift_right_logical3A : i32 to vector<16xi32>
    %shift_right_logical3A_102 = arith.shrui %and3A_100, %shift_right_logical3A_101 : vector<16xi32>
    %and3A_103 = arith.constant 63 : i32
    %and3A_104 = vector.broadcast %and3A_103 : i32 to vector<16xi32>
    %and3A_105 = arith.andi %and3A_100, %and3A_104 : vector<16xi32>
    tpu.vector_store_idx %arg15[%shift_right_logical3A_102, %and3A_105], %broadcast_in_dim3A_2 : memref<32x64xi32, #tpu.memory_space<vmem>>[vector<16xi32>, vector<16xi32>], vector<16xi32>,
    %add3A_106 = arith.constant 320 : i32
    %add3A_107 = vector.broadcast %add3A_106 : i32 to vector<16xi32>
    %add3A_108 = arith.addi %broadcast_in_dim3A_2, %add3A_107 : vector<16xi32>
    tpu.vector_store_idx %arg16[%and3A_100], %add3A_108 : memref<2048xi32, #tpu.memory_space<vmem>>[vector<16xi32>], vector<16xi32>,
    tpu.vector_store_idx %arg17[%and3A_100], %broadcast_in_dim3A_0 : memref<2048xf32, #tpu.memory_space<vmem>>[vector<16xi32>], vector<16xf32>,
    %add3A_109 = arith.constant 16 : i32
    %add3A_110 = arith.addi %scan3A_93#0, %add3A_109 : i32
    %add3A_111 = vector.broadcast %add3A_110 : i32 to vector<16xi32>
    %add3A_112 = arith.addi %add3A_111, %iota3A : vector<16xi32>
    %and3A_113 = arith.constant 2047 : i32
    %and3A_114 = vector.broadcast %and3A_113 : i32 to vector<16xi32>
    %and3A_115 = arith.andi %add3A_112, %and3A_114 : vector<16xi32>
    %shift_right_logical3A_116 = arith.constant 6 : i32
    %shift_right_logical3A_117 = vector.broadcast %shift_right_logical3A_116 : i32 to vector<16xi32>
    %shift_right_logical3A_118 = arith.shrui %and3A_115, %shift_right_logical3A_117 : vector<16xi32>
    %and3A_119 = arith.constant 63 : i32
    %and3A_120 = vector.broadcast %and3A_119 : i32 to vector<16xi32>
    %and3A_121 = arith.andi %and3A_115, %and3A_120 : vector<16xi32>
    tpu.vector_store_idx %arg15[%shift_right_logical3A_118, %and3A_121], %broadcast_in_dim3A_2 : memref<32x64xi32, #tpu.memory_space<vmem>>[vector<16xi32>, vector<16xi32>], vector<16xi32>,
    %add3A_122 = arith.constant 320 : i32
    %add3A_123 = vector.broadcast %add3A_122 : i32 to vector<16xi32>
    %add3A_124 = arith.addi %broadcast_in_dim3A_2, %add3A_123 : vector<16xi32>
    tpu.vector_store_idx %arg16[%and3A_115], %add3A_124 : memref<2048xi32, #tpu.memory_space<vmem>>[vector<16xi32>], vector<16xi32>,
    tpu.vector_store_idx %arg17[%and3A_115], %broadcast_in_dim3A_0 : memref<2048xf32, #tpu.memory_space<vmem>>[vector<16xi32>], vector<16xf32>,
    %add3A_125 = arith.constant 32 : i32
    %add3A_126 = arith.addi %scan3A_93#0, %add3A_125 : i32
    %add3A_127 = vector.broadcast %add3A_126 : i32 to vector<16xi32>
    %add3A_128 = arith.addi %add3A_127, %iota3A : vector<16xi32>
    %and3A_129 = arith.constant 2047 : i32
    %and3A_130 = vector.broadcast %and3A_129 : i32 to vector<16xi32>
    %and3A_131 = arith.andi %add3A_128, %and3A_130 : vector<16xi32>
    %shift_right_logical3A_132 = arith.constant 6 : i32
    %shift_right_logical3A_133 = vector.broadcast %shift_right_logical3A_132 : i32 to vector<16xi32>
    %shift_right_logical3A_134 = arith.shrui %and3A_131, %shift_right_logical3A_133 : vector<16xi32>
    %and3A_135 = arith.constant 63 : i32
    %and3A_136 = vector.broadcast %and3A_135 : i32 to vector<16xi32>
    %and3A_137 = arith.andi %and3A_131, %and3A_136 : vector<16xi32>
    tpu.vector_store_idx %arg15[%shift_right_logical3A_134, %and3A_137], %broadcast_in_dim3A_2 : memref<32x64xi32, #tpu.memory_space<vmem>>[vector<16xi32>, vector<16xi32>], vector<16xi32>,
    %add3A_138 = arith.constant 320 : i32
    %add3A_139 = vector.broadcast %add3A_138 : i32 to vector<16xi32>
    %add3A_140 = arith.addi %broadcast_in_dim3A_2, %add3A_139 : vector<16xi32>
    tpu.vector_store_idx %arg16[%and3A_131], %add3A_140 : memref<2048xi32, #tpu.memory_space<vmem>>[vector<16xi32>], vector<16xi32>,
    tpu.vector_store_idx %arg17[%and3A_131], %broadcast_in_dim3A_0 : memref<2048xf32, #tpu.memory_space<vmem>>[vector<16xi32>], vector<16xf32>,
    %add3A_141 = arith.constant 48 : i32
    %add3A_142 = arith.addi %scan3A_93#0, %add3A_141 : i32
    %add3A_143 = vector.broadcast %add3A_142 : i32 to vector<16xi32>
    %add3A_144 = arith.addi %add3A_143, %iota3A : vector<16xi32>
    %and3A_145 = arith.constant 2047 : i32
    %and3A_146 = vector.broadcast %and3A_145 : i32 to vector<16xi32>
    %and3A_147 = arith.andi %add3A_144, %and3A_146 : vector<16xi32>
    %shift_right_logical3A_148 = arith.constant 6 : i32
    %shift_right_logical3A_149 = vector.broadcast %shift_right_logical3A_148 : i32 to vector<16xi32>
    %shift_right_logical3A_150 = arith.shrui %and3A_147, %shift_right_logical3A_149 : vector<16xi32>
    %and3A_151 = arith.constant 63 : i32
    %and3A_152 = vector.broadcast %and3A_151 : i32 to vector<16xi32>
    %and3A_153 = arith.andi %and3A_147, %and3A_152 : vector<16xi32>
    tpu.vector_store_idx %arg15[%shift_right_logical3A_150, %and3A_153], %broadcast_in_dim3A_2 : memref<32x64xi32, #tpu.memory_space<vmem>>[vector<16xi32>, vector<16xi32>], vector<16xi32>,
    %add3A_154 = arith.constant 320 : i32
    %add3A_155 = vector.broadcast %add3A_154 : i32 to vector<16xi32>
    %add3A_156 = arith.addi %broadcast_in_dim3A_2, %add3A_155 : vector<16xi32>
    tpu.vector_store_idx %arg16[%and3A_147], %add3A_156 : memref<2048xi32, #tpu.memory_space<vmem>>[vector<16xi32>], vector<16xi32>,
    tpu.vector_store_idx %arg17[%and3A_147], %broadcast_in_dim3A_0 : memref<2048xf32, #tpu.memory_space<vmem>>[vector<16xi32>], vector<16xf32>,
    %add3A_157 = arith.constant 64 : i32
    %add3A_158 = arith.addi %scan3A_93#0, %add3A_157 : i32
    %sub3A = arith.constant 1 : i32
    %sub3A_159 = arith.subi %add3A_158, %sub3A : i32
    %shift_right_logical3A_160 = arith.constant 6 : i32
    %shift_right_logical3A_161 = arith.shrui %sub3A_159, %shift_right_logical3A_160 : i32
    %while3A = arith.subi %shift_right_logical3A_161, %scan3A_93#1 : i32
    %while3A_162 = arith.addi %scan3A_93#1, %while3A : i32
    %while3A_163 = arith.constant 1 : i32
    %while3A_164 = arith.divsi %while3A, %while3A_163 : i32
    %while3A_165 = arith.muli %while3A_164, %while3A_163 : i32
    %while3A_166 = arith.addi %scan3A_93#1, %while3A_165 : i32
    %while3A_167 = arith.constant 1 : i32
    scf.for %while3A_276 = %scan3A_93#1 to %while3A_166 step %while3A_167  : i32 {
      %and3A_277 = arith.constant 31 : i32
      %and3A_278 = arith.andi %while3A_276, %and3A_277 : i32
      %dma_start3A = arith.constant 0 : i32
      %dma_start3A_279 = tpu.memref_slice %arg15[%and3A_278, %dma_start3A] : memref<32x64xi32, #tpu.memory_space<vmem>> -> memref<1x64xi32, #tpu.memory_space<vmem>>
      %dma_start3A_280 = tpu.memref_squeeze %dma_start3A_279 : memref<1x64xi32, #tpu.memory_space<vmem>> -> memref<64xi32, #tpu.memory_space<vmem>>
      %dma_start3A_281 = arith.constant 0 : i32
      %dma_start3A_282 = arith.constant 0 : i32
      %dma_start3A_283 = tpu.memref_slice %arg2[%arg0, %dma_start3A_281, %dma_start3A_282] : memref<2x10000x256xf32, #tpu.memory_space<hbm>> -> memref<1x10000x256xf32, #tpu.memory_space<hbm>>
      %dma_start3A_284 = tpu.memref_squeeze %dma_start3A_283 : memref<1x10000x256xf32, #tpu.memory_space<hbm>> -> memref<10000x256xf32, #tpu.memory_space<hbm>>
      %dma_start3A_285 = arith.constant 0 : i32
      %dma_start3A_286 = arith.constant 0 : i32
      %dma_start3A_287 = tpu.memref_slice %dma_start3A_284[%dma_start3A_285, %dma_start3A_286] : memref<10000x256xf32, #tpu.memory_space<hbm>> -> memref<10000x256xf32, #tpu.memory_space<hbm>>
      tpu.enqueue_indirect_dma source(%dma_start3A_287 : memref<10000x256xf32, #tpu.memory_space<hbm>>) target(%arg18 : memref<64x256xf32, #tpu.memory_space<vmem>>) offsets(%dma_start3A_280 : memref<64xi32, #tpu.memory_space<vmem>>) semaphore(%arg19 : memref<!tpu.dma_semaphore, #tpu.memory_space<semaphore_mem>>)
      %dma_wait3A = arith.constant 0 : i32
      %dma_wait3A_288 = tpu.memref_slice %arg15[%and3A_278, %dma_wait3A] : memref<32x64xi32, #tpu.memory_space<vmem>> -> memref<1x64xi32, #tpu.memory_space<vmem>>
      %dma_wait3A_289 = tpu.memref_squeeze %dma_wait3A_288 : memref<1x64xi32, #tpu.memory_space<vmem>> -> memref<64xi32, #tpu.memory_space<vmem>>
      %dma_wait3A_290 = arith.constant 0 : i32
      %dma_wait3A_291 = arith.constant 0 : i32
      %dma_wait3A_292 = tpu.memref_slice %arg2[%arg0, %dma_wait3A_290, %dma_wait3A_291] : memref<2x10000x256xf32, #tpu.memory_space<hbm>> -> memref<1x10000x256xf32, #tpu.memory_space<hbm>>
      %dma_wait3A_293 = tpu.memref_squeeze %dma_wait3A_292 : memref<1x10000x256xf32, #tpu.memory_space<hbm>> -> memref<10000x256xf32, #tpu.memory_space<hbm>>
      %dma_wait3A_294 = arith.constant 0 : i32
      %dma_wait3A_295 = arith.constant 0 : i32
      %dma_wait3A_296 = tpu.memref_slice %dma_wait3A_293[%dma_wait3A_294, %dma_wait3A_295] : memref<10000x256xf32, #tpu.memory_space<hbm>> -> memref<10000x256xf32, #tpu.memory_space<hbm>>
      tpu.wait_indirect_dma semaphore(%arg19 : memref<!tpu.dma_semaphore, #tpu.memory_space<semaphore_mem>>) src(%dma_wait3A_296 : memref<10000x256xf32, #tpu.memory_space<hbm>>) dst(%arg18 : memref<64x256xf32, #tpu.memory_space<vmem>>)
      %scan3A_297 = arith.constant 0 : i32
      %scan3A_298 = arith.constant 0 : i32
      %scan3A_299 = arith.constant 64 : i32
      %scan3A_300 = arith.addi %scan3A_298, %scan3A_299 : i32
      %scan3A_301 = arith.constant 1 : i32
      %scan3A_302 = scf.for %scan3A_304 = %scan3A_298 to %scan3A_300 step %scan3A_301 iter_args(%scan3A_305 = %scan3A_297) -> (i32)  : i32 {
        %mul3A_306 = arith.constant 64 : i32
        %mul3A_307 = arith.muli %and3A_278, %mul3A_306 : i32
        %add3A_308 = arith.addi %mul3A_307, %scan3A_304 : i32
        %add3A_309 = vector.broadcast %add3A_308 : i32 to vector<16xi32>
        %add3A_310 = arith.addi %broadcast_in_dim3A_2, %add3A_309 : vector<16xi32>
        %gather3A = tpu.vector_load_idx %arg17[%add3A_310] : memref<2048xf32, #tpu.memory_space<vmem>>[vector<16xi32>], vector<16xf32>,
        %add3A_311 = vector.broadcast %add3A_308 : i32 to vector<16xi32>
        %add3A_312 = arith.addi %broadcast_in_dim3A_2, %add3A_311 : vector<16xi32>
        %gather3A_313 = tpu.vector_load_idx %arg16[%add3A_312] : memref<2048xi32, #tpu.memory_space<vmem>>[vector<16xi32>], vector<16xi32>,
        %scan3A_314 = arith.constant 0 : i32
        %scan3A_315 = arith.constant 0 : i32
        %scan3A_316 = arith.constant 16 : i32
        %scan3A_317 = arith.addi %scan3A_315, %scan3A_316 : i32
        %scan3A_318 = arith.constant 1 : i32
        %scan3A_319 = scf.for %scan3A_322 = %scan3A_315 to %scan3A_317 step %scan3A_318 iter_args(%scan3A_323 = %scan3A_314) -> (i32)  : i32 {
          %mul3A_324 = arith.constant 16 : i32
          %mul3A_325 = arith.muli %scan3A_322, %mul3A_324 : i32
          %mul3A_326 = arith.constant 256 : i32
          %mul3A_327 = vector.broadcast %mul3A_326 : i32 to vector<16xi32>
          %mul3A_328 = arith.muli %gather3A_313, %mul3A_327 : vector<16xi32>
          %mul3A_329 = arith.constant 16 : i32
          %mul3A_330 = arith.muli %scan3A_322, %mul3A_329 : i32
          %add3A_331 = vector.broadcast %mul3A_330 : i32 to vector<16xi32>
          %add3A_332 = arith.addi %add3A_331, %iota3A : vector<16xi32>
          %add3A_333 = arith.addi %mul3A_328, %add3A_332 : vector<16xi32>
          %get3A = arith.index_cast %scan3A_304 : i32 to index
          %get3A_334 = arith.index_cast %mul3A_325 : i32 to index
          %get3A_335 = tpu.vector_load %arg18[%get3A, %get3A_334] {strides = array<i32>} : memref<64x256xf32, #tpu.memory_space<vmem>>, vector<16xf32>,
          %mul3A_336 = arith.mulf %get3A_335, %gather3A : vector<16xf32>
          tpu.vector_store_idx %arg14[%add3A_333], %mul3A_336 {add = true} : memref<83968xf32, #tpu.memory_space<vmem>>[vector<16xi32>], vector<16xf32>,
          %scan3A_337 = arith.constant 0 : i32
          scf.yield %scan3A_337 : i32
        }
        %scan3A_320 = arith.constant 16 : i32
        %scan3A_321 = arith.constant 0 : i32
        scf.yield %scan3A_321 : i32
      }
      %scan3A_303 = arith.constant 64 : i32
    }
    %while3A_168 = arith.constant 1 : i32
    scf.for %while3A_276 = %while3A_166 to %while3A_162 step %while3A_168  : i32 {
      %and3A_277 = arith.constant 31 : i32
      %and3A_278 = arith.andi %while3A_276, %and3A_277 : i32
      %dma_start3A = arith.constant 0 : i32
      %dma_start3A_279 = tpu.memref_slice %arg15[%and3A_278, %dma_start3A] : memref<32x64xi32, #tpu.memory_space<vmem>> -> memref<1x64xi32, #tpu.memory_space<vmem>>
      %dma_start3A_280 = tpu.memref_squeeze %dma_start3A_279 : memref<1x64xi32, #tpu.memory_space<vmem>> -> memref<64xi32, #tpu.memory_space<vmem>>
      %dma_start3A_281 = arith.constant 0 : i32
      %dma_start3A_282 = arith.constant 0 : i32
      %dma_start3A_283 = tpu.memref_slice %arg2[%arg0, %dma_start3A_281, %dma_start3A_282] : memref<2x10000x256xf32, #tpu.memory_space<hbm>> -> memref<1x10000x256xf32, #tpu.memory_space<hbm>>
      %dma_start3A_284 = tpu.memref_squeeze %dma_start3A_283 : memref<1x10000x256xf32, #tpu.memory_space<hbm>> -> memref<10000x256xf32, #tpu.memory_space<hbm>>
      %dma_start3A_285 = arith.constant 0 : i32
      %dma_start3A_286 = arith.constant 0 : i32
      %dma_start3A_287 = tpu.memref_slice %dma_start3A_284[%dma_start3A_285, %dma_start3A_286] : memref<10000x256xf32, #tpu.memory_space<hbm>> -> memref<10000x256xf32, #tpu.memory_space<hbm>>
      tpu.enqueue_indirect_dma source(%dma_start3A_287 : memref<10000x256xf32, #tpu.memory_space<hbm>>) target(%arg18 : memref<64x256xf32, #tpu.memory_space<vmem>>) offsets(%dma_start3A_280 : memref<64xi32, #tpu.memory_space<vmem>>) semaphore(%arg19 : memref<!tpu.dma_semaphore, #tpu.memory_space<semaphore_mem>>)
      %dma_wait3A = arith.constant 0 : i32
      %dma_wait3A_288 = tpu.memref_slice %arg15[%and3A_278, %dma_wait3A] : memref<32x64xi32, #tpu.memory_space<vmem>> -> memref<1x64xi32, #tpu.memory_space<vmem>>
      %dma_wait3A_289 = tpu.memref_squeeze %dma_wait3A_288 : memref<1x64xi32, #tpu.memory_space<vmem>> -> memref<64xi32, #tpu.memory_space<vmem>>
      %dma_wait3A_290 = arith.constant 0 : i32
      %dma_wait3A_291 = arith.constant 0 : i32
      %dma_wait3A_292 = tpu.memref_slice %arg2[%arg0, %dma_wait3A_290, %dma_wait3A_291] : memref<2x10000x256xf32, #tpu.memory_space<hbm>> -> memref<1x10000x256xf32, #tpu.memory_space<hbm>>
      %dma_wait3A_293 = tpu.memref_squeeze %dma_wait3A_292 : memref<1x10000x256xf32, #tpu.memory_space<hbm>> -> memref<10000x256xf32, #tpu.memory_space<hbm>>
      %dma_wait3A_294 = arith.constant 0 : i32
      %dma_wait3A_295 = arith.constant 0 : i32
      %dma_wait3A_296 = tpu.memref_slice %dma_wait3A_293[%dma_wait3A_294, %dma_wait3A_295] : memref<10000x256xf32, #tpu.memory_space<hbm>> -> memref<10000x256xf32, #tpu.memory_space<hbm>>
      tpu.wait_indirect_dma semaphore(%arg19 : memref<!tpu.dma_semaphore, #tpu.memory_space<semaphore_mem>>) src(%dma_wait3A_296 : memref<10000x256xf32, #tpu.memory_space<hbm>>) dst(%arg18 : memref<64x256xf32, #tpu.memory_space<vmem>>)
      %scan3A_297 = arith.constant 0 : i32
      %scan3A_298 = arith.constant 0 : i32
      %scan3A_299 = arith.constant 64 : i32
      %scan3A_300 = arith.addi %scan3A_298, %scan3A_299 : i32
      %scan3A_301 = arith.constant 1 : i32
      %scan3A_302 = scf.for %scan3A_304 = %scan3A_298 to %scan3A_300 step %scan3A_301 iter_args(%scan3A_305 = %scan3A_297) -> (i32)  : i32 {
        %mul3A_306 = arith.constant 64 : i32
        %mul3A_307 = arith.muli %and3A_278, %mul3A_306 : i32
        %add3A_308 = arith.addi %mul3A_307, %scan3A_304 : i32
        %add3A_309 = vector.broadcast %add3A_308 : i32 to vector<16xi32>
        %add3A_310 = arith.addi %broadcast_in_dim3A_2, %add3A_309 : vector<16xi32>
        %gather3A = tpu.vector_load_idx %arg17[%add3A_310] : memref<2048xf32, #tpu.memory_space<vmem>>[vector<16xi32>], vector<16xf32>,
        %add3A_311 = vector.broadcast %add3A_308 : i32 to vector<16xi32>
        %add3A_312 = arith.addi %broadcast_in_dim3A_2, %add3A_311 : vector<16xi32>
        %gather3A_313 = tpu.vector_load_idx %arg16[%add3A_312] : memref<2048xi32, #tpu.memory_space<vmem>>[vector<16xi32>], vector<16xi32>,
        %scan3A_314 = arith.constant 0 : i32
        %scan3A_315 = arith.constant 0 : i32
        %scan3A_316 = arith.constant 16 : i32
        %scan3A_317 = arith.addi %scan3A_315, %scan3A_316 : i32
        %scan3A_318 = arith.constant 1 : i32
        %scan3A_319 = scf.for %scan3A_322 = %scan3A_315 to %scan3A_317 step %scan3A_318 iter_args(%scan3A_323 = %scan3A_314) -> (i32)  : i32 {
          %mul3A_324 = arith.constant 16 : i32
          %mul3A_325 = arith.muli %scan3A_322, %mul3A_324 : i32
          %mul3A_326 = arith.constant 256 : i32
          %mul3A_327 = vector.broadcast %mul3A_326 : i32 to vector<16xi32>
          %mul3A_328 = arith.muli %gather3A_313, %mul3A_327 : vector<16xi32>
          %mul3A_329 = arith.constant 16 : i32
          %mul3A_330 = arith.muli %scan3A_322, %mul3A_329 : i32
          %add3A_331 = vector.broadcast %mul3A_330 : i32 to vector<16xi32>
          %add3A_332 = arith.addi %add3A_331, %iota3A : vector<16xi32>
          %add3A_333 = arith.addi %mul3A_328, %add3A_332 : vector<16xi32>
          %get3A = arith.index_cast %scan3A_304 : i32 to index
          %get3A_334 = arith.index_cast %mul3A_325 : i32 to index
          %get3A_335 = tpu.vector_load %arg18[%get3A, %get3A_334] {strides = array<i32>} : memref<64x256xf32, #tpu.memory_space<vmem>>, vector<16xf32>,
          %mul3A_336 = arith.mulf %get3A_335, %gather3A : vector<16xf32>
          tpu.vector_store_idx %arg14[%add3A_333], %mul3A_336 {add = true} : memref<83968xf32, #tpu.memory_space<vmem>>[vector<16xi32>], vector<16xf32>,
          %scan3A_337 = arith.constant 0 : i32
          scf.yield %scan3A_337 : i32
        }
        %scan3A_320 = arith.constant 16 : i32
        %scan3A_321 = arith.constant 0 : i32
        scf.yield %scan3A_321 : i32
      }
      %scan3A_303 = arith.constant 64 : i32
    }
    %mul3A_169 = arith.constant 2621440 : i32
    %mul3A_170 = arith.muli %arg0, %mul3A_169 : i32
    %mul3A_171 = arith.constant 256 : i32
    %mul3A_172 = arith.muli %add3A_79, %mul3A_171 : i32
    %add3A_173 = arith.addi %mul3A_170, %mul3A_172 : i32
    "tpu.region"() ({
      %run_scoped3A = tpu.sem_alloc : memref<!tpu.dma_semaphore, #tpu.memory_space<semaphore_mem>>
      %dma_start3A = arith.constant 0 : i32
      %dma_start3A_276 = tpu.memref_slice %arg14[%dma_start3A] : memref<83968xf32, #tpu.memory_space<vmem>> -> memref<81920xf32, #tpu.memory_space<vmem>>
      %dma_start3A_277 = tpu.memref_slice %arg7[%add3A_173] : memref<5242880xf32, #tpu.memory_space<hbm>> -> memref<81920xf32, #tpu.memory_space<hbm>>
      %dma_start3A_278 = tpu.memref_slice %arg7[%add3A_173] : memref<5242880xf32, #tpu.memory_space<hbm>> -> memref<81920xf32, #tpu.memory_space<hbm>>
      %dma_start3A_279 = arith.constant 0 : i32
      %dma_start3A_280 = tpu.memref_slice %arg14[%dma_start3A_279] : memref<83968xf32, #tpu.memory_space<vmem>> -> memref<81920xf32, #tpu.memory_space<vmem>>
      tpu.enqueue_dma source(%dma_start3A_280 : memref<81920xf32, #tpu.memory_space<vmem>>) target(%dma_start3A_278 : memref<81920xf32, #tpu.memory_space<hbm>>) target_semaphore(%run_scoped3A : memref<!tpu.dma_semaphore, #tpu.memory_space<semaphore_mem>>)
      %dma_wait3A = arith.constant 0 : i32
      %dma_wait3A_281 = tpu.memref_slice %arg14[%dma_wait3A] : memref<83968xf32, #tpu.memory_space<vmem>> -> memref<81920xf32, #tpu.memory_space<vmem>>
      %dma_wait3A_282 = tpu.memref_slice %arg7[%add3A_173] : memref<5242880xf32, #tpu.memory_space<hbm>> -> memref<81920xf32, #tpu.memory_space<hbm>>
      %dma_wait3A_283 = tpu.memref_slice %arg7[%add3A_173] : memref<5242880xf32, #tpu.memory_space<hbm>> -> memref<81920xf32, #tpu.memory_space<hbm>>
      %dma_wait3A_284 = arith.constant 0 : i32
      %dma_wait3A_285 = tpu.memref_slice %arg14[%dma_wait3A_284] : memref<83968xf32, #tpu.memory_space<vmem>> -> memref<81920xf32, #tpu.memory_space<vmem>>
      tpu.wait_dma2 semaphore(%run_scoped3A : memref<!tpu.dma_semaphore, #tpu.memory_space<semaphore_mem>>) src(%dma_wait3A_285 : memref<81920xf32, #tpu.memory_space<vmem>>) dst(%dma_wait3A_283 : memref<81920xf32, #tpu.memory_space<hbm>>)
      tpu.yield
    }) : () -> ()
    %mul3A_174 = arith.constant 320 : i32
    %mul3A_175 = arith.muli %arg1, %mul3A_174 : i32
    %add3A_176 = arith.constant 5120 : i32
    %add3A_177 = arith.addi %add3A_176, %mul3A_175 : i32
    %scan3A_178 = arith.constant 0 : i32
    %scan3A_179 = arith.constant 0 : i32
    %scan3A_180 = arith.constant 5248 : i32
    %scan3A_181 = arith.addi %scan3A_179, %scan3A_180 : i32
    %scan3A_182 = arith.constant 1 : i32
    %scan3A_183 = scf.for %scan3A_276 = %scan3A_179 to %scan3A_181 step %scan3A_182 iter_args(%scan3A_277 = %scan3A_178) -> (i32)  : i32 {
      %mul3A_278 = arith.constant 16 : i32
      %mul3A_279 = arith.muli %scan3A_276, %mul3A_278 : i32
      %swap3A = arith.index_cast %mul3A_279 : i32 to index
      %swap3A_280 = tpu.vector_load %arg14[%swap3A] {strides = array<i32>} : memref<83968xf32, #tpu.memory_space<vmem>>, vector<16xf32>,
      tpu.vector_store %arg14[%swap3A], %broadcast_in_dim3A_0 {strides = array<i32>} : memref<83968xf32, #tpu.memory_space<vmem>>, vector<16xf32>,
      %scan3A_281 = arith.constant 0 : i32
      scf.yield %scan3A_281 : i32
    }
    %scan3A_184 = arith.constant 5248 : i32
    %scan3A_185 = arith.constant 0 : i32
    %scan3A_186 = arith.constant 0 : i32
    %scan3A_187 = arith.constant 0 : i32
    %scan3A_188 = arith.constant 128 : i32
    %scan3A_189 = arith.addi %scan3A_187, %scan3A_188 : i32
    %scan3A_190 = arith.constant 1 : i32
    %scan3A_191:2 = scf.for %scan3A_276 = %scan3A_187 to %scan3A_189 step %scan3A_190 iter_args(%scan3A_277 = %scan3A_185, %scan3A_278 = %scan3A_186) -> (i32, i32)  : i32 {
      %mul3A_279 = arith.constant 1344 : i32
      %mul3A_280 = arith.muli %scan3A_276, %mul3A_279 : i32
      "tpu.region"() ({
        %run_scoped3A = tpu.sem_alloc : memref<!tpu.dma_semaphore, #tpu.memory_space<semaphore_mem>>
        %dma_start3A = tpu.memref_slice %arg3[%mul3A_280] : memref<172032xi32, #tpu.memory_space<hbm>> -> memref<1344xi32, #tpu.memory_space<hbm>>
        %dma_start3A_302 = tpu.memref_slice %arg3[%mul3A_280] : memref<172032xi32, #tpu.memory_space<hbm>> -> memref<1344xi32, #tpu.memory_space<hbm>>
        tpu.enqueue_dma source(%dma_start3A_302 : memref<1344xi32, #tpu.memory_space<hbm>>) target(%arg11 : memref<1344xi32, #tpu.memory_space<vmem>>) target_semaphore(%run_scoped3A : memref<!tpu.dma_semaphore, #tpu.memory_space<semaphore_mem>>)
        %dma_wait3A = tpu.memref_slice %arg3[%mul3A_280] : memref<172032xi32, #tpu.memory_space<hbm>> -> memref<1344xi32, #tpu.memory_space<hbm>>
        %dma_wait3A_303 = tpu.memref_slice %arg3[%mul3A_280] : memref<172032xi32, #tpu.memory_space<hbm>> -> memref<1344xi32, #tpu.memory_space<hbm>>
        tpu.wait_dma2 semaphore(%run_scoped3A : memref<!tpu.dma_semaphore, #tpu.memory_space<semaphore_mem>>) src(%dma_wait3A_303 : memref<1344xi32, #tpu.memory_space<hbm>>) dst(%arg11 : memref<1344xi32, #tpu.memory_space<vmem>>)
        tpu.yield
      }) : () -> ()
      "tpu.region"() ({
        %run_scoped3A = tpu.sem_alloc : memref<!tpu.dma_semaphore, #tpu.memory_space<semaphore_mem>>
        %dma_start3A = tpu.memref_slice %arg4[%mul3A_280] : memref<172032xi32, #tpu.memory_space<hbm>> -> memref<1344xi32, #tpu.memory_space<hbm>>
        %dma_start3A_302 = tpu.memref_slice %arg4[%mul3A_280] : memref<172032xi32, #tpu.memory_space<hbm>> -> memref<1344xi32, #tpu.memory_space<hbm>>
        tpu.enqueue_dma source(%dma_start3A_302 : memref<1344xi32, #tpu.memory_space<hbm>>) target(%arg12 : memref<1344xi32, #tpu.memory_space<vmem>>) target_semaphore(%run_scoped3A : memref<!tpu.dma_semaphore, #tpu.memory_space<semaphore_mem>>)
        %dma_wait3A = tpu.memref_slice %arg4[%mul3A_280] : memref<172032xi32, #tpu.memory_space<hbm>> -> memref<1344xi32, #tpu.memory_space<hbm>>
        %dma_wait3A_303 = tpu.memref_slice %arg4[%mul3A_280] : memref<172032xi32, #tpu.memory_space<hbm>> -> memref<1344xi32, #tpu.memory_space<hbm>>
        tpu.wait_dma2 semaphore(%run_scoped3A : memref<!tpu.dma_semaphore, #tpu.memory_space<semaphore_mem>>) src(%dma_wait3A_303 : memref<1344xi32, #tpu.memory_space<hbm>>) dst(%arg12 : memref<1344xi32, #tpu.memory_space<vmem>>)
        tpu.yield
      }) : () -> ()
      %mul3A_281 = arith.constant 172032 : i32
      %mul3A_282 = arith.muli %arg0, %mul3A_281 : i32
      %add3A_283 = arith.addi %mul3A_282, %mul3A_280 : i32
      "tpu.region"() ({
        %run_scoped3A = tpu.sem_alloc : memref<!tpu.dma_semaphore, #tpu.memory_space<semaphore_mem>>
        %dma_start3A = tpu.memref_slice %arg8[%add3A_283] : memref<344064xf32, #tpu.memory_space<hbm>> -> memref<1344xf32, #tpu.memory_space<hbm>>
        %dma_start3A_302 = tpu.memref_slice %arg8[%add3A_283] : memref<344064xf32, #tpu.memory_space<hbm>> -> memref<1344xf32, #tpu.memory_space<hbm>>
        tpu.enqueue_dma source(%dma_start3A_302 : memref<1344xf32, #tpu.memory_space<hbm>>) target(%arg13 : memref<1344xf32, #tpu.memory_space<vmem>>) target_semaphore(%run_scoped3A : memref<!tpu.dma_semaphore, #tpu.memory_space<semaphore_mem>>)
        %dma_wait3A = tpu.memref_slice %arg8[%add3A_283] : memref<344064xf32, #tpu.memory_space<hbm>> -> memref<1344xf32, #tpu.memory_space<hbm>>
        %dma_wait3A_303 = tpu.memref_slice %arg8[%add3A_283] : memref<344064xf32, #tpu.memory_space<hbm>> -> memref<1344xf32, #tpu.memory_space<hbm>>
        tpu.wait_dma2 semaphore(%run_scoped3A : memref<!tpu.dma_semaphore, #tpu.memory_space<semaphore_mem>>) src(%dma_wait3A_303 : memref<1344xf32, #tpu.memory_space<hbm>>) dst(%arg13 : memref<1344xf32, #tpu.memory_space<vmem>>)
        tpu.yield
      }) : () -> ()
      %scan3A_284 = arith.constant 0 : i32
      %scan3A_285 = arith.constant 84 : i32
      %scan3A_286 = arith.addi %scan3A_284, %scan3A_285 : i32
      %scan3A_287 = arith.constant 1 : i32
      %scan3A_288 = scf.for %scan3A_302 = %scan3A_284 to %scan3A_286 step %scan3A_287 iter_args(%scan3A_303 = %scan3A_277) -> (i32)  : i32 {
        %mul3A_304 = arith.constant 16 : i32
        %mul3A_305 = arith.muli %scan3A_302, %mul3A_304 : i32
        %get3A = arith.index_cast %mul3A_305 : i32 to index
        %get3A_306 = tpu.vector_load %arg12[%get3A] {strides = array<i32>} : memref<1344xi32, #tpu.memory_space<vmem>>, vector<16xi32>,
        %ge3A = vector.broadcast %add3A_177 : i32 to vector<16xi32>
        %ge3A_307 = arith.cmpi sge, %get3A_306, %ge3A : vector<16xi32>
        %add3A_308 = arith.constant 320 : i32
        %add3A_309 = arith.addi %add3A_177, %add3A_308 : i32
        %lt3A = vector.broadcast %add3A_309 : i32 to vector<16xi32>
        %lt3A_310 = arith.cmpi slt, %get3A_306, %lt3A : vector<16xi32>
        %and3A_311 = arith.andi %ge3A_307, %lt3A_310 : vector<16xi1>
        %convert_element_type3A = arith.extui %and3A_311 : vector<16xi1> to vector<16xi32>
        %broadcast_in_dim3A_312 = arith.constant true
        %broadcast_in_dim3A_313 = vector.broadcast %broadcast_in_dim3A_312 : i1 to vector<16xi1>
        %masked_cumsum3A = tpu.scan <sum>, %convert_element_type3A masked %broadcast_in_dim3A_313 : vector<16xi32>, vector<16xi1> -> vector<16xi32>
        %add3A_314 = vector.broadcast %scan3A_303 : i32 to vector<16xi32>
        %add3A_315 = arith.addi %add3A_314, %masked_cumsum3A : vector<16xi32>
        %sub3A_316 = arith.constant 1 : i32
        %sub3A_317 = vector.broadcast %sub3A_316 : i32 to vector<16xi32>
        %sub3A_318 = arith.subi %add3A_315, %sub3A_317 : vector<16xi32>
        %max3A = arith.constant 0 : i32
        %max3A_319 = vector.broadcast %max3A : i32 to vector<16xi32>
        %max3A_320 = arith.maxsi %sub3A_318, %max3A_319 : vector<16xi32>
        %and3A_321 = arith.constant 2047 : i32
        %and3A_322 = vector.broadcast %and3A_321 : i32 to vector<16xi32>
        %and3A_323 = arith.andi %max3A_320, %and3A_322 : vector<16xi32>
        %shift_right_logical3A_324 = arith.constant 6 : i32
        %shift_right_logical3A_325 = vector.broadcast %shift_right_logical3A_324 : i32 to vector<16xi32>
        %shift_right_logical3A_326 = arith.shrui %and3A_323, %shift_right_logical3A_325 : vector<16xi32>
        %and3A_327 = arith.constant 63 : i32
        %and3A_328 = vector.broadcast %and3A_327 : i32 to vector<16xi32>
        %and3A_329 = arith.andi %and3A_323, %and3A_328 : vector<16xi32>
        %get3A_330 = arith.index_cast %mul3A_305 : i32 to index
        %get3A_331 = tpu.vector_load %arg11[%get3A_330] {strides = array<i32>} : memref<1344xi32, #tpu.memory_space<vmem>>, vector<16xi32>,
        tpu.vector_store_idx %arg15[%shift_right_logical3A_326, %and3A_329], %get3A_331 masked %and3A_311 : memref<32x64xi32, #tpu.memory_space<vmem>>[vector<16xi32>, vector<16xi32>], vector<16xi32>, vector<16xi1>
        %sub3A_332 = vector.broadcast %add3A_177 : i32 to vector<16xi32>
        %sub3A_333 = arith.subi %get3A_306, %sub3A_332 : vector<16xi32>
        tpu.vector_store_idx %arg16[%and3A_323], %sub3A_333 masked %and3A_311 : memref<2048xi32, #tpu.memory_space<vmem>>[vector<16xi32>], vector<16xi32>, vector<16xi1>
        %get3A_334 = arith.index_cast %mul3A_305 : i32 to index
        %get3A_335 = tpu.vector_load %arg13[%get3A_334] {strides = array<i32>} : memref<1344xf32, #tpu.memory_space<vmem>>, vector<16xf32>,
        tpu.vector_store_idx %arg17[%and3A_323], %get3A_335 masked %and3A_311 : memref<2048xf32, #tpu.memory_space<vmem>>[vector<16xi32>], vector<16xf32>, vector<16xi1>
        %reduce_sum3A = arith.constant true
        %reduce_sum3A_336 = vector.broadcast %reduce_sum3A : i1 to vector<16xi1>
        %reduce_sum3A_337 = tpu.scan <sum>, %convert_element_type3A masked %reduce_sum3A_336 : vector<16xi32>, vector<16xi1> -> vector<16xi32>
        %reduce_sum3A_338 = vector.extract %reduce_sum3A_337[15] : i32 from vector<16xi32>
        %add3A_339 = arith.addi %scan3A_303, %reduce_sum3A_338 : i32
        scf.yield %add3A_339 : i32
      }
      %scan3A_289 = arith.constant 84 : i32
      %shift_right_logical3A_290 = arith.constant 6 : i32
      %shift_right_logical3A_291 = arith.shrui %scan3A_288, %shift_right_logical3A_290 : i32
      %while3A_292 = arith.subi %shift_right_logical3A_291, %scan3A_278 : i32
      %while3A_293 = arith.addi %scan3A_278, %while3A_292 : i32
      %while3A_294 = arith.constant 1 : i32
      %while3A_295 = arith.divsi %while3A_292, %while3A_294 : i32
      %while3A_296 = arith.muli %while3A_295, %while3A_294 : i32
      %while3A_297 = arith.addi %scan3A_278, %while3A_296 : i32
      %while3A_298 = arith.constant 1 : i32
      scf.for %while3A_302 = %scan3A_278 to %while3A_297 step %while3A_298  : i32 {
        %and3A_303 = arith.constant 31 : i32
        %and3A_304 = arith.andi %while3A_302, %and3A_303 : i32
        %dma_start3A = arith.constant 0 : i32
        %dma_start3A_305 = tpu.memref_slice %arg15[%and3A_304, %dma_start3A] : memref<32x64xi32, #tpu.memory_space<vmem>> -> memref<1x64xi32, #tpu.memory_space<vmem>>
        %dma_start3A_306 = tpu.memref_squeeze %dma_start3A_305 : memref<1x64xi32, #tpu.memory_space<vmem>> -> memref<64xi32, #tpu.memory_space<vmem>>
        %dma_start3A_307 = arith.constant 0 : i32
        %dma_start3A_308 = arith.constant 0 : i32
        %dma_start3A_309 = tpu.memref_slice %arg2[%arg0, %dma_start3A_307, %dma_start3A_308] : memref<2x10000x256xf32, #tpu.memory_space<hbm>> -> memref<1x10000x256xf32, #tpu.memory_space<hbm>>
        %dma_start3A_310 = tpu.memref_squeeze %dma_start3A_309 : memref<1x10000x256xf32, #tpu.memory_space<hbm>> -> memref<10000x256xf32, #tpu.memory_space<hbm>>
        %dma_start3A_311 = arith.constant 0 : i32
        %dma_start3A_312 = arith.constant 0 : i32
        %dma_start3A_313 = tpu.memref_slice %dma_start3A_310[%dma_start3A_311, %dma_start3A_312] : memref<10000x256xf32, #tpu.memory_space<hbm>> -> memref<10000x256xf32, #tpu.memory_space<hbm>>
        tpu.enqueue_indirect_dma source(%dma_start3A_313 : memref<10000x256xf32, #tpu.memory_space<hbm>>) target(%arg18 : memref<64x256xf32, #tpu.memory_space<vmem>>) offsets(%dma_start3A_306 : memref<64xi32, #tpu.memory_space<vmem>>) semaphore(%arg19 : memref<!tpu.dma_semaphore, #tpu.memory_space<semaphore_mem>>)
        %dma_wait3A = arith.constant 0 : i32
        %dma_wait3A_314 = tpu.memref_slice %arg15[%and3A_304, %dma_wait3A] : memref<32x64xi32, #tpu.memory_space<vmem>> -> memref<1x64xi32, #tpu.memory_space<vmem>>
        %dma_wait3A_315 = tpu.memref_squeeze %dma_wait3A_314 : memref<1x64xi32, #tpu.memory_space<vmem>> -> memref<64xi32, #tpu.memory_space<vmem>>
        %dma_wait3A_316 = arith.constant 0 : i32
        %dma_wait3A_317 = arith.constant 0 : i32
        %dma_wait3A_318 = tpu.memref_slice %arg2[%arg0, %dma_wait3A_316, %dma_wait3A_317] : memref<2x10000x256xf32, #tpu.memory_space<hbm>> -> memref<1x10000x256xf32, #tpu.memory_space<hbm>>
        %dma_wait3A_319 = tpu.memref_squeeze %dma_wait3A_318 : memref<1x10000x256xf32, #tpu.memory_space<hbm>> -> memref<10000x256xf32, #tpu.memory_space<hbm>>
        %dma_wait3A_320 = arith.constant 0 : i32
        %dma_wait3A_321 = arith.constant 0 : i32
        %dma_wait3A_322 = tpu.memref_slice %dma_wait3A_319[%dma_wait3A_320, %dma_wait3A_321] : memref<10000x256xf32, #tpu.memory_space<hbm>> -> memref<10000x256xf32, #tpu.memory_space<hbm>>
        tpu.wait_indirect_dma semaphore(%arg19 : memref<!tpu.dma_semaphore, #tpu.memory_space<semaphore_mem>>) src(%dma_wait3A_322 : memref<10000x256xf32, #tpu.memory_space<hbm>>) dst(%arg18 : memref<64x256xf32, #tpu.memory_space<vmem>>)
        %scan3A_323 = arith.constant 0 : i32
        %scan3A_324 = arith.constant 0 : i32
        %scan3A_325 = arith.constant 64 : i32
        %scan3A_326 = arith.addi %scan3A_324, %scan3A_325 : i32
        %scan3A_327 = arith.constant 1 : i32
        %scan3A_328 = scf.for %scan3A_330 = %scan3A_324 to %scan3A_326 step %scan3A_327 iter_args(%scan3A_331 = %scan3A_323) -> (i32)  : i32 {
          %mul3A_332 = arith.constant 64 : i32
          %mul3A_333 = arith.muli %and3A_304, %mul3A_332 : i32
          %add3A_334 = arith.addi %mul3A_333, %scan3A_330 : i32
          %add3A_335 = vector.broadcast %add3A_334 : i32 to vector<16xi32>
          %add3A_336 = arith.addi %broadcast_in_dim3A_2, %add3A_335 : vector<16xi32>
          %gather3A = tpu.vector_load_idx %arg17[%add3A_336] : memref<2048xf32, #tpu.memory_space<vmem>>[vector<16xi32>], vector<16xf32>,
          %add3A_337 = vector.broadcast %add3A_334 : i32 to vector<16xi32>
          %add3A_338 = arith.addi %broadcast_in_dim3A_2, %add3A_337 : vector<16xi32>
          %gather3A_339 = tpu.vector_load_idx %arg16[%add3A_338] : memref<2048xi32, #tpu.memory_space<vmem>>[vector<16xi32>], vector<16xi32>,
          %scan3A_340 = arith.constant 0 : i32
          %scan3A_341 = arith.constant 0 : i32
          %scan3A_342 = arith.constant 16 : i32
          %scan3A_343 = arith.addi %scan3A_341, %scan3A_342 : i32
          %scan3A_344 = arith.constant 1 : i32
          %scan3A_345 = scf.for %scan3A_348 = %scan3A_341 to %scan3A_343 step %scan3A_344 iter_args(%scan3A_349 = %scan3A_340) -> (i32)  : i32 {
            %mul3A_350 = arith.constant 16 : i32
            %mul3A_351 = arith.muli %scan3A_348, %mul3A_350 : i32
            %mul3A_352 = arith.constant 256 : i32
            %mul3A_353 = vector.broadcast %mul3A_352 : i32 to vector<16xi32>
            %mul3A_354 = arith.muli %gather3A_339, %mul3A_353 : vector<16xi32>
            %mul3A_355 = arith.constant 16 : i32
            %mul3A_356 = arith.muli %scan3A_348, %mul3A_355 : i32
            %add3A_357 = vector.broadcast %mul3A_356 : i32 to vector<16xi32>
            %add3A_358 = arith.addi %add3A_357, %iota3A : vector<16xi32>
            %add3A_359 = arith.addi %mul3A_354, %add3A_358 : vector<16xi32>
            %get3A = arith.index_cast %scan3A_330 : i32 to index
            %get3A_360 = arith.index_cast %mul3A_351 : i32 to index
            %get3A_361 = tpu.vector_load %arg18[%get3A, %get3A_360] {strides = array<i32>} : memref<64x256xf32, #tpu.memory_space<vmem>>, vector<16xf32>,
            %mul3A_362 = arith.mulf %get3A_361, %gather3A : vector<16xf32>
            tpu.vector_store_idx %arg14[%add3A_359], %mul3A_362 {add = true} : memref<83968xf32, #tpu.memory_space<vmem>>[vector<16xi32>], vector<16xf32>,
            %scan3A_363 = arith.constant 0 : i32
            scf.yield %scan3A_363 : i32
          }
          %scan3A_346 = arith.constant 16 : i32
          %scan3A_347 = arith.constant 0 : i32
          scf.yield %scan3A_347 : i32
        }
        %scan3A_329 = arith.constant 64 : i32
      }
      %while3A_299 = arith.constant 1 : i32
      scf.for %while3A_302 = %while3A_297 to %while3A_293 step %while3A_299  : i32 {
        %and3A_303 = arith.constant 31 : i32
        %and3A_304 = arith.andi %while3A_302, %and3A_303 : i32
        %dma_start3A = arith.constant 0 : i32
        %dma_start3A_305 = tpu.memref_slice %arg15[%and3A_304, %dma_start3A] : memref<32x64xi32, #tpu.memory_space<vmem>> -> memref<1x64xi32, #tpu.memory_space<vmem>>
        %dma_start3A_306 = tpu.memref_squeeze %dma_start3A_305 : memref<1x64xi32, #tpu.memory_space<vmem>> -> memref<64xi32, #tpu.memory_space<vmem>>
        %dma_start3A_307 = arith.constant 0 : i32
        %dma_start3A_308 = arith.constant 0 : i32
        %dma_start3A_309 = tpu.memref_slice %arg2[%arg0, %dma_start3A_307, %dma_start3A_308] : memref<2x10000x256xf32, #tpu.memory_space<hbm>> -> memref<1x10000x256xf32, #tpu.memory_space<hbm>>
        %dma_start3A_310 = tpu.memref_squeeze %dma_start3A_309 : memref<1x10000x256xf32, #tpu.memory_space<hbm>> -> memref<10000x256xf32, #tpu.memory_space<hbm>>
        %dma_start3A_311 = arith.constant 0 : i32
        %dma_start3A_312 = arith.constant 0 : i32
        %dma_start3A_313 = tpu.memref_slice %dma_start3A_310[%dma_start3A_311, %dma_start3A_312] : memref<10000x256xf32, #tpu.memory_space<hbm>> -> memref<10000x256xf32, #tpu.memory_space<hbm>>
        tpu.enqueue_indirect_dma source(%dma_start3A_313 : memref<10000x256xf32, #tpu.memory_space<hbm>>) target(%arg18 : memref<64x256xf32, #tpu.memory_space<vmem>>) offsets(%dma_start3A_306 : memref<64xi32, #tpu.memory_space<vmem>>) semaphore(%arg19 : memref<!tpu.dma_semaphore, #tpu.memory_space<semaphore_mem>>)
        %dma_wait3A = arith.constant 0 : i32
        %dma_wait3A_314 = tpu.memref_slice %arg15[%and3A_304, %dma_wait3A] : memref<32x64xi32, #tpu.memory_space<vmem>> -> memref<1x64xi32, #tpu.memory_space<vmem>>
        %dma_wait3A_315 = tpu.memref_squeeze %dma_wait3A_314 : memref<1x64xi32, #tpu.memory_space<vmem>> -> memref<64xi32, #tpu.memory_space<vmem>>
        %dma_wait3A_316 = arith.constant 0 : i32
        %dma_wait3A_317 = arith.constant 0 : i32
        %dma_wait3A_318 = tpu.memref_slice %arg2[%arg0, %dma_wait3A_316, %dma_wait3A_317] : memref<2x10000x256xf32, #tpu.memory_space<hbm>> -> memref<1x10000x256xf32, #tpu.memory_space<hbm>>
        %dma_wait3A_319 = tpu.memref_squeeze %dma_wait3A_318 : memref<1x10000x256xf32, #tpu.memory_space<hbm>> -> memref<10000x256xf32, #tpu.memory_space<hbm>>
        %dma_wait3A_320 = arith.constant 0 : i32
        %dma_wait3A_321 = arith.constant 0 : i32
        %dma_wait3A_322 = tpu.memref_slice %dma_wait3A_319[%dma_wait3A_320, %dma_wait3A_321] : memref<10000x256xf32, #tpu.memory_space<hbm>> -> memref<10000x256xf32, #tpu.memory_space<hbm>>
        tpu.wait_indirect_dma semaphore(%arg19 : memref<!tpu.dma_semaphore, #tpu.memory_space<semaphore_mem>>) src(%dma_wait3A_322 : memref<10000x256xf32, #tpu.memory_space<hbm>>) dst(%arg18 : memref<64x256xf32, #tpu.memory_space<vmem>>)
        %scan3A_323 = arith.constant 0 : i32
        %scan3A_324 = arith.constant 0 : i32
        %scan3A_325 = arith.constant 64 : i32
        %scan3A_326 = arith.addi %scan3A_324, %scan3A_325 : i32
        %scan3A_327 = arith.constant 1 : i32
        %scan3A_328 = scf.for %scan3A_330 = %scan3A_324 to %scan3A_326 step %scan3A_327 iter_args(%scan3A_331 = %scan3A_323) -> (i32)  : i32 {
          %mul3A_332 = arith.constant 64 : i32
          %mul3A_333 = arith.muli %and3A_304, %mul3A_332 : i32
          %add3A_334 = arith.addi %mul3A_333, %scan3A_330 : i32
          %add3A_335 = vector.broadcast %add3A_334 : i32 to vector<16xi32>
          %add3A_336 = arith.addi %broadcast_in_dim3A_2, %add3A_335 : vector<16xi32>
          %gather3A = tpu.vector_load_idx %arg17[%add3A_336] : memref<2048xf32, #tpu.memory_space<vmem>>[vector<16xi32>], vector<16xf32>,
          %add3A_337 = vector.broadcast %add3A_334 : i32 to vector<16xi32>
          %add3A_338 = arith.addi %broadcast_in_dim3A_2, %add3A_337 : vector<16xi32>
          %gather3A_339 = tpu.vector_load_idx %arg16[%add3A_338] : memref<2048xi32, #tpu.memory_space<vmem>>[vector<16xi32>], vector<16xi32>,
          %scan3A_340 = arith.constant 0 : i32
          %scan3A_341 = arith.constant 0 : i32
          %scan3A_342 = arith.constant 16 : i32
          %scan3A_343 = arith.addi %scan3A_341, %scan3A_342 : i32
          %scan3A_344 = arith.constant 1 : i32
          %scan3A_345 = scf.for %scan3A_348 = %scan3A_341 to %scan3A_343 step %scan3A_344 iter_args(%scan3A_349 = %scan3A_340) -> (i32)  : i32 {
            %mul3A_350 = arith.constant 16 : i32
            %mul3A_351 = arith.muli %scan3A_348, %mul3A_350 : i32
            %mul3A_352 = arith.constant 256 : i32
            %mul3A_353 = vector.broadcast %mul3A_352 : i32 to vector<16xi32>
            %mul3A_354 = arith.muli %gather3A_339, %mul3A_353 : vector<16xi32>
            %mul3A_355 = arith.constant 16 : i32
            %mul3A_356 = arith.muli %scan3A_348, %mul3A_355 : i32
            %add3A_357 = vector.broadcast %mul3A_356 : i32 to vector<16xi32>
            %add3A_358 = arith.addi %add3A_357, %iota3A : vector<16xi32>
            %add3A_359 = arith.addi %mul3A_354, %add3A_358 : vector<16xi32>
            %get3A = arith.index_cast %scan3A_330 : i32 to index
            %get3A_360 = arith.index_cast %mul3A_351 : i32 to index
            %get3A_361 = tpu.vector_load %arg18[%get3A, %get3A_360] {strides = array<i32>} : memref<64x256xf32, #tpu.memory_space<vmem>>, vector<16xf32>,
            %mul3A_362 = arith.mulf %get3A_361, %gather3A : vector<16xf32>
            tpu.vector_store_idx %arg14[%add3A_359], %mul3A_362 {add = true} : memref<83968xf32, #tpu.memory_space<vmem>>[vector<16xi32>], vector<16xf32>,
            %scan3A_363 = arith.constant 0 : i32
            scf.yield %scan3A_363 : i32
          }
          %scan3A_346 = arith.constant 16 : i32
          %scan3A_347 = arith.constant 0 : i32
          scf.yield %scan3A_347 : i32
        }
        %scan3A_329 = arith.constant 64 : i32
      }
      %shift_right_logical3A_300 = arith.constant 6 : i32
      %shift_right_logical3A_301 = arith.shrui %scan3A_288, %shift_right_logical3A_300 : i32
      scf.yield %scan3A_288, %shift_right_logical3A_301 : i32, i32
    }
    %scan3A_192 = arith.constant 128 : i32
    %add3A_193 = arith.constant 0 : i32
    %add3A_194 = arith.addi %scan3A_191#0, %add3A_193 : i32
    %add3A_195 = vector.broadcast %add3A_194 : i32 to vector<16xi32>
    %add3A_196 = arith.addi %add3A_195, %iota3A : vector<16xi32>
    %and3A_197 = arith.constant 2047 : i32
    %and3A_198 = vector.broadcast %and3A_197 : i32 to vector<16xi32>
    %and3A_199 = arith.andi %add3A_196, %and3A_198 : vector<16xi32>
    %shift_right_logical3A_200 = arith.constant 6 : i32
    %shift_right_logical3A_201 = vector.broadcast %shift_right_logical3A_200 : i32 to vector<16xi32>
    %shift_right_logical3A_202 = arith.shrui %and3A_199, %shift_right_logical3A_201 : vector<16xi32>
    %and3A_203 = arith.constant 63 : i32
    %and3A_204 = vector.broadcast %and3A_203 : i32 to vector<16xi32>
    %and3A_205 = arith.andi %and3A_199, %and3A_204 : vector<16xi32>
    tpu.vector_store_idx %arg15[%shift_right_logical3A_202, %and3A_205], %broadcast_in_dim3A_2 : memref<32x64xi32, #tpu.memory_space<vmem>>[vector<16xi32>, vector<16xi32>], vector<16xi32>,
    %add3A_206 = arith.constant 320 : i32
    %add3A_207 = vector.broadcast %add3A_206 : i32 to vector<16xi32>
    %add3A_208 = arith.addi %broadcast_in_dim3A_2, %add3A_207 : vector<16xi32>
    tpu.vector_store_idx %arg16[%and3A_199], %add3A_208 : memref<2048xi32, #tpu.memory_space<vmem>>[vector<16xi32>], vector<16xi32>,
    tpu.vector_store_idx %arg17[%and3A_199], %broadcast_in_dim3A_0 : memref<2048xf32, #tpu.memory_space<vmem>>[vector<16xi32>], vector<16xf32>,
    %add3A_209 = arith.constant 16 : i32
    %add3A_210 = arith.addi %scan3A_191#0, %add3A_209 : i32
    %add3A_211 = vector.broadcast %add3A_210 : i32 to vector<16xi32>
    %add3A_212 = arith.addi %add3A_211, %iota3A : vector<16xi32>
    %and3A_213 = arith.constant 2047 : i32
    %and3A_214 = vector.broadcast %and3A_213 : i32 to vector<16xi32>
    %and3A_215 = arith.andi %add3A_212, %and3A_214 : vector<16xi32>
    %shift_right_logical3A_216 = arith.constant 6 : i32
    %shift_right_logical3A_217 = vector.broadcast %shift_right_logical3A_216 : i32 to vector<16xi32>
    %shift_right_logical3A_218 = arith.shrui %and3A_215, %shift_right_logical3A_217 : vector<16xi32>
    %and3A_219 = arith.constant 63 : i32
    %and3A_220 = vector.broadcast %and3A_219 : i32 to vector<16xi32>
    %and3A_221 = arith.andi %and3A_215, %and3A_220 : vector<16xi32>
    tpu.vector_store_idx %arg15[%shift_right_logical3A_218, %and3A_221], %broadcast_in_dim3A_2 : memref<32x64xi32, #tpu.memory_space<vmem>>[vector<16xi32>, vector<16xi32>], vector<16xi32>,
    %add3A_222 = arith.constant 320 : i32
    %add3A_223 = vector.broadcast %add3A_222 : i32 to vector<16xi32>
    %add3A_224 = arith.addi %broadcast_in_dim3A_2, %add3A_223 : vector<16xi32>
    tpu.vector_store_idx %arg16[%and3A_215], %add3A_224 : memref<2048xi32, #tpu.memory_space<vmem>>[vector<16xi32>], vector<16xi32>,
    tpu.vector_store_idx %arg17[%and3A_215], %broadcast_in_dim3A_0 : memref<2048xf32, #tpu.memory_space<vmem>>[vector<16xi32>], vector<16xf32>,
    %add3A_225 = arith.constant 32 : i32
    %add3A_226 = arith.addi %scan3A_191#0, %add3A_225 : i32
    %add3A_227 = vector.broadcast %add3A_226 : i32 to vector<16xi32>
    %add3A_228 = arith.addi %add3A_227, %iota3A : vector<16xi32>
    %and3A_229 = arith.constant 2047 : i32
    %and3A_230 = vector.broadcast %and3A_229 : i32 to vector<16xi32>
    %and3A_231 = arith.andi %add3A_228, %and3A_230 : vector<16xi32>
    %shift_right_logical3A_232 = arith.constant 6 : i32
    %shift_right_logical3A_233 = vector.broadcast %shift_right_logical3A_232 : i32 to vector<16xi32>
    %shift_right_logical3A_234 = arith.shrui %and3A_231, %shift_right_logical3A_233 : vector<16xi32>
    %and3A_235 = arith.constant 63 : i32
    %and3A_236 = vector.broadcast %and3A_235 : i32 to vector<16xi32>
    %and3A_237 = arith.andi %and3A_231, %and3A_236 : vector<16xi32>
    tpu.vector_store_idx %arg15[%shift_right_logical3A_234, %and3A_237], %broadcast_in_dim3A_2 : memref<32x64xi32, #tpu.memory_space<vmem>>[vector<16xi32>, vector<16xi32>], vector<16xi32>,
    %add3A_238 = arith.constant 320 : i32
    %add3A_239 = vector.broadcast %add3A_238 : i32 to vector<16xi32>
    %add3A_240 = arith.addi %broadcast_in_dim3A_2, %add3A_239 : vector<16xi32>
    tpu.vector_store_idx %arg16[%and3A_231], %add3A_240 : memref<2048xi32, #tpu.memory_space<vmem>>[vector<16xi32>], vector<16xi32>,
    tpu.vector_store_idx %arg17[%and3A_231], %broadcast_in_dim3A_0 : memref<2048xf32, #tpu.memory_space<vmem>>[vector<16xi32>], vector<16xf32>,
    %add3A_241 = arith.constant 48 : i32
    %add3A_242 = arith.addi %scan3A_191#0, %add3A_241 : i32
    %add3A_243 = vector.broadcast %add3A_242 : i32 to vector<16xi32>
    %add3A_244 = arith.addi %add3A_243, %iota3A : vector<16xi32>
    %and3A_245 = arith.constant 2047 : i32
    %and3A_246 = vector.broadcast %and3A_245 : i32 to vector<16xi32>
    %and3A_247 = arith.andi %add3A_244, %and3A_246 : vector<16xi32>
    %shift_right_logical3A_248 = arith.constant 6 : i32
    %shift_right_logical3A_249 = vector.broadcast %shift_right_logical3A_248 : i32 to vector<16xi32>
    %shift_right_logical3A_250 = arith.shrui %and3A_247, %shift_right_logical3A_249 : vector<16xi32>
    %and3A_251 = arith.constant 63 : i32
    %and3A_252 = vector.broadcast %and3A_251 : i32 to vector<16xi32>
    %and3A_253 = arith.andi %and3A_247, %and3A_252 : vector<16xi32>
    tpu.vector_store_idx %arg15[%shift_right_logical3A_250, %and3A_253], %broadcast_in_dim3A_2 : memref<32x64xi32, #tpu.memory_space<vmem>>[vector<16xi32>, vector<16xi32>], vector<16xi32>,
    %add3A_254 = arith.constant 320 : i32
    %add3A_255 = vector.broadcast %add3A_254 : i32 to vector<16xi32>
    %add3A_256 = arith.addi %broadcast_in_dim3A_2, %add3A_255 : vector<16xi32>
    tpu.vector_store_idx %arg16[%and3A_247], %add3A_256 : memref<2048xi32, #tpu.memory_space<vmem>>[vector<16xi32>], vector<16xi32>,
    tpu.vector_store_idx %arg17[%and3A_247], %broadcast_in_dim3A_0 : memref<2048xf32, #tpu.memory_space<vmem>>[vector<16xi32>], vector<16xf32>,
    %add3A_257 = arith.constant 64 : i32
    %add3A_258 = arith.addi %scan3A_191#0, %add3A_257 : i32
    %sub3A_259 = arith.constant 1 : i32
    %sub3A_260 = arith.subi %add3A_258, %sub3A_259 : i32
    %shift_right_logical3A_261 = arith.constant 6 : i32
    %shift_right_logical3A_262 = arith.shrui %sub3A_260, %shift_right_logical3A_261 : i32
    %while3A_263 = arith.subi %shift_right_logical3A_262, %scan3A_191#1 : i32
    %while3A_264 = arith.addi %scan3A_191#1, %while3A_263 : i32
    %while3A_265 = arith.constant 1 : i32
    %while3A_266 = arith.divsi %while3A_263, %while3A_265 : i32
    %while3A_267 = arith.muli %while3A_266, %while3A_265 : i32
    %while3A_268 = arith.addi %scan3A_191#1, %while3A_267 : i32
    %while3A_269 = arith.constant 1 : i32
    scf.for %while3A_276 = %scan3A_191#1 to %while3A_268 step %while3A_269  : i32 {
      %and3A_277 = arith.constant 31 : i32
      %and3A_278 = arith.andi %while3A_276, %and3A_277 : i32
      %dma_start3A = arith.constant 0 : i32
      %dma_start3A_279 = tpu.memref_slice %arg15[%and3A_278, %dma_start3A] : memref<32x64xi32, #tpu.memory_space<vmem>> -> memref<1x64xi32, #tpu.memory_space<vmem>>
      %dma_start3A_280 = tpu.memref_squeeze %dma_start3A_279 : memref<1x64xi32, #tpu.memory_space<vmem>> -> memref<64xi32, #tpu.memory_space<vmem>>
      %dma_start3A_281 = arith.constant 0 : i32
      %dma_start3A_282 = arith.constant 0 : i32
      %dma_start3A_283 = tpu.memref_slice %arg2[%arg0, %dma_start3A_281, %dma_start3A_282] : memref<2x10000x256xf32, #tpu.memory_space<hbm>> -> memref<1x10000x256xf32, #tpu.memory_space<hbm>>
      %dma_start3A_284 = tpu.memref_squeeze %dma_start3A_283 : memref<1x10000x256xf32, #tpu.memory_space<hbm>> -> memref<10000x256xf32, #tpu.memory_space<hbm>>
      %dma_start3A_285 = arith.constant 0 : i32
      %dma_start3A_286 = arith.constant 0 : i32
      %dma_start3A_287 = tpu.memref_slice %dma_start3A_284[%dma_start3A_285, %dma_start3A_286] : memref<10000x256xf32, #tpu.memory_space<hbm>> -> memref<10000x256xf32, #tpu.memory_space<hbm>>
      tpu.enqueue_indirect_dma source(%dma_start3A_287 : memref<10000x256xf32, #tpu.memory_space<hbm>>) target(%arg18 : memref<64x256xf32, #tpu.memory_space<vmem>>) offsets(%dma_start3A_280 : memref<64xi32, #tpu.memory_space<vmem>>) semaphore(%arg19 : memref<!tpu.dma_semaphore, #tpu.memory_space<semaphore_mem>>)
      %dma_wait3A = arith.constant 0 : i32
      %dma_wait3A_288 = tpu.memref_slice %arg15[%and3A_278, %dma_wait3A] : memref<32x64xi32, #tpu.memory_space<vmem>> -> memref<1x64xi32, #tpu.memory_space<vmem>>
      %dma_wait3A_289 = tpu.memref_squeeze %dma_wait3A_288 : memref<1x64xi32, #tpu.memory_space<vmem>> -> memref<64xi32, #tpu.memory_space<vmem>>
      %dma_wait3A_290 = arith.constant 0 : i32
      %dma_wait3A_291 = arith.constant 0 : i32
      %dma_wait3A_292 = tpu.memref_slice %arg2[%arg0, %dma_wait3A_290, %dma_wait3A_291] : memref<2x10000x256xf32, #tpu.memory_space<hbm>> -> memref<1x10000x256xf32, #tpu.memory_space<hbm>>
      %dma_wait3A_293 = tpu.memref_squeeze %dma_wait3A_292 : memref<1x10000x256xf32, #tpu.memory_space<hbm>> -> memref<10000x256xf32, #tpu.memory_space<hbm>>
      %dma_wait3A_294 = arith.constant 0 : i32
      %dma_wait3A_295 = arith.constant 0 : i32
      %dma_wait3A_296 = tpu.memref_slice %dma_wait3A_293[%dma_wait3A_294, %dma_wait3A_295] : memref<10000x256xf32, #tpu.memory_space<hbm>> -> memref<10000x256xf32, #tpu.memory_space<hbm>>
      tpu.wait_indirect_dma semaphore(%arg19 : memref<!tpu.dma_semaphore, #tpu.memory_space<semaphore_mem>>) src(%dma_wait3A_296 : memref<10000x256xf32, #tpu.memory_space<hbm>>) dst(%arg18 : memref<64x256xf32, #tpu.memory_space<vmem>>)
      %scan3A_297 = arith.constant 0 : i32
      %scan3A_298 = arith.constant 0 : i32
      %scan3A_299 = arith.constant 64 : i32
      %scan3A_300 = arith.addi %scan3A_298, %scan3A_299 : i32
      %scan3A_301 = arith.constant 1 : i32
      %scan3A_302 = scf.for %scan3A_304 = %scan3A_298 to %scan3A_300 step %scan3A_301 iter_args(%scan3A_305 = %scan3A_297) -> (i32)  : i32 {
        %mul3A_306 = arith.constant 64 : i32
        %mul3A_307 = arith.muli %and3A_278, %mul3A_306 : i32
        %add3A_308 = arith.addi %mul3A_307, %scan3A_304 : i32
        %add3A_309 = vector.broadcast %add3A_308 : i32 to vector<16xi32>
        %add3A_310 = arith.addi %broadcast_in_dim3A_2, %add3A_309 : vector<16xi32>
        %gather3A = tpu.vector_load_idx %arg17[%add3A_310] : memref<2048xf32, #tpu.memory_space<vmem>>[vector<16xi32>], vector<16xf32>,
        %add3A_311 = vector.broadcast %add3A_308 : i32 to vector<16xi32>
        %add3A_312 = arith.addi %broadcast_in_dim3A_2, %add3A_311 : vector<16xi32>
        %gather3A_313 = tpu.vector_load_idx %arg16[%add3A_312] : memref<2048xi32, #tpu.memory_space<vmem>>[vector<16xi32>], vector<16xi32>,
        %scan3A_314 = arith.constant 0 : i32
        %scan3A_315 = arith.constant 0 : i32
        %scan3A_316 = arith.constant 16 : i32
        %scan3A_317 = arith.addi %scan3A_315, %scan3A_316 : i32
        %scan3A_318 = arith.constant 1 : i32
        %scan3A_319 = scf.for %scan3A_322 = %scan3A_315 to %scan3A_317 step %scan3A_318 iter_args(%scan3A_323 = %scan3A_314) -> (i32)  : i32 {
          %mul3A_324 = arith.constant 16 : i32
          %mul3A_325 = arith.muli %scan3A_322, %mul3A_324 : i32
          %mul3A_326 = arith.constant 256 : i32
          %mul3A_327 = vector.broadcast %mul3A_326 : i32 to vector<16xi32>
          %mul3A_328 = arith.muli %gather3A_313, %mul3A_327 : vector<16xi32>
          %mul3A_329 = arith.constant 16 : i32
          %mul3A_330 = arith.muli %scan3A_322, %mul3A_329 : i32
          %add3A_331 = vector.broadcast %mul3A_330 : i32 to vector<16xi32>
          %add3A_332 = arith.addi %add3A_331, %iota3A : vector<16xi32>
          %add3A_333 = arith.addi %mul3A_328, %add3A_332 : vector<16xi32>
          %get3A = arith.index_cast %scan3A_304 : i32 to index
          %get3A_334 = arith.index_cast %mul3A_325 : i32 to index
          %get3A_335 = tpu.vector_load %arg18[%get3A, %get3A_334] {strides = array<i32>} : memref<64x256xf32, #tpu.memory_space<vmem>>, vector<16xf32>,
          %mul3A_336 = arith.mulf %get3A_335, %gather3A : vector<16xf32>
          tpu.vector_store_idx %arg14[%add3A_333], %mul3A_336 {add = true} : memref<83968xf32, #tpu.memory_space<vmem>>[vector<16xi32>], vector<16xf32>,
          %scan3A_337 = arith.constant 0 : i32
          scf.yield %scan3A_337 : i32
        }
        %scan3A_320 = arith.constant 16 : i32
        %scan3A_321 = arith.constant 0 : i32
        scf.yield %scan3A_321 : i32
      }
      %scan3A_303 = arith.constant 64 : i32
    }
    %while3A_270 = arith.constant 1 : i32
    scf.for %while3A_276 = %while3A_268 to %while3A_264 step %while3A_270  : i32 {
      %and3A_277 = arith.constant 31 : i32
      %and3A_278 = arith.andi %while3A_276, %and3A_277 : i32
      %dma_start3A = arith.constant 0 : i32
      %dma_start3A_279 = tpu.memref_slice %arg15[%and3A_278, %dma_start3A] : memref<32x64xi32, #tpu.memory_space<vmem>> -> memref<1x64xi32, #tpu.memory_space<vmem>>
      %dma_start3A_280 = tpu.memref_squeeze %dma_start3A_279 : memref<1x64xi32, #tpu.memory_space<vmem>> -> memref<64xi32, #tpu.memory_space<vmem>>
      %dma_start3A_281 = arith.constant 0 : i32
      %dma_start3A_282 = arith.constant 0 : i32
      %dma_start3A_283 = tpu.memref_slice %arg2[%arg0, %dma_start3A_281, %dma_start3A_282] : memref<2x10000x256xf32, #tpu.memory_space<hbm>> -> memref<1x10000x256xf32, #tpu.memory_space<hbm>>
      %dma_start3A_284 = tpu.memref_squeeze %dma_start3A_283 : memref<1x10000x256xf32, #tpu.memory_space<hbm>> -> memref<10000x256xf32, #tpu.memory_space<hbm>>
      %dma_start3A_285 = arith.constant 0 : i32
      %dma_start3A_286 = arith.constant 0 : i32
      %dma_start3A_287 = tpu.memref_slice %dma_start3A_284[%dma_start3A_285, %dma_start3A_286] : memref<10000x256xf32, #tpu.memory_space<hbm>> -> memref<10000x256xf32, #tpu.memory_space<hbm>>
      tpu.enqueue_indirect_dma source(%dma_start3A_287 : memref<10000x256xf32, #tpu.memory_space<hbm>>) target(%arg18 : memref<64x256xf32, #tpu.memory_space<vmem>>) offsets(%dma_start3A_280 : memref<64xi32, #tpu.memory_space<vmem>>) semaphore(%arg19 : memref<!tpu.dma_semaphore, #tpu.memory_space<semaphore_mem>>)
      %dma_wait3A = arith.constant 0 : i32
      %dma_wait3A_288 = tpu.memref_slice %arg15[%and3A_278, %dma_wait3A] : memref<32x64xi32, #tpu.memory_space<vmem>> -> memref<1x64xi32, #tpu.memory_space<vmem>>
      %dma_wait3A_289 = tpu.memref_squeeze %dma_wait3A_288 : memref<1x64xi32, #tpu.memory_space<vmem>> -> memref<64xi32, #tpu.memory_space<vmem>>
      %dma_wait3A_290 = arith.constant 0 : i32
      %dma_wait3A_291 = arith.constant 0 : i32
      %dma_wait3A_292 = tpu.memref_slice %arg2[%arg0, %dma_wait3A_290, %dma_wait3A_291] : memref<2x10000x256xf32, #tpu.memory_space<hbm>> -> memref<1x10000x256xf32, #tpu.memory_space<hbm>>
      %dma_wait3A_293 = tpu.memref_squeeze %dma_wait3A_292 : memref<1x10000x256xf32, #tpu.memory_space<hbm>> -> memref<10000x256xf32, #tpu.memory_space<hbm>>
      %dma_wait3A_294 = arith.constant 0 : i32
      %dma_wait3A_295 = arith.constant 0 : i32
      %dma_wait3A_296 = tpu.memref_slice %dma_wait3A_293[%dma_wait3A_294, %dma_wait3A_295] : memref<10000x256xf32, #tpu.memory_space<hbm>> -> memref<10000x256xf32, #tpu.memory_space<hbm>>
      tpu.wait_indirect_dma semaphore(%arg19 : memref<!tpu.dma_semaphore, #tpu.memory_space<semaphore_mem>>) src(%dma_wait3A_296 : memref<10000x256xf32, #tpu.memory_space<hbm>>) dst(%arg18 : memref<64x256xf32, #tpu.memory_space<vmem>>)
      %scan3A_297 = arith.constant 0 : i32
      %scan3A_298 = arith.constant 0 : i32
      %scan3A_299 = arith.constant 64 : i32
      %scan3A_300 = arith.addi %scan3A_298, %scan3A_299 : i32
      %scan3A_301 = arith.constant 1 : i32
      %scan3A_302 = scf.for %scan3A_304 = %scan3A_298 to %scan3A_300 step %scan3A_301 iter_args(%scan3A_305 = %scan3A_297) -> (i32)  : i32 {
        %mul3A_306 = arith.constant 64 : i32
        %mul3A_307 = arith.muli %and3A_278, %mul3A_306 : i32
        %add3A_308 = arith.addi %mul3A_307, %scan3A_304 : i32
        %add3A_309 = vector.broadcast %add3A_308 : i32 to vector<16xi32>
        %add3A_310 = arith.addi %broadcast_in_dim3A_2, %add3A_309 : vector<16xi32>
        %gather3A = tpu.vector_load_idx %arg17[%add3A_310] : memref<2048xf32, #tpu.memory_space<vmem>>[vector<16xi32>], vector<16xf32>,
        %add3A_311 = vector.broadcast %add3A_308 : i32 to vector<16xi32>
        %add3A_312 = arith.addi %broadcast_in_dim3A_2, %add3A_311 : vector<16xi32>
        %gather3A_313 = tpu.vector_load_idx %arg16[%add3A_312] : memref<2048xi32, #tpu.memory_space<vmem>>[vector<16xi32>], vector<16xi32>,
        %scan3A_314 = arith.constant 0 : i32
        %scan3A_315 = arith.constant 0 : i32
        %scan3A_316 = arith.constant 16 : i32
        %scan3A_317 = arith.addi %scan3A_315, %scan3A_316 : i32
        %scan3A_318 = arith.constant 1 : i32
        %scan3A_319 = scf.for %scan3A_322 = %scan3A_315 to %scan3A_317 step %scan3A_318 iter_args(%scan3A_323 = %scan3A_314) -> (i32)  : i32 {
          %mul3A_324 = arith.constant 16 : i32
          %mul3A_325 = arith.muli %scan3A_322, %mul3A_324 : i32
          %mul3A_326 = arith.constant 256 : i32
          %mul3A_327 = vector.broadcast %mul3A_326 : i32 to vector<16xi32>
          %mul3A_328 = arith.muli %gather3A_313, %mul3A_327 : vector<16xi32>
          %mul3A_329 = arith.constant 16 : i32
          %mul3A_330 = arith.muli %scan3A_322, %mul3A_329 : i32
          %add3A_331 = vector.broadcast %mul3A_330 : i32 to vector<16xi32>
          %add3A_332 = arith.addi %add3A_331, %iota3A : vector<16xi32>
          %add3A_333 = arith.addi %mul3A_328, %add3A_332 : vector<16xi32>
          %get3A = arith.index_cast %scan3A_304 : i32 to index
          %get3A_334 = arith.index_cast %mul3A_325 : i32 to index
          %get3A_335 = tpu.vector_load %arg18[%get3A, %get3A_334] {strides = array<i32>} : memref<64x256xf32, #tpu.memory_space<vmem>>, vector<16xf32>,
          %mul3A_336 = arith.mulf %get3A_335, %gather3A : vector<16xf32>
          tpu.vector_store_idx %arg14[%add3A_333], %mul3A_336 {add = true} : memref<83968xf32, #tpu.memory_space<vmem>>[vector<16xi32>], vector<16xf32>,
          %scan3A_337 = arith.constant 0 : i32
          scf.yield %scan3A_337 : i32
        }
        %scan3A_320 = arith.constant 16 : i32
        %scan3A_321 = arith.constant 0 : i32
        scf.yield %scan3A_321 : i32
      }
      %scan3A_303 = arith.constant 64 : i32
    }
    %mul3A_271 = arith.constant 2621440 : i32
    %mul3A_272 = arith.muli %arg0, %mul3A_271 : i32
    %mul3A_273 = arith.constant 256 : i32
    %mul3A_274 = arith.muli %add3A_177, %mul3A_273 : i32
    %add3A_275 = arith.addi %mul3A_272, %mul3A_274 : i32
    "tpu.region"() ({
      %run_scoped3A = tpu.sem_alloc : memref<!tpu.dma_semaphore, #tpu.memory_space<semaphore_mem>>
      %dma_start3A = arith.constant 0 : i32
      %dma_start3A_276 = tpu.memref_slice %arg14[%dma_start3A] : memref<83968xf32, #tpu.memory_space<vmem>> -> memref<81920xf32, #tpu.memory_space<vmem>>
      %dma_start3A_277 = tpu.memref_slice %arg7[%add3A_275] : memref<5242880xf32, #tpu.memory_space<hbm>> -> memref<81920xf32, #tpu.memory_space<hbm>>
      %dma_start3A_278 = tpu.memref_slice %arg7[%add3A_275] : memref<5242880xf32, #tpu.memory_space<hbm>> -> memref<81920xf32, #tpu.memory_space<hbm>>
      %dma_start3A_279 = arith.constant 0 : i32
      %dma_start3A_280 = tpu.memref_slice %arg14[%dma_start3A_279] : memref<83968xf32, #tpu.memory_space<vmem>> -> memref<81920xf32, #tpu.memory_space<vmem>>
      tpu.enqueue_dma source(%dma_start3A_280 : memref<81920xf32, #tpu.memory_space<vmem>>) target(%dma_start3A_278 : memref<81920xf32, #tpu.memory_space<hbm>>) target_semaphore(%run_scoped3A : memref<!tpu.dma_semaphore, #tpu.memory_space<semaphore_mem>>)
      %dma_wait3A = arith.constant 0 : i32
      %dma_wait3A_281 = tpu.memref_slice %arg14[%dma_wait3A] : memref<83968xf32, #tpu.memory_space<vmem>> -> memref<81920xf32, #tpu.memory_space<vmem>>
      %dma_wait3A_282 = tpu.memref_slice %arg7[%add3A_275] : memref<5242880xf32, #tpu.memory_space<hbm>> -> memref<81920xf32, #tpu.memory_space<hbm>>
      %dma_wait3A_283 = tpu.memref_slice %arg7[%add3A_275] : memref<5242880xf32, #tpu.memory_space<hbm>> -> memref<81920xf32, #tpu.memory_space<hbm>>
      %dma_wait3A_284 = arith.constant 0 : i32
      %dma_wait3A_285 = tpu.memref_slice %arg14[%dma_wait3A_284] : memref<83968xf32, #tpu.memory_space<vmem>> -> memref<81920xf32, #tpu.memory_space<vmem>>
      tpu.wait_dma2 semaphore(%run_scoped3A : memref<!tpu.dma_semaphore, #tpu.memory_space<semaphore_mem>>) src(%dma_wait3A_285 : memref<81920xf32, #tpu.memory_space<vmem>>) dst(%dma_wait3A_283 : memref<81920xf32, #tpu.memory_space<hbm>>)
      tpu.yield
    }) : () -> ()
    return
  }
}

module attributes {stable_mosaic.version = 14 : i64} {
  func.func @_tc1_body(%arg0: i32, %arg1: memref<1000x512xf32, #tpu.memory_space<vmem>>, %arg2: memref<512x512xf32, #tpu.memory_space<vmem>>, %arg3: memref<512x2xf32, #tpu.memory_space<vmem>>, %arg4: memref<512x2xf32, #tpu.memory_space<vmem>>, %arg5: memref<2x1000x256xf32, #tpu.memory_space<vmem>>, %arg6: memref<1000x2xf32, #tpu.memory_space<vmem>>, %arg7: memref<1000x2xf32, #tpu.memory_space<vmem>>) attributes {dimension_semantics = [#tpu.dimension_semantics<arbitrary>], iteration_bounds = array<i64: 10>, scalar_prefetch = 0 : i64, scratch_operands = 0 : i64, tpu.core_type = #tpu.core_type<tc>, window_params = [{transform_indices = @transform_0, window_bounds = array<i64: 1000, 512>}, {pipeline_mode = #tpu.pipeline_mode<synchronous>, transform_indices = @transform_1, window_bounds = array<i64: 512, 512>}, {pipeline_mode = #tpu.pipeline_mode<synchronous>, transform_indices = @transform_2, window_bounds = array<i64: 512, 2>}, {pipeline_mode = #tpu.pipeline_mode<synchronous>, transform_indices = @transform_3, window_bounds = array<i64: 512, 2>}, {transform_indices = @transform_4, window_bounds = array<i64: 2, 1000, 256>}, {transform_indices = @transform_5, window_bounds = array<i64: 1000, 2>}, {transform_indices = @transform_6, window_bounds = array<i64: 1000, 2>}]} {
    %get3A = arith.constant 0 : index
    %get3A_0 = arith.constant 0 : index
    %get3A_1 = vector.load %arg1[%get3A, %get3A_0] : memref<1000x512xf32, #tpu.memory_space<vmem>>, vector<1000x512xf32>
    %get3A_2 = arith.constant 0 : index
    %get3A_3 = arith.constant 0 : index
    %get3A_4 = vector.load %arg2[%get3A_2, %get3A_3] : memref<512x512xf32, #tpu.memory_space<vmem>>, vector<512x512xf32>
    %dot_general3A = arith.constant dense<0.000000e+00> : vector<1000x512xf32>
    %dot_general3A_5 = tpu.matmul %get3A_1, %get3A_4, %dot_general3A {dimension_numbers = #tpu.dot_dimension_numbers<[1], [0], [0], [1], [0, 0, 1, 1], [], []>, transpose_lhs_hint = false} : vector<1000x512xf32>, vector<512x512xf32>, vector<1000x512xf32> -> vector<1000x512xf32>
    %slice3A = vector.extract_strided_slice %dot_general3A_5 {offsets = [0, 0], sizes = [1000, 256], strides = [1, 1]} : vector<1000x512xf32> to vector<1000x256xf32>
    %swap3A = arith.constant 0 : index
    %swap3A_6 = arith.constant 0 : index
    %swap3A_7 = arith.constant 0 : index
    %swap3A_8 = vector.load %arg5[%swap3A, %swap3A_6, %swap3A_7] : memref<2x1000x256xf32, #tpu.memory_space<vmem>>, vector<1x1000x256xf32>
    %swap3A_9 = vector.shape_cast %swap3A_8 : vector<1x1000x256xf32> to vector<1000x256xf32>
    %swap3A_10 = vector.shape_cast %slice3A : vector<1000x256xf32> to vector<1x1000x256xf32>
    tpu.vector_store %arg5[%swap3A, %swap3A_6, %swap3A_7], %swap3A_10 {strides = array<i32>} : memref<2x1000x256xf32, #tpu.memory_space<vmem>>, vector<1x1000x256xf32>,
    %slice3A_11 = vector.extract_strided_slice %dot_general3A_5 {offsets = [0, 256], sizes = [1000, 256], strides = [1, 1]} : vector<1000x512xf32> to vector<1000x256xf32>
    %swap3A_12 = arith.constant 1 : index
    %swap3A_13 = arith.constant 0 : index
    %swap3A_14 = arith.constant 0 : index
    %swap3A_15 = vector.load %arg5[%swap3A_12, %swap3A_13, %swap3A_14] : memref<2x1000x256xf32, #tpu.memory_space<vmem>>, vector<1x1000x256xf32>
    %swap3A_16 = vector.shape_cast %swap3A_15 : vector<1x1000x256xf32> to vector<1000x256xf32>
    %swap3A_17 = vector.shape_cast %slice3A_11 : vector<1000x256xf32> to vector<1x1000x256xf32>
    tpu.vector_store %arg5[%swap3A_12, %swap3A_13, %swap3A_14], %swap3A_17 {strides = array<i32>} : memref<2x1000x256xf32, #tpu.memory_space<vmem>>, vector<1x1000x256xf32>,
    %get3A_18 = arith.constant 0 : index
    %get3A_19 = arith.constant 0 : index
    %get3A_20 = vector.load %arg3[%get3A_18, %get3A_19] : memref<512x2xf32, #tpu.memory_space<vmem>>, vector<512x2xf32>
    %dot_general3A_21 = arith.constant dense<0.000000e+00> : vector<1000x2xf32>
    %dot_general3A_22 = tpu.matmul %dot_general3A_5, %get3A_20, %dot_general3A_21 {dimension_numbers = #tpu.dot_dimension_numbers<[1], [0], [0], [1], [0, 0, 1, 1], [], []>, transpose_lhs_hint = false} : vector<1000x512xf32>, vector<512x2xf32>, vector<1000x2xf32> -> vector<1000x2xf32>
    %swap3A_23 = arith.constant 0 : index
    %swap3A_24 = arith.constant 0 : index
    %swap3A_25 = vector.load %arg6[%swap3A_23, %swap3A_24] : memref<1000x2xf32, #tpu.memory_space<vmem>>, vector<1000x2xf32>
    tpu.vector_store %arg6[%swap3A_23, %swap3A_24], %dot_general3A_22 {strides = array<i32>} : memref<1000x2xf32, #tpu.memory_space<vmem>>, vector<1000x2xf32>,
    %get3A_26 = arith.constant 0 : index
    %get3A_27 = arith.constant 0 : index
    %get3A_28 = vector.load %arg4[%get3A_26, %get3A_27] : memref<512x2xf32, #tpu.memory_space<vmem>>, vector<512x2xf32>
    %dot_general3A_29 = arith.constant dense<0.000000e+00> : vector<1000x2xf32>
    %dot_general3A_30 = tpu.matmul %dot_general3A_5, %get3A_28, %dot_general3A_29 {dimension_numbers = #tpu.dot_dimension_numbers<[1], [0], [0], [1], [0, 0, 1, 1], [], []>, transpose_lhs_hint = false} : vector<1000x512xf32>, vector<512x2xf32>, vector<1000x2xf32> -> vector<1000x2xf32>
    %swap3A_31 = arith.constant 0 : index
    %swap3A_32 = arith.constant 0 : index
    %swap3A_33 = vector.load %arg7[%swap3A_31, %swap3A_32] : memref<1000x2xf32, #tpu.memory_space<vmem>>, vector<1000x2xf32>
    tpu.vector_store %arg7[%swap3A_31, %swap3A_32], %dot_general3A_30 {strides = array<i32>} : memref<1000x2xf32, #tpu.memory_space<vmem>>, vector<1000x2xf32>,
    return
  }
  func.func @transform_0(%arg0: i32) -> (i32, i32) {
    %c0_i32 = arith.constant 0 : i32
    %c0_i32_0 = arith.constant 0 : i32
    return %arg0, %c0_i32 : i32, i32
  }
  func.func @transform_1(%arg0: i32) -> (i32, i32) {
    %c0_i32 = arith.constant 0 : i32
    %c0_i32_0 = arith.constant 0 : i32
    %c0_i32_1 = arith.constant 0 : i32
    return %c0_i32, %c0_i32_0 : i32, i32
  }
  func.func @transform_2(%arg0: i32) -> (i32, i32) {
    %c0_i32 = arith.constant 0 : i32
    %c0_i32_0 = arith.constant 0 : i32
    %c0_i32_1 = arith.constant 0 : i32
    return %c0_i32, %c0_i32_0 : i32, i32
  }
  func.func @transform_3(%arg0: i32) -> (i32, i32) {
    %c0_i32 = arith.constant 0 : i32
    %c0_i32_0 = arith.constant 0 : i32
    %c0_i32_1 = arith.constant 0 : i32
    return %c0_i32, %c0_i32_0 : i32, i32
  }
  func.func @transform_4(%arg0: i32) -> (i32, i32, i32) {
    %c0_i32 = arith.constant 0 : i32
    %c0_i32_0 = arith.constant 0 : i32
    %c0_i32_1 = arith.constant 0 : i32
    return %c0_i32, %arg0, %c0_i32_0 : i32, i32, i32
  }
  func.func @transform_5(%arg0: i32) -> (i32, i32) {
    %c0_i32 = arith.constant 0 : i32
    %c0_i32_0 = arith.constant 0 : i32
    return %arg0, %c0_i32 : i32, i32
  }
  func.func @transform_6(%arg0: i32) -> (i32, i32) {
    %c0_i32 = arith.constant 0 : i32
    %c0_i32_0 = arith.constant 0 : i32
    return %arg0, %c0_i32 : i32, i32
  }
}

module attributes {stable_mosaic.version = 14 : i64} {
  func.func @_mlp_body(%arg0: i32, %arg1: memref<1x1000x256xf32, #tpu.memory_space<vmem>>, %arg2: memref<1x1000x256xf32, #tpu.memory_space<vmem>>, %arg3: memref<1x512xf32, #tpu.memory_space<vmem>>, %arg4: memref<512x128xf32, #tpu.memory_space<vmem>>, %arg5: memref<1x128xf32, #tpu.memory_space<vmem>>, %arg6: memref<128x32xf32, #tpu.memory_space<vmem>>, %arg7: memref<1x32xf32, #tpu.memory_space<vmem>>, %arg8: memref<32x8xf32, #tpu.memory_space<vmem>>, %arg9: memref<1x8xf32, #tpu.memory_space<vmem>>, %arg10: memref<1000x8xf32, #tpu.memory_space<vmem>>, %arg11: memref<1000x8xf32, #tpu.memory_space<vmem>>) attributes {dimension_semantics = [#tpu.dimension_semantics<arbitrary>], iteration_bounds = array<i64: 10>, scalar_prefetch = 0 : i64, scratch_operands = 0 : i64, tpu.core_type = #tpu.core_type<tc>, window_params = [{transform_indices = @transform_0, window_bounds = array<i64: 1, 1000, 256>}, {transform_indices = @transform_1, window_bounds = array<i64: 1, 1000, 256>}, {pipeline_mode = #tpu.pipeline_mode<synchronous>, transform_indices = @transform_2, window_bounds = array<i64: 1, 512>}, {pipeline_mode = #tpu.pipeline_mode<synchronous>, transform_indices = @transform_3, window_bounds = array<i64: 512, 128>}, {pipeline_mode = #tpu.pipeline_mode<synchronous>, transform_indices = @transform_4, window_bounds = array<i64: 1, 128>}, {pipeline_mode = #tpu.pipeline_mode<synchronous>, transform_indices = @transform_5, window_bounds = array<i64: 128, 32>}, {pipeline_mode = #tpu.pipeline_mode<synchronous>, transform_indices = @transform_6, window_bounds = array<i64: 1, 32>}, {pipeline_mode = #tpu.pipeline_mode<synchronous>, transform_indices = @transform_7, window_bounds = array<i64: 32, 8>}, {pipeline_mode = #tpu.pipeline_mode<synchronous>, transform_indices = @transform_8, window_bounds = array<i64: 1, 8>}, {transform_indices = @transform_9, window_bounds = array<i64: 1000, 8>}, {transform_indices = @transform_10, window_bounds = array<i64: 1000, 8>}]} {
    %get3A = arith.constant 0 : index
    %get3A_0 = arith.constant 0 : index
    %get3A_1 = arith.constant 0 : index
    %get3A_2 = vector.load %arg1[%get3A, %get3A_0, %get3A_1] : memref<1x1000x256xf32, #tpu.memory_space<vmem>>, vector<1x1000x256xf32>
    %get3A_3 = vector.shape_cast %get3A_2 : vector<1x1000x256xf32> to vector<1000x256xf32>
    %get3A_4 = arith.constant 0 : index
    %get3A_5 = arith.constant 0 : index
    %get3A_6 = arith.constant 0 : index
    %get3A_7 = vector.load %arg2[%get3A_4, %get3A_5, %get3A_6] : memref<1x1000x256xf32, #tpu.memory_space<vmem>>, vector<1x1000x256xf32>
    %get3A_8 = vector.shape_cast %get3A_7 : vector<1x1000x256xf32> to vector<1000x256xf32>
    %concatenate3A = tpu.concatenate %get3A_3, %get3A_8 in 1 : vector<1000x256xf32>, vector<1000x256xf32> -> vector<1000x512xf32>
    %get3A_9 = arith.constant 0 : index
    %get3A_10 = arith.constant 0 : index
    %get3A_11 = vector.load %arg3[%get3A_9, %get3A_10] : memref<1x512xf32, #tpu.memory_space<vmem>>, vector<1x512xf32>
    %add3A = vector.broadcast %get3A_11 : vector<1x512xf32> to vector<1000x512xf32>
    %add3A_12 = arith.addf %concatenate3A, %add3A : vector<1000x512xf32>
    %max3A = arith.constant 0.000000e+00 : f32
    %max3A_13 = vector.broadcast %max3A : f32 to vector<1000x512xf32>
    %max3A_14 = arith.maximumf %add3A_12, %max3A_13 : vector<1000x512xf32>
    %get3A_15 = arith.constant 0 : index
    %get3A_16 = arith.constant 0 : index
    %get3A_17 = vector.load %arg4[%get3A_15, %get3A_16] : memref<512x128xf32, #tpu.memory_space<vmem>>, vector<512x128xf32>
    %dot_general3A = arith.constant dense<0.000000e+00> : vector<1000x128xf32>
    %dot_general3A_18 = tpu.matmul %max3A_14, %get3A_17, %dot_general3A {dimension_numbers = #tpu.dot_dimension_numbers<[1], [0], [0], [1], [0, 0, 1, 1], [], []>, transpose_lhs_hint = false} : vector<1000x512xf32>, vector<512x128xf32>, vector<1000x128xf32> -> vector<1000x128xf32>
    %get3A_19 = arith.constant 0 : index
    %get3A_20 = arith.constant 0 : index
    %get3A_21 = vector.load %arg5[%get3A_19, %get3A_20] : memref<1x128xf32, #tpu.memory_space<vmem>>, vector<1x128xf32>
    %add3A_22 = vector.broadcast %get3A_21 : vector<1x128xf32> to vector<1000x128xf32>
    %add3A_23 = arith.addf %dot_general3A_18, %add3A_22 : vector<1000x128xf32>
    %max3A_24 = arith.constant 0.000000e+00 : f32
    %max3A_25 = vector.broadcast %max3A_24 : f32 to vector<1000x128xf32>
    %max3A_26 = arith.maximumf %add3A_23, %max3A_25 : vector<1000x128xf32>
    %get3A_27 = arith.constant 0 : index
    %get3A_28 = arith.constant 0 : index
    %get3A_29 = vector.load %arg6[%get3A_27, %get3A_28] : memref<128x32xf32, #tpu.memory_space<vmem>>, vector<128x32xf32>
    %dot_general3A_30 = arith.constant dense<0.000000e+00> : vector<1000x32xf32>
    %dot_general3A_31 = tpu.matmul %max3A_26, %get3A_29, %dot_general3A_30 {dimension_numbers = #tpu.dot_dimension_numbers<[1], [0], [0], [1], [0, 0, 1, 1], [], []>, transpose_lhs_hint = false} : vector<1000x128xf32>, vector<128x32xf32>, vector<1000x32xf32> -> vector<1000x32xf32>
    %get3A_32 = arith.constant 0 : index
    %get3A_33 = arith.constant 0 : index
    %get3A_34 = vector.load %arg7[%get3A_32, %get3A_33] : memref<1x32xf32, #tpu.memory_space<vmem>>, vector<1x32xf32>
    %add3A_35 = vector.broadcast %get3A_34 : vector<1x32xf32> to vector<1000x32xf32>
    %add3A_36 = arith.addf %dot_general3A_31, %add3A_35 : vector<1000x32xf32>
    %max3A_37 = arith.constant 0.000000e+00 : f32
    %max3A_38 = vector.broadcast %max3A_37 : f32 to vector<1000x32xf32>
    %max3A_39 = arith.maximumf %add3A_36, %max3A_38 : vector<1000x32xf32>
    %get3A_40 = arith.constant 0 : index
    %get3A_41 = arith.constant 0 : index
    %get3A_42 = vector.load %arg8[%get3A_40, %get3A_41] : memref<32x8xf32, #tpu.memory_space<vmem>>, vector<32x8xf32>
    %dot_general3A_43 = arith.constant dense<0.000000e+00> : vector<1000x8xf32>
    %dot_general3A_44 = tpu.matmul %max3A_39, %get3A_42, %dot_general3A_43 {dimension_numbers = #tpu.dot_dimension_numbers<[1], [0], [0], [1], [0, 0, 1, 1], [], []>, transpose_lhs_hint = false} : vector<1000x32xf32>, vector<32x8xf32>, vector<1000x8xf32> -> vector<1000x8xf32>
    %get3A_45 = arith.constant 0 : index
    %get3A_46 = arith.constant 0 : index
    %get3A_47 = vector.load %arg9[%get3A_45, %get3A_46] : memref<1x8xf32, #tpu.memory_space<vmem>>, vector<1x8xf32>
    %add3A_48 = vector.broadcast %get3A_47 : vector<1x8xf32> to vector<1000x8xf32>
    %add3A_49 = arith.addf %dot_general3A_44, %add3A_48 : vector<1000x8xf32>
    %mul3A = arith.mulf %add3A_49, %add3A_49 : vector<1000x8xf32>
    %reduce_sum3A = arith.constant dense<0.000000e+00> : vector<1000xf32>
    %reduce_sum3A_50 = vector.multi_reduction <add>, %mul3A, %reduce_sum3A [1] : vector<1000x8xf32> to vector<1000xf32>
    %broadcast_in_dim3A = vector.shape_cast %reduce_sum3A_50 : vector<1000xf32> to vector<1000x1xf32>
    %iota3A = tpu.iota {dimensions = array<i32: 1>} : vector<1000x8xi32>
    %lt3A = arith.constant 3 : i32
    %lt3A_51 = vector.broadcast %lt3A : i32 to vector<1000x8xi32>
    %lt3A_52 = arith.cmpi slt, %iota3A, %lt3A_51 : vector<1000x8xi32>
    %eq3A = arith.constant 3 : i32
    %eq3A_53 = vector.broadcast %eq3A : i32 to vector<1000x8xi32>
    %eq3A_54 = arith.cmpi eq, %iota3A, %eq3A_53 : vector<1000x8xi32>
    %eq3A_55 = arith.constant 4 : i32
    %eq3A_56 = vector.broadcast %eq3A_55 : i32 to vector<1000x8xi32>
    %eq3A_57 = arith.cmpi eq, %iota3A, %eq3A_56 : vector<1000x8xi32>
    %jit3A = arith.constant 1.000000e+00 : f32
    %jit3A_58 = arith.constant 0.000000e+00 : f32
    %broadcast_in_dim3A_59 = vector.broadcast %jit3A : f32 to vector<1000x8xf32>
    %broadcast_in_dim3A_60 = vector.broadcast %jit3A_58 : f32 to vector<1000x8xf32>
    %select_n3A = arith.select %eq3A_57, %broadcast_in_dim3A_59, %broadcast_in_dim3A_60 : vector<1000x8xi1>, vector<1000x8xf32>
    %broadcast_in_dim3A_61 = vector.shape_cast %broadcast_in_dim3A : vector<1000x1xf32> to vector<1000x1xf32>
    %broadcast_in_dim3A_62 = vector.broadcast %broadcast_in_dim3A_61 : vector<1000x1xf32> to vector<1000x8xf32>
    %select_n3A_63 = arith.select %eq3A_54, %broadcast_in_dim3A_62, %select_n3A : vector<1000x8xi1>, vector<1000x8xf32>
    %select_n3A_64 = arith.select %lt3A_52, %add3A_49, %select_n3A_63 : vector<1000x8xi1>, vector<1000x8xf32>
    %swap3A = arith.constant 0 : index
    %swap3A_65 = arith.constant 0 : index
    %swap3A_66 = vector.load %arg10[%swap3A, %swap3A_65] : memref<1000x8xf32, #tpu.memory_space<vmem>>, vector<1000x8xf32>
    tpu.vector_store %arg10[%swap3A, %swap3A_65], %select_n3A_64 {strides = array<i32>} : memref<1000x8xf32, #tpu.memory_space<vmem>>, vector<1000x8xf32>,
    %lt3A_67 = arith.constant 3 : i32
    %lt3A_68 = vector.broadcast %lt3A_67 : i32 to vector<1000x8xi32>
    %lt3A_69 = arith.cmpi slt, %iota3A, %lt3A_68 : vector<1000x8xi32>
    %mul3A_70 = arith.constant -2.000000e+00 : f32
    %mul3A_71 = vector.broadcast %mul3A_70 : f32 to vector<1000x8xf32>
    %mul3A_72 = arith.mulf %mul3A_71, %add3A_49 : vector<1000x8xf32>
    %eq3A_73 = arith.constant 3 : i32
    %eq3A_74 = vector.broadcast %eq3A_73 : i32 to vector<1000x8xi32>
    %eq3A_75 = arith.cmpi eq, %iota3A, %eq3A_74 : vector<1000x8xi32>
    %eq3A_76 = arith.constant 4 : i32
    %eq3A_77 = vector.broadcast %eq3A_76 : i32 to vector<1000x8xi32>
    %eq3A_78 = arith.cmpi eq, %iota3A, %eq3A_77 : vector<1000x8xi32>
    %jit3A_79 = arith.constant 0.000000e+00 : f32
    %broadcast_in_dim3A_80 = vector.shape_cast %broadcast_in_dim3A : vector<1000x1xf32> to vector<1000x1xf32>
    %broadcast_in_dim3A_81 = vector.broadcast %broadcast_in_dim3A_80 : vector<1000x1xf32> to vector<1000x8xf32>
    %broadcast_in_dim3A_82 = vector.broadcast %jit3A_79 : f32 to vector<1000x8xf32>
    %select_n3A_83 = arith.select %eq3A_78, %broadcast_in_dim3A_81, %broadcast_in_dim3A_82 : vector<1000x8xi1>, vector<1000x8xf32>
    %jit3A_84 = arith.constant 1.000000e+00 : f32
    %broadcast_in_dim3A_85 = vector.broadcast %jit3A_84 : f32 to vector<1000x8xf32>
    %select_n3A_86 = arith.select %eq3A_75, %broadcast_in_dim3A_85, %select_n3A_83 : vector<1000x8xi1>, vector<1000x8xf32>
    %select_n3A_87 = arith.select %lt3A_69, %mul3A_72, %select_n3A_86 : vector<1000x8xi1>, vector<1000x8xf32>
    %swap3A_88 = arith.constant 0 : index
    %swap3A_89 = arith.constant 0 : index
    %swap3A_90 = vector.load %arg11[%swap3A_88, %swap3A_89] : memref<1000x8xf32, #tpu.memory_space<vmem>>, vector<1000x8xf32>
    tpu.vector_store %arg11[%swap3A_88, %swap3A_89], %select_n3A_87 {strides = array<i32>} : memref<1000x8xf32, #tpu.memory_space<vmem>>, vector<1000x8xf32>,
    return
  }
  func.func @transform_0(%arg0: i32) -> (i32, i32, i32) {
    %c0_i32 = arith.constant 0 : i32
    %c0_i32_0 = arith.constant 0 : i32
    %c0_i32_1 = arith.constant 0 : i32
    return %c0_i32, %arg0, %c0_i32_0 : i32, i32, i32
  }
  func.func @transform_1(%arg0: i32) -> (i32, i32, i32) {
    %c1_i32 = arith.constant 1 : i32
    %c0_i32 = arith.constant 0 : i32
    %c0_i32_0 = arith.constant 0 : i32
    return %c1_i32, %arg0, %c0_i32 : i32, i32, i32
  }
  func.func @transform_2(%arg0: i32) -> (i32, i32) {
    %c0_i32 = arith.constant 0 : i32
    %c0_i32_0 = arith.constant 0 : i32
    %c0_i32_1 = arith.constant 0 : i32
    return %c0_i32, %c0_i32_0 : i32, i32
  }
  func.func @transform_3(%arg0: i32) -> (i32, i32) {
    %c0_i32 = arith.constant 0 : i32
    %c0_i32_0 = arith.constant 0 : i32
    %c0_i32_1 = arith.constant 0 : i32
    return %c0_i32, %c0_i32_0 : i32, i32
  }
  func.func @transform_4(%arg0: i32) -> (i32, i32) {
    %c0_i32 = arith.constant 0 : i32
    %c0_i32_0 = arith.constant 0 : i32
    %c0_i32_1 = arith.constant 0 : i32
    return %c0_i32, %c0_i32_0 : i32, i32
  }
  func.func @transform_5(%arg0: i32) -> (i32, i32) {
    %c0_i32 = arith.constant 0 : i32
    %c0_i32_0 = arith.constant 0 : i32
    %c0_i32_1 = arith.constant 0 : i32
    return %c0_i32, %c0_i32_0 : i32, i32
  }
  func.func @transform_6(%arg0: i32) -> (i32, i32) {
    %c0_i32 = arith.constant 0 : i32
    %c0_i32_0 = arith.constant 0 : i32
    %c0_i32_1 = arith.constant 0 : i32
    return %c0_i32, %c0_i32_0 : i32, i32
  }
  func.func @transform_7(%arg0: i32) -> (i32, i32) {
    %c0_i32 = arith.constant 0 : i32
    %c0_i32_0 = arith.constant 0 : i32
    %c0_i32_1 = arith.constant 0 : i32
    return %c0_i32, %c0_i32_0 : i32, i32
  }
  func.func @transform_8(%arg0: i32) -> (i32, i32) {
    %c0_i32 = arith.constant 0 : i32
    %c0_i32_0 = arith.constant 0 : i32
    %c0_i32_1 = arith.constant 0 : i32
    return %c0_i32, %c0_i32_0 : i32, i32
  }
  func.func @transform_9(%arg0: i32) -> (i32, i32) {
    %c0_i32 = arith.constant 0 : i32
    %c0_i32_0 = arith.constant 0 : i32
    return %arg0, %c0_i32 : i32, i32
  }
  func.func @transform_10(%arg0: i32) -> (i32, i32) {
    %c0_i32 = arith.constant 0 : i32
    %c0_i32_0 = arith.constant 0 : i32
    return %arg0, %c0_i32 : i32, i32
  }
}

module attributes {stable_mosaic.version = 14 : i64} {
  func.func @_dist_body(%arg0: i32, %arg1: memref<400x8xf32, #tpu.memory_space<vmem>>, %arg2: memref<10000x8xf32, #tpu.memory_space<vmem>>, %arg3: memref<400x10000xf32, #tpu.memory_space<vmem>>) attributes {dimension_semantics = [#tpu.dimension_semantics<arbitrary>], iteration_bounds = array<i64: 25>, scalar_prefetch = 0 : i64, scratch_operands = 0 : i64, tpu.core_type = #tpu.core_type<tc>, window_params = [{transform_indices = @transform_0, window_bounds = array<i64: 400, 8>}, {pipeline_mode = #tpu.pipeline_mode<synchronous>, transform_indices = @transform_1, window_bounds = array<i64: 10000, 8>}, {transform_indices = @transform_2, window_bounds = array<i64: 400, 10000>}]} {
    %get3A = arith.constant 0 : index
    %get3A_0 = arith.constant 0 : index
    %get3A_1 = vector.load %arg1[%get3A, %get3A_0] : memref<400x8xf32, #tpu.memory_space<vmem>>, vector<400x8xf32>
    %get3A_2 = arith.constant 0 : index
    %get3A_3 = arith.constant 0 : index
    %get3A_4 = vector.load %arg2[%get3A_2, %get3A_3] : memref<10000x8xf32, #tpu.memory_space<vmem>>, vector<10000x8xf32>
    %dot_general3A = arith.constant dense<0.000000e+00> : vector<400x10000xf32>
    %dot_general3A_5 = tpu.matmul %get3A_1, %get3A_4, %dot_general3A {dimension_numbers = #tpu.dot_dimension_numbers<[1], [1], [0], [0], [0, 0, 1, 0], [], []>, transpose_lhs_hint = false} : vector<400x8xf32>, vector<10000x8xf32>, vector<400x10000xf32> -> vector<400x10000xf32>
    %gt3A = arith.constant 0.000000e+00 : f32
    %gt3A_6 = vector.broadcast %gt3A : f32 to vector<400x10000xf32>
    %gt3A_7 = arith.cmpf ogt, %dot_general3A_5, %gt3A_6 : vector<400x10000xf32>
    %gt3A_8 = arith.constant 0.000000e+00 : f32
    %gt3A_9 = vector.broadcast %gt3A_8 : f32 to vector<400x10000xf32>
    %gt3A_10 = arith.cmpf ogt, %dot_general3A_5, %gt3A_9 : vector<400x10000xf32>
    %jit3A = arith.constant 1.000000e+00 : f32
    %broadcast_in_dim3A = vector.broadcast %jit3A : f32 to vector<400x10000xf32>
    %select_n3A = arith.select %gt3A_10, %dot_general3A_5, %broadcast_in_dim3A : vector<400x10000xi1>, vector<400x10000xf32>
    %sqrt3A = math.sqrt %select_n3A : vector<400x10000xf32>
    %jit3A_11 = arith.constant 0.000000e+00 : f32
    %broadcast_in_dim3A_12 = vector.broadcast %jit3A_11 : f32 to vector<400x10000xf32>
    %select_n3A_13 = arith.select %gt3A_7, %sqrt3A, %broadcast_in_dim3A_12 : vector<400x10000xi1>, vector<400x10000xf32>
    %swap3A = arith.constant 0 : index
    %swap3A_14 = arith.constant 0 : index
    %swap3A_15 = vector.load %arg3[%swap3A, %swap3A_14] : memref<400x10000xf32, #tpu.memory_space<vmem>>, vector<400x10000xf32>
    tpu.vector_store %arg3[%swap3A, %swap3A_14], %select_n3A_13 {strides = array<i32>} : memref<400x10000xf32, #tpu.memory_space<vmem>>, vector<400x10000xf32>,
    return
  }
  func.func @transform_0(%arg0: i32) -> (i32, i32) {
    %c0_i32 = arith.constant 0 : i32
    %c0_i32_0 = arith.constant 0 : i32
    return %arg0, %c0_i32 : i32, i32
  }
  func.func @transform_1(%arg0: i32) -> (i32, i32) {
    %c0_i32 = arith.constant 0 : i32
    %c0_i32_0 = arith.constant 0 : i32
    %c0_i32_1 = arith.constant 0 : i32
    return %c0_i32, %c0_i32_0 : i32, i32
  }
  func.func @transform_2(%arg0: i32) -> (i32, i32) {
    %c0_i32 = arith.constant 0 : i32
    %c0_i32_0 = arith.constant 0 : i32
    return %arg0, %c0_i32 : i32, i32
  }
}

</mosaic_0001>

<sc_bundles>
// kernel: kernel.10.cloned.1.call-start
scs
__scs_entry_jumppad:
0x0: {  	(pc) =	sbr.rel $0x88, $3  }
0x1: {  	(tag) =	ssettag $0x0;
	lr =	simm.s32 $0x1  }
0x2: {  	[smem:$0x3F95] =	sst lr;
	_ =	strace $0xD0000000  }
0x3: {  	_ = 	snop  }
0x4: {  	_ = 	snop  }
0x5: {  	_ = 	snop  }
0x6: {  	_ = 	snop  }
0x7: {  	_ = 	snop  }
__scs_overlays_trampoline_lowered:
0x8: {  	[smem:$0x3FA4] =	sst s0  }
0x9: {  	[smem:$0x3FA5] =	sst s1  }
0xa: {  	[smem:$0x3FA6] =	sst s2  }
0xb: {  	[smem:$0x3FA7] =	sst s3  }
0xc: {  	[smem:$0x3FA8] =	sst s4  }
0xd: {  	[smem:$0x3FA9] =	sst s5  }
0xe: {  	[smem:$0x3FAA] =	sst s6  }
0xf: {  	[smem:$0x3FAB] =	sst s7  }
0x10: {  	[smem:$0x3FAC] =	sst s8  }
0x11: {  	[smem:$0x3FAD] =	sst s9;
	s0 =	simm.s32 @!p0 $0x0  }
0x12: {  	s1 =	sld [smem:$0x3F93];
	s0 =	simm.s32 @p0 $0x1  }
0x13: {  	[smem:$0x3FAE] =	sst s0;
	s0 =	simm.s32 @!p1 $0x0  }
0x14: {  	s2 =	sld [smem:$0x3F92];
	s0 =	simm.s32 @p1 $0x1  }
0x15: {  	[smem:$0x3FAF] =	sst s0;
	s0 =	simm.s32 @!p2 $0x0  }
0x16: {  	s3 =	sld [smem:$0x3FDB];
	s0 =	simm.s32 @p2 $0x1  }
0x17: {  	s4 =	simm.s32 $0x1BF5;
	[smem:$0x3FB1] =	sst s0  }
0x18: {  	s0 =	sld [smem:$0x3F94];
	_ =	swait.ge [sflag:s4], $0x0  }
0x19: {  	s7 =	sld [smem:$0x3F95]  }
0x1a: {  	s8 =	sadd.s32 $0xFFFFE003, lr  }
0x1b: {  	s9 =	sadd.s32 $0xFFFFFEF7, lr;
	s5 =	simm.s32 $0xFFFFFFFF;
	p2 =	slt.u32 s8, $0xFFFFF086  }
0x1c: {  	p1 =	slt.u32 s9, $0xF7A;
	s5 =	simm.s32 @!p2 $0x0  }
0x1d: {  	s5 =	simm.s32 @p1 $0x1;
	p0 =	seq.s32 s7, s2  }
0x1e: {  	s7 =	smul.u32 @!p0 $0xF7A, s2;
	p2 =	seq.s32 @!p0 s5, $0x0  }
0x1f: {  	s9 =	smul.u32 $0xF7A, s1;
	s8 =	simm.s32 @!p0 $0x1BF5;
	p2 =	por !p2, p0  }
0x20: {  	[sflag:s8] =	ssyncset.s32 @!p0 $0xFFFFF086;
	s6 =	sadd.s32 @!p0 s3, s7;
	s7 =	simm.s32 @!p0 $0x108  }
0x21: {  	s3 =	sadd.s32 s3, s9;
	s6 =	sadd.s32 @!p0 $0x88, s6;
	s7 =	simm.s32 @p2 $0x1082  }
0x22: {  	[simem:s7], [sflag:s8] =	dma.local @!p0 [hbm:s6], $0xF7A  }
0x23: {  	s9 =	sor.u32 $0xD0000000, s2;
	s6 =	simm.s32 $0x108;
	_ =	swait.ge @!p0 [sflag:s8], $0x0  }
0x24: {  	s3 =	sadd.s32 $0x88, s3;
	s6 =	simm.s32 @!p1 $0x1082;
	[sflag:s4] =	ssyncset.s32 $0xFFFFF086  }
0x25: {  	[simem:s6], [sflag:s4] =	dma.local [hbm:s3], $0xF7A  }
0x26: {  	[smem:$0x3F95] =	sst s1;
	(tag) =	ssettag s2;
	_ =	strace s9  }
0x27: {  	s1 =	sld [smem:$0x3FA5]  }
0x28: {  	s2 =	sld [smem:$0x3FA6]  }
0x29: {  	s4 =	sld [smem:$0x3FA8]  }
0x2a: {  	p0 =	seq.s32 s5, $0x0;
	s5 =	sld [smem:$0x3FA9]  }
0x2b: {  	s6 =	sld [smem:$0x3FAA]  }
0x2c: {  	s7 =	sld [smem:$0x3FAB]  }
0x2d: {  	s3 =	simm.s32 $0x108;
	s8 =	sld [smem:$0x3FAC]  }
0x2e: {  	s3 =	simm.s32 @!p0 $0x1082;
	s9 =	sld [smem:$0x3FAD]  }
0x2f: {  	lr =	sadd.s32 s0, s3;
	s0 =	sld [smem:$0x3FA4]  }
0x30: {  	s3 =	sld [smem:$0x3FA7]  }
0x31: {  	[smem:$0x3FB0] =	sst s10  }
0x32: {  	s10 =	sld [smem:$0x3FAE];
	_ =	sdelay $0x3  }
0x33: {  	p0 =	seq.s32 s10, $0x1;
	s10 =	sld [smem:$0x3FB0];
	_ =	sdelay $0x3  }
0x34: {  	[smem:$0x3FB0] =	sst s10  }
0x35: {  	s10 =	sld [smem:$0x3FAF];
	_ =	sdelay $0x3  }
0x36: {  	p1 =	seq.s32 s10, $0x1;
	s10 =	sld [smem:$0x3FB0];
	_ =	sdelay $0x3  }
0x37: {  	[smem:$0x3FB0] =	sst s10  }
0x38: {  	s10 =	sld [smem:$0x3FB1]  }
0x39: {  	_ = 	snop;
	(pc) =	sbr.ind lr, $3  }
0x3a: {  	_ = 	snop  }
0x3b: {  	_ = 	snop  }
0x3c: {  	p2 =	seq.s32 s10, $0x1;
	s10 =	sld [smem:$0x3FB0]  }
0x3d: {  	_ =	shalt  }
0x3e: {  	_ =	shalt  }
0x3f: {  	_ =	shalt  }
0x40: {  	_ =	shalt  }
0x41: {  	_ =	shalt  }
0x42: {  	_ =	shalt  }
0x43: {  	_ =	shalt  }
0x44: {  	_ =	shalt  }
0x45: {  	_ =	shalt  }
0x46: {  	_ =	shalt  }
0x47: {  	_ =	shalt  }
0x48: {  	_ =	shalt  }
0x49: {  	_ =	shalt  }
0x4a: {  	_ =	shalt  }
0x4b: {  	_ =	shalt  }
0x4c: {  	_ =	shalt  }
0x4d: {  	_ =	shalt  }
0x4e: {  	_ =	shalt  }
0x4f: {  	_ =	shalt  }
0x50: {  	_ =	shalt  }
0x51: {  	_ =	shalt  }
0x52: {  	_ =	shalt  }
0x53: {  	_ =	shalt  }
0x54: {  	_ =	shalt  }
0x55: {  	_ =	shalt  }
0x56: {  	_ =	shalt  }
0x57: {  	_ =	shalt  }
0x58: {  	_ =	shalt  }
0x59: {  	_ =	shalt  }
0x5a: {  	_ =	shalt  }
0x5b: {  	_ =	shalt  }
0x5c: {  	_ =	shalt  }
0x5d: {  	_ =	shalt  }
0x5e: {  	_ =	shalt  }
0x5f: {  	_ =	shalt  }
0x60: {  	_ =	shalt  }
0x61: {  	_ =	shalt  }
0x62: {  	_ =	shalt  }
0x63: {  	_ =	shalt  }
0x64: {  	_ =	shalt  }
0x65: {  	_ =	shalt  }
0x66: {  	_ =	shalt  }
0x67: {  	_ =	shalt  }
0x68: {  	_ =	shalt  }
0x69: {  	_ =	shalt  }
0x6a: {  	_ =	shalt  }
0x6b: {  	_ =	shalt  }
0x6c: {  	_ =	shalt  }
0x6d: {  	_ =	shalt  }
0x6e: {  	_ =	shalt  }
0x6f: {  	_ =	shalt  }
0x70: {  	_ =	shalt  }
0x71: {  	_ =	shalt  }
0x72: {  	_ =	shalt  }
0x73: {  	_ =	shalt  }
0x74: {  	_ =	shalt  }
0x75: {  	_ =	shalt  }
0x76: {  	_ =	shalt  }
0x77: {  	_ =	shalt  }
0x78: {  	_ =	shalt  }
0x79: {  	_ =	shalt  }
0x7a: {  	_ =	shalt  }
0x7b: {  	_ =	shalt  }
0x7c: {  	_ =	shalt  }
0x7d: {  	_ =	shalt  }
0x7e: {  	_ =	shalt  }
0x7f: {  	_ =	shalt  }
0x80: {  	_ =	shalt  }
0x81: {  	_ =	shalt  }
0x82: {  	_ =	shalt  }
0x83: {  	_ =	shalt  }
0x84: {  	_ =	shalt  }
0x85: {  	_ =	shalt  }
0x86: {  	_ =	shalt  }
0x87: {  	_ =	shalt  }
.Lfunc_end0:
.L_simem_size_0:
called_computation.1_lowered:
.L_overlay_start_0:
0x88: {  	s2 =	sld [smem:$0x3FD9]  }
0x89: {  	s3 =	sld [smem:$0x3FFE];
	_ =	sdelay $0x1  }
0x8a: {  	s1 =	srdreg.scid  }
0x8b: {  	s0 =	sand.u32 $0x1, s1  }
0x8c: {  	s17 =	sshll.u32 s0, $0xA;
	s2 =	sadd.s32 s3, s2  }
0x8d: {  	s2 =	sadd.s32 s2, s17  }
0x8e: {  	[smem:$0x3FBC] =	sst s2  }
0x8f: {  	_ = 	snop  }
0x90: {  	s2 =	sld [smem:$0x3FD0];
	(tm) =	ssettm $0x1  }
0x91: {  	s18 =	sld [smem:$0x3FFB];
	_ =	sdelay $0x3  }
0x92: {  	_ =	strace s18  }
0x93: {  	s3 =	sld [smem:$0x3FFC];
	_ =	sdelay $0x3  }
0x94: {  	_ =	strace s3  }
0x95: {  	s3 =	sld [smem:$0x3FFD];
	_ =	sdelay $0x3  }
0x96: {  	_ =	strace s3  }
0x97: {  	_ =	strace $0x8FFFFFFF  }
0x98: {  	s19 =	sld [smem:$0x3FDB];
	_ =	sdelay $0x1  }
0x99: {  	s4 =	simm.s32 $_scs_section_size  }
0x9a: {  	s5 =	simm.s32 $_size__tile_overlayer_lowered;
	s6 =	simm.s32 $_tile_overlayer_lowered  }
0x9b: {  	s22 =	simm.s32 $0x1BFF;
	s21 =	sshll.u32 s6, $0x1;
	s3 =	sadd.s32 s4, s19  }
0x9c: {  	s7 =	simm.s32 $0x0;
	s20 =	sshll.u32 s5, $0x1;
	s5 =	sadd.s32 s21, s3  }
0x9d: {  	[timem:s7], [sflag:s22] =	dma.local [hbm:s5], s20  }
0x9e: {  	_ =	swait.ge [sflag:s22], s20  }
0x9f: {  	s4 =	ssub.s32 $0x0, s20;
	[sflag:s22] =	ssyncset.done $0x0  }
0xa0: {  	[sflag:s22] =	ssyncadd.s32 s4;
	_ =	sdelay $0x1  }
0xa1: {  	s23 =	simm.s32 $0x1B8B  }
0xa2: {  	_ =	swait.ge [sflag:s23], $0x1  }
0xa3: {  	[sflag:s23] =	ssyncset.done $0x0  }
0xa4: {  	s25 =	simm.s32 $0x1B8E;
	s24 =	sld [smem:$0x3FFE];
	[sflag:s23] =	ssyncadd.s32 $0xFFFFFFFF  }
0xa5: {  	s26 =	simm.s32 $execute0_lowered;
	[smem:$0x3FD2] =	sst s25  }
0xa6: {  	s5 =	sshll.u32 s26, $0x1;
	_ =	strace $0x80000049;
	[dreg:$0x1] =	wrdreg $0xFFFFFFFF  }
0xa7: {  	s28 =	simm.s32 $_size_execute0_lowered;
	s3 =	sadd.s32 s3, s5;
	[dreg:$0x0] =	wrdreg $0x0  }
0xa8: {  	s5 =	sshll.u32 s28, $0x1;
	[dreg:$0x2] =	wrdreg s3  }
0xa9: {  	[dreg:$0x3] =	wrdreg s5  }
0xaa: {  	[dreg:$0x4] =	wrdreg $0xC0  }
0xab: {  	_ =	task [dreg:s7], $0x5FFFF  }
0xac: {  	[dreg:$0x1] =	wrdreg $0xFFFFFFFF  }
0xad: {  	[dreg:$0x0] =	wrdreg $0x60  }
0xae: {  	[dreg:$0x2] =	wrdreg s2  }
0xaf: {  	[dreg:$0x3] =	wrdreg s24  }
0xb0: {  	[dreg:$0x4] =	wrdreg $0x9  }
0xb1: {  	_ =	task.clear_ibuf [dreg:s7], $0x5FFFF;
	_ =	strace $0x90000049  }
0xb2: {  	s29 =	simm.s32 $0x9;
	_ =	strace $0x8000004B  }
0xb3: {  	_ =	swait.ge [sflag:s29], $0x1  }
0xb4: {  	[sflag:s29] =	ssyncadd.s32 $0xFFFFFFFF  }
0xb5: {  	_ =	strace $0x9000004B  }
0xb6: {  	_ =	sfence  }
0xb7: {  	s30 =	sld [smem:$0x0];
	_ =	sdelay $0x2  }
0xb8: {  	s31 =	sshll.u32 s1, $0xD;
	s1 =	sshrl.u32 s1, $0x2  }
0xb9: {  	s3 =	sand.u32 $0x4000, s31;
	s1 =	sadd.s32 s1, s30  }
0xba: {  	s0 =	sor.u32 s3, s0;
	s1 =	sshll.u32 s1, $0x11  }
0xbb: {  	s0 =	sor.u32 s1, s0  }
0xbc: {  	s0 =	sadd.s32 $0x8F2B, s0  }
0xbd: {  	[sflag:s0] =	ssyncadd.remote.s32 $0x1  }
0xbe: {  	_ =	sfence.sel $0xFFFF  }
0xbf: {  	[dreg:$0x0] =	wrdreg $0xFFFFFFFF;
	(pc) =	sbr.abs _section_cstart, $3  }
0xc0: {  	[dreg:$0x1] =	wrdreg $0xFFFFFFFF  }
0xc1: {  	_ =	task.clear_ibuf [dreg:s7], $0x2FFFF;
	_ =	strace $0x9FFFFFFF  }
0xc2: {  	(tm) =	ssettm $0x7FFFFFFF  }
0xc3: {  	_ =	shalt  }
tec
execute0_lowered:
.L_overlay_start_1:
0x0: {  	(tag) =	ssettag $0x1  }
0x1: {  	s0 =	rddreg [dreg:$0x0]  }
0x2: {  	s2 =	rddreg [dreg:$0x1];
	s1 =	simm.s32 $0x0;
	s4 =	srdreg.scid  }
0x3: {  	s23 =	stileid.u32;
	s28 =	simm.s32 $0x1A800;
	s29 =	simm.s32 $0x1B000  }
0x4: {  	s30 =	simm.s32 $0x1B800;
	s31 =	simm.s32 $0x1C000;
	[smem:$0x7FF] =	sst s1  }
0x5: {  	s3 =	sadd.s32 $0x6E00, s2;
	s22 =	sadd.s32 $0x1A00, s2;
	s18 =	smul.u32 $0x2A00, s23  }
0x6: {  	s17 =	sadd.s32 $0xD600, s2;
	s4 =	sand.u32 $0x1, s4;
	s25 =	smul.u32 $0x140, s23  }
0x7: {  	s5 =	sadd.s32 $0x17E00, s2;
	s7 =	sadd.s32 $0x23A00, s2;
	s16 =	smul.u32 $0x14000, s23  }
0x8: {  	_ =	strace $0x8000004A;
	[dreg:$0x3] =	wrdreg s3;
	s9 =	smul.u32 $0x500, s4  }
0x9: {  	s6 =	sadd.s32 $0x19200, s2;
	[dreg:$0x4] =	wrdreg s22;
	s10 =	smul.u32 $0x2800, s4  }
0xa: {  	s8 =	ssub.s32 $0x2, s4;
	s14 =	smul.u32 $0x280000, s4;
	s3 =	simm.s32 $0x0  }
0xb: {  	[dreg:$0x5] =	wrdreg s17;
	s24 =	sshrl.u32 s8, $0x1;
	s20 =	sadd.s32 $0x1400, s25  }
0xc: {  	s12 =	sadd.s32 $0x140, s25;
	s23 =	sadd.s32 $0x1540, s25;
	[dreg:$0x6] =	wrdreg s18  }
0xd: {  	s2 =	ssub.s32 s8, s24;
	s10 =	sshrl.u32 s10, $0x3;
	s9 =	sadd.s32 s5, s9  }
0xe: {  	[dreg:$0x7] =	wrdreg s9;
	s5 =	sadd.s32 s5, s10;
	s2 =	smax.u32 s2, $0x1  }
0xf: {  	v0 =	vmov s25;
	s25 =	simm.s32 $0x19800;
	s10 =	sadd.s32 $0xA00, s5;
	[dreg:$0xf] =	wrdreg s2  }
0x10: {  	s8 =	smul.u32 $0x2A000, s4;
	s13 =	sadd.s32 $0xAFA, s5;
	[dreg:$0x8] =	wrdreg s10  }
0x11: {  	s4 =	smul.u32 $0x4E200, s4;
	s11 =	sadd.s32 $0xBF4, s5;
	[dreg:$0x9] =	wrdreg s13  }
0x12: {  	s24 =	simm.s32 $0x18800;
	s15 =	sadd.s32 $0xCEE, s5;
	[dreg:$0xa] =	wrdreg s11  }
0x13: {  	v1 =	vmov s12;
	s12 =	simm.s32 $0x4000;
	s19 =	sadd.s32 $0xDE8, s5;
	[dreg:$0xb] =	wrdreg s15  }
0x14: {  	s9 =	simm.s32 $0x1D800;
	s5 =	simm.s32 $0x1D000;
	[dreg:$0xc] =	wrdreg s19  }
0x15: {  	s11 =	sadd.s32 s16, s14;
	s13 =	sshll.u32 s20, $0x8;
	s15 =	sadd.s32 s0, s4  }
.Ltmp0:
0x16: {  	s19 =	simm.s32 $0x2;
	s10 =	simm.s32 $0x1E000;
	(pc) =	sbr.rel .LBB2_1-.Ltmp0, $4  }
0x17: {  	v3 =	vlaneseq.u32;
	v5 =	vimm.f32 $0.0e+00;
	s21 =	sshrl.u32 s11, $0x3;
	s22 =	sadd.s32 s14, s13;
	s13 =	simm.s32 $0x2780  }
0x18: {  	v6 =	vimm.s32 $0x0;
	vm0 =	vmmov $0xffff;
	v10 =	vimm.s32 $0x140;
	s11 =	simm.s32 $0x1;
	s0 =	sadd.s32 s7, s21;
	s4 =	sshrl.u32 s22, $0x3  }
0x19: {  	v8 =	vshrl.u32 v3, $0x3;
	v7 =	vand.u32 $0x7, v3;
	v9 =	vor.u32 $0x8, v3;
	s22 =	simm.s32 $0x3A80;
	[dreg:$0xd] =	wrdreg s0;
	s26 =	sadd.s32 s7, s4  }
0x1a: {  	v8 =	vmul.u32 $0x8, v8;
	v2 =	vmov s20;
	v4 =	vmov s23;
	s0 =	simm.s32 $0x1C800;
	[dreg:$0xe] =	wrdreg s26;
	s26 =	simm.s32 $0x1A000  }
.LBB2_51:
0x1b: {  	s2 =	rddreg [dreg:$0xe]  }
0x1c: {  	[hbm4b:s2+s1] =	stream.linear.scatter [tilespmem:s12], [sflag:$0x2], $0x14000, $0x38;
	[tilespmem:$0x1E800] =	vst v63  }
0x1d: {  	_ =	swait.ge [sflag:s19], $0x14000  }
0x1e: {  	s3 =	rddreg [dreg:$0x10]  }
0x1f: {  	s23 =	rddreg [dreg:$0xf];
	s3 =	sadd.s32 $0x1, s3  }
0x20: {  	p0 =	sne.s32 s3, s23  }
.Ltmp1:
0x21: {  	_ = 	snop;
	(pc) =	sbr.rel @!p0 .LBB2_52-.Ltmp1, $3  }
0x22: {  	_ =	sdelay $0x1  }
0x23: {  	[sflag:s19] =	ssyncset.done $0x0;
	s17 =	rddreg [dreg:$0x5]  }
0x24: {  	s13 =	simm.s32 $0x2780;
	s18 =	rddreg [dreg:$0x6];
	[sflag:s19] =	ssyncadd.s32 $0xFFFEC000  }
.LBB2_1:
0x25: {  	[dreg:$0x10] =	wrdreg s3  }
0x26: {  	s2 =	rddreg [dreg:$0x7]  }
0x27: {  	[tilespmem:s1], [sflag:$0x2] =	stream.linear.gather [hbm4b:s2+s1], $0x2710, $0x38;
	[tilespmem:$0x1E800] =	vst v63  }
0x28: {  	_ =	swait.ge [sflag:s19], $0x2710  }
0x29: {  	[sflag:s19] =	ssyncset.done $0x0  }
0x2a: {  	s23 =	rddreg [dreg:$0x8];
	[sflag:s19] =	ssyncadd.s32 $0xFFFFD8F0  }
0x2b: {  	[tilespmem:s13], [sflag:$0x2] =	stream.linear.gather [hbm4b:s23+s1], $0x7D0, $0x38;
	[tilespmem:$0x1E800] =	vst v63  }
0x2c: {  	_ =	swait.ge [sflag:s19], $0x7D0  }
0x2d: {  	[sflag:s19] =	ssyncset.done $0x0  }
0x2e: {  	s2 =	simm.s32 $0x0;
	[sflag:s19] =	ssyncadd.s32 $0xFFFFF830  }
0x2f: {  	s4 =	simm.s32 $0x40;
	v11 =	vld [tilespmem:s2+$0x2780]  }
.LBB2_2:
0x30: {  	p0 =	sne.s32 s4, $0x1F00;
	v12 =	vld [tilespmem:s2+$0x0];
	_ =	sdelay $0x2  }
.Ltmp2:
0x31: {  	(pc) =	sbr.rel @p0 .LBB2_2-.Ltmp2, $4  }
0x32: {  	_ = 	snop  }
0x33: {  	v12 =	vadd.f32 v11, v12  }
0x34: {  	s7 =	sshra.s32 s4, $0x2  }
0x35: {  	s4 =	sadd.s32 $0x40, s4;
	v11 =	vld [tilespmem:s7+$0x2780];
	[tilespmem:s2+$0x0] =	vst v12;
	s2 =	smov.u32 s7  }
0x36: {  	v12 =	vld [tilespmem:s2+$0x0];
	_ =	sdelay $0x4  }
0x37: {  	v11 =	vadd.f32 v11, v12;
	_ =	sdelay $0x1  }
0x38: {  	s23 =	simm.s32 $0x0;
	s3 =	rddreg [dreg:$0x9];
	[tilespmem:s2+$0x0] =	vst v11  }
0x39: {  	[tilespmem:s13], [sflag:$0x2] =	stream.linear.gather [hbm4b:s3+s23], $0x7D0, $0x38;
	[tilespmem:$0x1E800] =	vst v63  }
0x3a: {  	_ =	swait.ge [sflag:s19], $0x7D0  }
0x3b: {  	[sflag:s19] =	ssyncset.done $0x0  }
0x3c: {  	s2 =	simm.s32 $0x0;
	[sflag:s19] =	ssyncadd.s32 $0xFFFFF830  }
0x3d: {  	s4 =	simm.s32 $0x40;
	v11 =	vld [tilespmem:s2+$0x2780]  }
.LBB2_4:
0x3e: {  	p0 =	sne.s32 s4, $0x1F00;
	v12 =	vld [tilespmem:s2+$0x7D0];
	_ =	sdelay $0x2  }
.Ltmp3:
0x3f: {  	(pc) =	sbr.rel @p0 .LBB2_4-.Ltmp3, $4  }
0x40: {  	_ = 	snop  }
0x41: {  	v12 =	vadd.f32 v11, v12  }
0x42: {  	s7 =	sshra.s32 s4, $0x2  }
0x43: {  	s4 =	sadd.s32 $0x40, s4;
	v11 =	vld [tilespmem:s7+$0x2780];
	[tilespmem:s2+$0x7D0] =	vst v12;
	s2 =	smov.u32 s7  }
0x44: {  	v12 =	vld [tilespmem:s2+$0x7D0];
	_ =	sdelay $0x4  }
0x45: {  	v11 =	vadd.f32 v11, v12;
	_ =	sdelay $0x1  }
0x46: {  	s23 =	simm.s32 $0x0;
	s3 =	rddreg [dreg:$0xa];
	[tilespmem:s2+$0x7D0] =	vst v11  }
0x47: {  	[tilespmem:s13], [sflag:$0x2] =	stream.linear.gather [hbm4b:s3+s23], $0x7D0, $0x38;
	[tilespmem:$0x1E800] =	vst v63  }
0x48: {  	_ =	swait.ge [sflag:s19], $0x7D0  }
0x49: {  	[sflag:s19] =	ssyncset.done $0x0  }
0x4a: {  	s2 =	simm.s32 $0x0;
	[sflag:s19] =	ssyncadd.s32 $0xFFFFF830  }
0x4b: {  	s4 =	simm.s32 $0x40;
	v11 =	vld [tilespmem:s2+$0x2780]  }
.LBB2_6:
0x4c: {  	p0 =	sne.s32 s4, $0x1F00;
	v12 =	vld [tilespmem:s2+$0xFA0];
	_ =	sdelay $0x2  }
.Ltmp4:
0x4d: {  	(pc) =	sbr.rel @p0 .LBB2_6-.Ltmp4, $4  }
0x4e: {  	_ = 	snop  }
0x4f: {  	v12 =	vadd.f32 v11, v12  }
0x50: {  	s7 =	sshra.s32 s4, $0x2  }
0x51: {  	s4 =	sadd.s32 $0x40, s4;
	v11 =	vld [tilespmem:s7+$0x2780];
	[tilespmem:s2+$0xFA0] =	vst v12;
	s2 =	smov.u32 s7  }
0x52: {  	v12 =	vld [tilespmem:s2+$0xFA0];
	_ =	sdelay $0x4  }
0x53: {  	v11 =	vadd.f32 v11, v12;
	_ =	sdelay $0x1  }
0x54: {  	s23 =	simm.s32 $0x0;
	s3 =	rddreg [dreg:$0xb];
	[tilespmem:s2+$0xFA0] =	vst v11  }
0x55: {  	[tilespmem:s13], [sflag:$0x2] =	stream.linear.gather [hbm4b:s3+s23], $0x7D0, $0x38;
	[tilespmem:$0x1E800] =	vst v63  }
0x56: {  	_ =	swait.ge [sflag:s19], $0x7D0  }
0x57: {  	[sflag:s19] =	ssyncset.done $0x0  }
0x58: {  	s2 =	simm.s32 $0x0;
	[sflag:s19] =	ssyncadd.s32 $0xFFFFF830  }
0x59: {  	s4 =	simm.s32 $0x40;
	v11 =	vld [tilespmem:s2+$0x2780]  }
.LBB2_8:
0x5a: {  	p0 =	sne.s32 s4, $0x1F00;
	v12 =	vld [tilespmem:s2+$0x1770];
	_ =	sdelay $0x2  }
.Ltmp5:
0x5b: {  	(pc) =	sbr.rel @p0 .LBB2_8-.Ltmp5, $4  }
0x5c: {  	_ = 	snop  }
0x5d: {  	v12 =	vadd.f32 v11, v12  }
0x5e: {  	s7 =	sshra.s32 s4, $0x2  }
0x5f: {  	s4 =	sadd.s32 $0x40, s4;
	v11 =	vld [tilespmem:s7+$0x2780];
	[tilespmem:s2+$0x1770] =	vst v12;
	s2 =	smov.u32 s7  }
0x60: {  	v12 =	vld [tilespmem:s2+$0x1770];
	_ =	sdelay $0x4  }
0x61: {  	v11 =	vadd.f32 v11, v12;
	_ =	sdelay $0x1  }
0x62: {  	s14 =	simm.s32 $0x0;
	s23 =	rddreg [dreg:$0xc];
	[tilespmem:s2+$0x1770] =	vst v11  }
0x63: {  	[tilespmem:s13], [sflag:$0x2] =	stream.linear.gather [hbm4b:s23+s14], $0x7D0, $0x38;
	[tilespmem:$0x1E800] =	vst v63  }
0x64: {  	_ =	swait.ge [sflag:s19], $0x7D0  }
0x65: {  	[sflag:s19] =	ssyncset.done $0x0  }
0x66: {  	s2 =	simm.s32 $0x0;
	[sflag:s19] =	ssyncadd.s32 $0xFFFFF830  }
0x67: {  	s4 =	simm.s32 $0x40;
	v11 =	vld [tilespmem:s2+$0x2780]  }
.LBB2_10:
0x68: {  	p0 =	sne.s32 s4, $0x1F00;
	v12 =	vld [tilespmem:s2+$0x1F40];
	_ =	sdelay $0x2  }
.Ltmp6:
0x69: {  	(pc) =	sbr.rel @p0 .LBB2_10-.Ltmp6, $4  }
0x6a: {  	_ = 	snop  }
0x6b: {  	v12 =	vadd.f32 v11, v12  }
0x6c: {  	s7 =	sshra.s32 s4, $0x2  }
0x6d: {  	s4 =	sadd.s32 $0x40, s4;
	v11 =	vld [tilespmem:s7+$0x2780];
	[tilespmem:s2+$0x1F40] =	vst v12;
	s2 =	smov.u32 s7  }
0x6e: {  	v12 =	vld [tilespmem:s2+$0x1F40];
	_ =	sdelay $0x4  }
0x6f: {  	v11 =	vadd.f32 v11, v12;
	_ =	sdelay $0x1  }
0x70: {  	[tilespmem:s2+$0x1F40] =	vst v11  }
.LBB2_12:
0x71: {  	s2 =	smul.u32 $0x540, s14;
	_ =	sdelay $0x1  }
0x72: {  	s2 =	sadd.s32 s18, s2  }
0x73: {  	s4 =	sadd.s32 s8, s2  }
0x74: {  	s13 =	sshrl.u32 s4, $0x3  }
0x75: {  	s7 =	simm.s32 $0x0;
	s4 =	sadd.s32 s17, s13  }
0x76: {  	[tilespmem:s22], [sflag:$0x2] =	stream.linear.gather [hbm4b:s4+s7], $0x540, $0x38;
	[tilespmem:$0x1E800] =	vst v63  }
0x77: {  	_ =	swait.ge [sflag:s19], $0x540  }
0x78: {  	s2 =	sshrl.u32 s2, $0x3;
	[sflag:s19] =	ssyncset.done $0x0;
	s3 =	rddreg [dreg:$0x4]  }
0x79: {  	s23 =	simm.s32 $0x3500;
	[sflag:s19] =	ssyncadd.s32 $0xFFFFFAC0;
	s2 =	sadd.s32 s3, s2  }
0x7a: {  	[tilespmem:s23], [sflag:$0x2] =	stream.linear.gather [hbm4b:s2+s7], $0x540, $0x38;
	[tilespmem:$0x1E800] =	vst v63  }
0x7b: {  	_ =	swait.ge [sflag:s19], $0x540  }
0x7c: {  	[sflag:s19] =	ssyncset.done $0x0  }
0x7d: {  	s4 =	simm.s32 $0x0;
	[sflag:s19] =	ssyncadd.s32 $0xFFFFFAC0  }
0x7e: {  	v11 =	vld [tilespmem:s4+$0x3500];
	_ =	sdelay $0x7  }
0x7f: {  	v11 =	vld.idx.msk [tilespmem:v11+s1+$0x0], $0xffff;
	_ =	sdelay $0x4  }
0x80: {  	v11 =	vadd.f32 $1.000000020e-16, v11;
	_ =	sdelay $0x1  }
0x81: {  	(erf) = vrcp.f32 v11;
	_ =	sdelay $0x2  }
0x82: {  	s16 =	simm.s32 $0x10  }
0x83: {  	s7 =	simm.s32 $0x80;
	v11 =	vld [tilespmem:s16+$0x3500]  }
.LBB2_13:
0x84: {  	p0 =	sne.s32 s7, $0x14C0;
	v12 =	vld [tilespmem:s4+$0x3A80];
	_ =	sdelay $0x3  }
0x85: {  	v13 =	vpop (erf)  }
0x86: {  	v12 =	vmul.f32 v13, v12;
	_ =	sdelay $0x1  }
0x87: {  	[tilespmem:s4+$0x3A80] =	vst v12;
	s4 =	smov.u32 s16  }
0x88: {  	v11 =	vld.idx.msk [tilespmem:v11+s1+$0x0], $0xffff;
	_ =	sdelay $0x5  }
0x89: {  	v11 =	vadd.f32 $1.000000020e-16, v11;
	_ =	sdelay $0x1  }
.Ltmp7:
0x8a: {  	(erf) = vrcp.f32 v11;
	(pc) =	sbr.rel @p0 .LBB2_13-.Ltmp7, $3  }
0x8b: {  	_ =	sdelay $0x1  }
0x8c: {  	s16 =	sshra.s32 s7, $0x2  }
0x8d: {  	s7 =	sadd.s32 $0x40, s7;
	v11 =	vld [tilespmem:s16+$0x3500]  }
0x8e: {  	v12 =	vld [tilespmem:s4+$0x3A80];
	_ =	sdelay $0x3  }
0x8f: {  	v13 =	vpop (erf)  }
0x90: {  	v12 =	vmul.f32 v13, v12;
	_ =	sdelay $0x1  }
0x91: {  	[tilespmem:s4+$0x3A80] =	vst v12  }
0x92: {  	v11 =	vld.idx.msk [tilespmem:v11+s1+$0x0], $0xffff;
	_ =	sdelay $0x4  }
0x93: {  	v11 =	vadd.f32 $1.000000020e-16, v11;
	_ =	sdelay $0x1  }
0x94: {  	(erf) = vrcp.f32 v11;
	_ =	sdelay $0x4  }
0x95: {  	v11 =	vld [tilespmem:s16+$0x3A80];
	_ =	sdelay $0x3  }
0x96: {  	v63 =	vpop (erf)  }
0x97: {  	s14 =	sadd.s32 $0x1, s14;
	v11 =	vmul.f32 v63, v11  }
0x98: {  	p0 =	sne.s32 s14, $0x8  }
.Ltmp8:
0x99: {  	s2 =	sadd.s32 s6, s13;
	[tilespmem:s16+$0x3A80] =	vst v11;
	(pc) =	sbr.rel @p0 .LBB2_12-.Ltmp8, $4  }
0x9a: {  	[hbm4b:s2+s1] =	stream.linear.scatter [tilespmem:s22], [sflag:$0x2], $0x540, $0x38;
	[tilespmem:$0x1E800] =	vst v63  }
0x9b: {  	_ =	swait.ge [sflag:s19], $0x540  }
0x9c: {  	[sflag:s19] =	ssyncset.done $0x0  }
0x9d: {  	[sflag:s19] =	ssyncadd.s32 $0xFFFFFAC0  }
0x9e: {  	[bflag:$0x0] =	sbarrier.arrive $0xFFFF  }
0x9f: {  	s17 =	simm.s32 $0x0;
	s2 =	simm.s32 $0x40;
	s4 =	simm.s32 $0x0  }
.LBB2_16:
0xa0: {  	p0 =	sne.s32 s2, $0x51FC0;
	[tilespmem:s4+$0x4000] =	vst v5;
	s4 =	smov.u32 s2;
	s2 =	sadd.s32 $0x40, s2  }
.Ltmp9:
0xa1: {  	(pc) =	sbr.rel @p0 .LBB2_16-.Ltmp9, $2  }
0xa2: {  	_ =	sdelay $0x2  }
0xa3: {  	s4 =	sshra.s32 s4, $0x2  }
.Ltmp10:
0xa4: {  	(pc) =	sbr.rel .LBB2_18-.Ltmp10, $2  }
0xa5: {  	_ =	sdelay $0x2  }
0xa6: {  	[tilespmem:s4+$0x4000] =	vst v5;
	s18 =	simm.s32 $0x0;
	s16 =	simm.s32 $0x0  }
.LBB2_26:
0xa7: {  	s16 =	sadd.s32 $0x1, s16  }
0xa8: {  	p0 =	sne.s32 s16, $0x80  }
.Ltmp11:
0xa9: {  	_ = 	snop;
	(pc) =	sbr.rel @!p0 .LBB2_27-.Ltmp11, $2  }
0xaa: {  	_ =	sdelay $0x2  }
0xab: {  	s22 =	simm.s32 $0x3A80  }
.LBB2_18:
0xac: {  	s2 =	smul.u32 $0x540, s16;
	_ =	sdelay $0x1  }
0xad: {  	s3 =	rddreg [dreg:$0x3];
	s4 =	sshrl.u32 s2, $0x3  }
0xae: {  	s13 =	simm.s32 $0x0;
	s14 =	simm.s32 $0x2F80;
	s7 =	sadd.s32 s3, s4  }
0xaf: {  	[tilespmem:s14], [sflag:$0x2] =	stream.linear.gather [hbm4b:s7+s13], $0x540, $0x38;
	[tilespmem:$0x1E800] =	vst v63  }
0xb0: {  	_ =	swait.ge [sflag:s19], $0x540  }
0xb1: {  	[sflag:s19] =	ssyncset.done $0x0;
	s20 =	rddreg [dreg:$0x4]  }
0xb2: {  	s21 =	simm.s32 $0x3500;
	[sflag:s19] =	ssyncadd.s32 $0xFFFFFAC0;
	s4 =	sadd.s32 s20, s4  }
0xb3: {  	[tilespmem:s21], [sflag:$0x2] =	stream.linear.gather [hbm4b:s4+s13], $0x540, $0x38;
	[tilespmem:$0x1E800] =	vst v63  }
0xb4: {  	s2 =	sadd.s32 s8, s2;
	_ =	swait.ge [sflag:s19], $0x540  }
0xb5: {  	s2 =	sshrl.u32 s2, $0x3;
	[sflag:s19] =	ssyncset.done $0x0  }
0xb6: {  	s2 =	sadd.s32 s6, s2;
	[sflag:s19] =	ssyncadd.s32 $0xFFFFFAC0  }
0xb7: {  	[tilespmem:s22], [sflag:$0x2] =	stream.linear.gather [hbm4b:s2+s13], $0x540, $0x38;
	[tilespmem:$0x1E800] =	vst v63  }
0xb8: {  	_ =	swait.ge [sflag:s19], $0x540  }
0xb9: {  	[sflag:s19] =	ssyncset.done $0x0  }
0xba: {  	s22 =	simm.s32 $0x0;
	[sflag:s19] =	ssyncadd.s32 $0xFFFFFAC0  }
0xbb: {  	v12 =	vld [tilespmem:s22+$0x3500];
	_ =	sdelay $0x4  }
0xbc: {  	vm1 =	vge.s32 v12, v0;
	vm2 =	vlt.s32 v12, v1  }
0xbd: {  	vm1 =	vmand vm1, vm2  }
0xbe: {  	v11 =	vsel vm1, $0x1, v6  }
0xbf: {  	(xrf0) =	vadd.scan.msk.s32 $0xffff, v11;
	_ =	sdelay $0x3  }
0xc0: {  	v13 =	vmov s18  }
0xc1: {  	v13 =	vadd.s32 $0xFFFFFFFF, v13  }
0xc2: {  	v13 =	vbroadcast v13, $0x0;
	v11, _, _ =	vpop (xrf0)  }
0xc3: {  	(v2sf) =	vpush v11, $0xF  }
0xc4: {  	v11 =	vadd.s32 v11, v13  }
0xc5: {  	vm2 =	vgt.s32 v11, $0x0  }
0xc6: {  	v11 =	vnsel vm2, $0x0, v11  }
0xc7: {  	v13 =	vshll.u32 v11, $0x1  }
0xc8: {  	v14 =	vand.u32 $0x3F, v11;
	v13 =	vand.u32 $0xF80, v13  }
0xc9: {  	v15 =	vld [tilespmem:s22+$0x2F80];
	v13 =	vor.u32 v14, v13  }
0xca: {  	v11 =	vand.u32 $0x7FF, v11;
	_ =	sdelay $0x3  }
0xcb: {  	v12 =	vsub.s32 v12, v0;
	[tilespmem:v13+s24+$0x0] =	vst.idx.msk vm1, v15  }
0xcc: {  	[tilespmem:v11+s25+$0x0] =	vst.idx.msk vm1, v12  }
0xcd: {  	v12 =	vld [tilespmem:s22+$0x3A80];
	_ =	sdelay $0x1  }
0xce: {  	s14 =	smov.u32 s17;
	s23 =	spop (v2sf)  }
0xcf: {  	s20 =	simm.s32 $0x40;
	s13 =	simm.s32 $0x80;
	s17 =	sadd.s32 s18, s23  }
.LBB2_19:
0xd0: {  	p0 =	sne.s32 s13, $0x14C0  }
0xd1: {  	s2 =	sshra.s32 s20, $0x2;
	[tilespmem:v11+s26+$0x0] =	vst.idx.msk vm1, v12;
	s20 =	smov.u32 s13;
	s13 =	sadd.s32 $0x40, s13  }
0xd2: {  	v12 =	vld [tilespmem:s2+$0x3500];
	_ =	sdelay $0x4  }
0xd3: {  	vm1 =	vge.s32 v12, v0;
	vm2 =	vlt.s32 v12, v1  }
0xd4: {  	vm1 =	vmand vm1, vm2  }
0xd5: {  	v11 =	vsel vm1, $0x1, v6  }
0xd6: {  	(xrf0) =	vadd.scan.msk.s32 $0xffff, v11;
	_ =	sdelay $0x2  }
0xd7: {  	v11 =	vmov s17  }
0xd8: {  	v11 =	vadd.s32 $0xFFFFFFFF, v11  }
0xd9: {  	v11 =	vbroadcast v11, $0x0  }
0xda: {  	v13, _, _ =	vpop (xrf0)  }
0xdb: {  	v11 =	vadd.s32 v13, v11;
	(v2sf) =	vpush v13, $0xF  }
0xdc: {  	vm2 =	vgt.s32 v11, $0x0  }
0xdd: {  	v11 =	vnsel vm2, $0x0, v11  }
0xde: {  	v13 =	vshll.u32 v11, $0x1  }
0xdf: {  	v14 =	vand.u32 $0x3F, v11;
	v13 =	vand.u32 $0xF80, v13  }
0xe0: {  	v15 =	vld [tilespmem:s2+$0x2F80];
	v13 =	vor.u32 v14, v13  }
0xe1: {  	v11 =	vand.u32 $0x7FF, v11;
	_ =	sdelay $0x3  }
0xe2: {  	v12 =	vsub.s32 v12, v0;
	[tilespmem:v13+s24+$0x0] =	vst.idx.msk vm1, v15  }
0xe3: {  	[tilespmem:v11+s25+$0x0] =	vst.idx.msk vm1, v12  }
.Ltmp12:
0xe4: {  	v12 =	vld [tilespmem:s2+$0x3A80];
	(pc) =	sbr.rel @p0 .LBB2_19-.Ltmp12, $3  }
0xe5: {  	_ =	sdelay $0x1  }
0xe6: {  	s2 =	spop (v2sf)  }
0xe7: {  	s17 =	sadd.s32 s17, s2  }
0xe8: {  	_ =	sdelay $0x4  }
0xe9: {  	s2 =	sshra.s32 s20, $0x2;
	[tilespmem:v11+s26+$0x0] =	vst.idx.msk vm1, v12  }
0xea: {  	v11 =	vld [tilespmem:s2+$0x3500];
	_ =	sdelay $0x4  }
0xeb: {  	vm1 =	vge.s32 v11, v0;
	vm2 =	vlt.s32 v11, v1  }
0xec: {  	vm1 =	vmand vm1, vm2  }
0xed: {  	v61 =	vsel vm1, $0x1, v6  }
0xee: {  	(xrf0) =	vadd.scan.msk.s32 $0xffff, v61;
	_ =	sdelay $0x5  }
0xef: {  	v13, _, _ =	vpop (xrf0)  }
0xf0: {  	(v2sf) =	vpush v13, $0xF;
	_ =	sdelay $0x1  }
0xf1: {  	v62 =	vmov s17  }
0xf2: {  	v12 =	vadd.s32 $0xFFFFFFFF, v62  }
0xf3: {  	v12 =	vbroadcast v12, $0x0;
	_ =	sdelay $0x1  }
0xf4: {  	v12 =	vadd.s32 v13, v12  }
0xf5: {  	vm2 =	vgt.s32 v12, $0x0  }
0xf6: {  	v12 =	vnsel vm2, $0x0, v12  }
0xf7: {  	v63 =	vshll.u32 v12, $0x1  }
0xf8: {  	v14 =	vand.u32 $0x3F, v12;
	v13 =	vand.u32 $0xF80, v63  }
0xf9: {  	v15 =	vld [tilespmem:s2+$0x2F80];
	v13 =	vor.u32 v14, v13  }
0xfa: {  	v12 =	vand.u32 $0x7FF, v12;
	_ =	sdelay $0x2  }
0xfb: {  	s23 =	spop (v2sf)  }
0xfc: {  	v11 =	vsub.s32 v11, v0;
	[tilespmem:v13+s24+$0x0] =	vst.idx.msk vm1, v15;
	s18 =	sadd.s32 s17, s23  }
0xfd: {  	[tilespmem:v12+s25+$0x0] =	vst.idx.msk vm1, v11;
	s17 =	sshrl.u32 s18, $0x6  }
0xfe: {  	v11 =	vld [tilespmem:s2+$0x3A80];
	p0 =	sge.u32 s14, s17  }
.Ltmp13:
0xff: {  	_ = 	snop;
	(pc) =	sbr.rel @p0 .LBB2_26-.Ltmp13, $2  }
0x100: {  	_ =	sdelay $0x2  }
0x101: {  	[tilespmem:v12+s26+$0x0] =	vst.idx.msk vm1, v11  }
.LBB2_21:
0x102: {  	s2 =	sand.u32 $0x1F, s14  }
0x103: {  	s4 =	sshll.u32 s2, $0x7  }
0x104: {  	v11 =	vld [tilespmem:s4+$0x18800];
	_ =	sdelay $0x4  }
0x105: {  	v12 =	vshll.u32 v11, $0x1  }
0x106: {  	v11 =	vand.u32 $0x7, v11;
	v12 =	vand.u32 $0xFFFFFFF0, v12  }
0x107: {  	v11 =	vor.u32 v11, v12  }
0x108: {  	v12 =	vperm.xlane v11, v7;
	_ =	sdelay $0x1  }
0x109: {  	v11 =	vperm.xlane v11, v9;
	v12 =	vadd.s32 v8, v12;
	_ =	sdelay $0x1  }
0x10a: {  	v11 =	vadd.s32 v8, v11;
	_ =	sdelay $0x1  }
0x10b: {  	s20 =	simm.s32 $0x0  }
0x10c: {  	[tilespmem:s28], [sflag:$0x1] =	stream.indirect_vreg.gather [hbm4b:s15+s20], $0x80, v12, vm0, $0xb8;
	[tilespmem:$0x1E800] =	vst v63  }
0x10d: {  	_ = 	snop  }
0x10e: {  	[tilespmem:s29], [sflag:$0x1] =	stream.indirect_vreg.gather [hbm4b:s15+s20], $0x80, v11, vm0, $0xb8;
	[tilespmem:$0x1E800] =	vst v63  }
0x10f: {  	v11 =	vld [tilespmem:s4+$0x18810];
	_ =	sdelay $0x4  }
0x110: {  	v61 =	vshll.u32 v11, $0x1  }
0x111: {  	v11 =	vand.u32 $0x7, v11;
	v12 =	vand.u32 $0xFFFFFFF0, v61  }
0x112: {  	v11 =	vor.u32 v11, v12  }
0x113: {  	v12 =	vperm.xlane v11, v7;
	_ =	sdelay $0x1  }
0x114: {  	v11 =	vperm.xlane v11, v9;
	v12 =	vadd.s32 v8, v12;
	_ =	sdelay $0x1  }
0x115: {  	v11 =	vadd.s32 v8, v11;
	_ =	sdelay $0x2  }
0x116: {  	[tilespmem:s30], [sflag:$0x1] =	stream.indirect_vreg.gather [hbm4b:s15+s20], $0x80, v12, vm0, $0xb8;
	[tilespmem:$0x1E800] =	vst v63  }
0x117: {  	_ = 	snop  }
0x118: {  	[tilespmem:s31], [sflag:$0x1] =	stream.indirect_vreg.gather [hbm4b:s15+s20], $0x80, v11, vm0, $0xb8;
	[tilespmem:$0x1E800] =	vst v63  }
0x119: {  	v11 =	vld [tilespmem:s4+$0x18820];
	_ =	sdelay $0x4  }
0x11a: {  	v62 =	vshll.u32 v11, $0x1  }
0x11b: {  	v11 =	vand.u32 $0x7, v11;
	v12 =	vand.u32 $0xFFFFFFF0, v62  }
0x11c: {  	v11 =	vor.u32 v11, v12  }
0x11d: {  	v12 =	vperm.xlane v11, v7;
	_ =	sdelay $0x1  }
0x11e: {  	v11 =	vperm.xlane v11, v9;
	v12 =	vadd.s32 v8, v12;
	_ =	sdelay $0x1  }
0x11f: {  	v11 =	vadd.s32 v8, v11;
	_ =	sdelay $0x2  }
0x120: {  	[tilespmem:s0], [sflag:$0x1] =	stream.indirect_vreg.gather [hbm4b:s15+s20], $0x80, v12, vm0, $0xb8;
	[tilespmem:$0x1E800] =	vst v63  }
0x121: {  	_ = 	snop  }
0x122: {  	[tilespmem:s5], [sflag:$0x1] =	stream.indirect_vreg.gather [hbm4b:s15+s20], $0x80, v11, vm0, $0xb8;
	[tilespmem:$0x1E800] =	vst v63  }
0x123: {  	v11 =	vld [tilespmem:s4+$0x18830];
	_ =	sdelay $0x4  }
0x124: {  	v63 =	vshll.u32 v11, $0x1  }
0x125: {  	v11 =	vand.u32 $0x7, v11;
	v12 =	vand.u32 $0xFFFFFFF0, v63  }
0x126: {  	v11 =	vor.u32 v11, v12  }
0x127: {  	v12 =	vperm.xlane v11, v7;
	_ =	sdelay $0x1  }
0x128: {  	v11 =	vperm.xlane v11, v9;
	v12 =	vadd.s32 v8, v12;
	_ =	sdelay $0x1  }
0x129: {  	v11 =	vadd.s32 v8, v11;
	_ =	sdelay $0x2  }
0x12a: {  	[tilespmem:s9], [sflag:$0x1] =	stream.indirect_vreg.gather [hbm4b:s15+s20], $0x80, v12, vm0, $0xb8;
	[tilespmem:$0x1E800] =	vst v63  }
0x12b: {  	_ = 	snop  }
0x12c: {  	[tilespmem:s10], [sflag:$0x1] =	stream.indirect_vreg.gather [hbm4b:s15+s20], $0x80, v11, vm0, $0xb8;
	[tilespmem:$0x1E800] =	vst v63  }
0x12d: {  	_ =	swait.ge [sflag:s11], $0x4000  }
0x12e: {  	[sflag:s11] =	ssyncset.done $0x0  }
0x12f: {  	s13 =	sshll.u32 s2, $0x6;
	s4 =	simm.s32 $0x0;
	[sflag:s11] =	ssyncadd.s32 $0xFFFFC000  }
.LBB2_22:
0x130: {  	s2 =	sadd.s32 s13, s4  }
0x131: {  	v11 =	vmov s2;
	_ =	sdelay $0x3  }
0x132: {  	s22 =	sshll.u32 s4, $0x8;
	s7 =	sshll.u32 s4, $0x7  }
0x133: {  	s2 =	sand.u32 $0x3800, s22;
	s7 =	sand.u32 $0x380, s7;
	v12 =	vld.idx.msk [tilespmem:v11+s25+$0x0], $0xffff  }
0x134: {  	s2 =	sor.u32 s7, s2  }
0x135: {  	s23 =	sand.u32 $0x400, s20;
	s7 =	sadd.s32 $0x1A800, s2  }
0x136: {  	s21 =	sand.u32 $0x70, s20;
	s2 =	sadd.s32 s23, s7  }
0x137: {  	s2 =	sadd.s32 s21, s2;
	v11 =	vld.idx.msk [tilespmem:v11+s26+$0x0], $0xffff  }
0x138: {  	v14 =	vld [tilespmem:s2+$0x0];
	v12 =	vshll.u32 v12, $0x8  }
0x139: {  	v13 =	vadd.s32 s20, v12  }
0x13a: {  	v13 =	vadd.s32 v3, v13;
	_ =	sdelay $0x1  }
0x13b: {  	s22 =	simm.s32 $0x80  }
0x13c: {  	s23 =	simm.s32 $0x10;
	s21 =	sand.u32 $0x400, s22;
	s2 =	simm.s32 $0x20;
	v14 =	vmul.f32 v14, v11  }
.LBB2_23:
0x13d: {  	p0 =	sne.s32 s2, $0xF0;
	s3 =	sand.u32 $0x70, s23;
	s21 =	sadd.s32 s21, s7  }
0x13e: {  	s3 =	sadd.s32 s3, s21;
	[tilespmem:v13+s12+$0x0] =	vst.idx.add.f32.msk $0xffff, v14  }
0x13f: {  	v14 =	vld [tilespmem:s3+$0x0]  }
.Ltmp14:
0x140: {  	v13 =	vadd.s32 s23, v12;
	s23 =	smov.u32 s2;
	(pc) =	sbr.rel @p0 .LBB2_23-.Ltmp14, $3  }
0x141: {  	v13 =	vadd.s32 v3, v13;
	_ =	sdelay $0x1  }
0x142: {  	s22 =	sadd.s32 $0x80, s22  }
0x143: {  	s21 =	sand.u32 $0x400, s22;
	s2 =	sadd.s32 $0x10, s2;
	v14 =	vmul.f32 v14, v11  }
0x144: {  	_ =	sdelay $0x2  }
0x145: {  	s2 =	sand.u32 $0x70, s23;
	s3 =	sadd.s32 s21, s7  }
0x146: {  	s2 =	sadd.s32 s2, s3;
	[tilespmem:v13+s12+$0x0] =	vst.idx.add.f32.msk $0xffff, v14  }
0x147: {  	v13 =	vld [tilespmem:s2+$0x0]  }
0x148: {  	v12 =	vadd.s32 s23, v12;
	s4 =	sadd.s32 $0x1, s4  }
0x149: {  	v12 =	vadd.s32 v3, v12;
	p0 =	sne.s32 s4, $0x40  }
.Ltmp15:
0x14a: {  	_ = 	snop;
	(pc) =	sbr.rel @p0 .LBB2_22-.Ltmp15, $3  }
0x14b: {  	_ = 	snop  }
0x14c: {  	v11 =	vmul.f32 v13, v11;
	_ =	sdelay $0x1  }
0x14d: {  	[tilespmem:v12+s12+$0x0] =	vst.idx.add.f32.msk $0xffff, v11  }
0x14e: {  	s14 =	sadd.s32 $0x1, s14  }
0x14f: {  	p0 =	sne.s32 s14, s17  }
.Ltmp16:
0x150: {  	_ = 	snop;
	(pc) =	sbr.rel @p0 .LBB2_21-.Ltmp16, $4  }
.Ltmp17:
0x151: {  	_ = 	snop;
	(pc) =	sbr.rel @!p0 .LBB2_26-.Ltmp17, $4  }
0x152: {  	_ = 	snop  }
0x153: {  	_ = 	snop  }
0x154: {  	_ = 	snop  }
0x155: {  	_ = 	snop  }
.LBB2_27:
0x156: {  	v11 =	vadd.s32 s18, v3  }
0x157: {  	v12 =	vshll.u32 v11, $0x1  }
0x158: {  	s2 =	sadd.s32 $0x10, s18;
	v13 =	vand.u32 $0x3F, v11;
	v12 =	vand.u32 $0xF80, v12  }
0x159: {  	v57 =	vadd.s32 s2, v3;
	v12 =	vor.u32 v13, v12  }
0x15a: {  	v11 =	vand.u32 $0x7FF, v11;
	v14 =	vshll.u32 v57, $0x1  }
0x15b: {  	s20 =	sadd.s32 $0x20, s18;
	v15 =	vand.u32 $0x3F, v57;
	v14 =	vand.u32 $0xF80, v14  }
0x15c: {  	v58 =	vadd.s32 s20, v3;
	v14 =	vor.u32 v15, v14  }
0x15d: {  	v16 =	vshll.u32 v58, $0x1;
	v13 =	vand.u32 $0x7FF, v57  }
0x15e: {  	s21 =	sadd.s32 $0x30, s18;
	v59 =	vand.u32 $0x3F, v58;
	v16 =	vand.u32 $0xF80, v16;
	[tilespmem:v12+s24+$0x0] =	vst.idx.msk $0xffff, v6  }
0x15f: {  	v60 =	vadd.s32 s21, v3;
	v12 =	vor.u32 v59, v16;
	[tilespmem:v11+s25+$0x0] =	vst.idx.msk $0xffff, v10  }
0x160: {  	v61 =	vshll.u32 v60, $0x1;
	[tilespmem:v11+s26+$0x0] =	vst.idx.msk $0xffff, v5;
	v11 =	vand.u32 $0x7FF, v58  }
0x161: {  	v62 =	vand.u32 $0x3F, v60;
	v15 =	vand.u32 $0xF80, v61;
	[tilespmem:v14+s24+$0x0] =	vst.idx.msk $0xffff, v6  }
0x162: {  	s23 =	sadd.s32 $0x3F, s18;
	v14 =	vor.u32 v62, v15;
	[tilespmem:v13+s25+$0x0] =	vst.idx.msk $0xffff, v10  }
0x163: {  	s14 =	sshrl.u32 s23, $0x6;
	v63 =	vand.u32 $0x7FF, v60;
	[tilespmem:v13+s26+$0x0] =	vst.idx.msk $0xffff, v5  }
0x164: {  	p0 =	sge.u32 s17, s14;
	[tilespmem:v12+s24+$0x0] =	vst.idx.msk $0xffff, v6  }
.Ltmp18:
0x165: {  	[tilespmem:v11+s25+$0x0] =	vst.idx.msk $0xffff, v10;
	(pc) =	sbr.rel @p0 .LBB2_33-.Ltmp18, $4  }
0x166: {  	[tilespmem:v11+s26+$0x0] =	vst.idx.msk $0xffff, v5  }
0x167: {  	[tilespmem:v14+s24+$0x0] =	vst.idx.msk $0xffff, v6  }
0x168: {  	[tilespmem:v63+s25+$0x0] =	vst.idx.msk $0xffff, v10  }
0x169: {  	[tilespmem:v63+s26+$0x0] =	vst.idx.msk $0xffff, v5  }
.LBB2_28:
0x16a: {  	s2 =	sand.u32 $0x1F, s17  }
0x16b: {  	s3 =	sshll.u32 s2, $0x7  }
0x16c: {  	v11 =	vld [tilespmem:s3+$0x18800];
	_ =	sdelay $0x4  }
0x16d: {  	v12 =	vshll.u32 v11, $0x1  }
0x16e: {  	v11 =	vand.u32 $0x7, v11;
	v12 =	vand.u32 $0xFFFFFFF0, v12  }
0x16f: {  	v11 =	vor.u32 v11, v12  }
0x170: {  	v12 =	vperm.xlane v11, v7;
	_ =	sdelay $0x1  }
0x171: {  	v11 =	vperm.xlane v11, v9;
	v12 =	vadd.s32 v8, v12;
	_ =	sdelay $0x1  }
0x172: {  	v11 =	vadd.s32 v8, v11;
	_ =	sdelay $0x1  }
0x173: {  	s16 =	simm.s32 $0x0  }
0x174: {  	[tilespmem:s28], [sflag:$0x1] =	stream.indirect_vreg.gather [hbm4b:s15+s16], $0x80, v12, vm0, $0xb8;
	[tilespmem:$0x1E800] =	vst v63  }
0x175: {  	_ = 	snop  }
0x176: {  	[tilespmem:s29], [sflag:$0x1] =	stream.indirect_vreg.gather [hbm4b:s15+s16], $0x80, v11, vm0, $0xb8;
	[tilespmem:$0x1E800] =	vst v63  }
0x177: {  	v11 =	vld [tilespmem:s3+$0x18810];
	_ =	sdelay $0x4  }
0x178: {  	v61 =	vshll.u32 v11, $0x1  }
0x179: {  	v11 =	vand.u32 $0x7, v11;
	v12 =	vand.u32 $0xFFFFFFF0, v61  }
0x17a: {  	v11 =	vor.u32 v11, v12  }
0x17b: {  	v12 =	vperm.xlane v11, v7;
	_ =	sdelay $0x1  }
0x17c: {  	v11 =	vperm.xlane v11, v9;
	v12 =	vadd.s32 v8, v12;
	_ =	sdelay $0x1  }
0x17d: {  	v11 =	vadd.s32 v8, v11;
	_ =	sdelay $0x2  }
0x17e: {  	[tilespmem:s30], [sflag:$0x1] =	stream.indirect_vreg.gather [hbm4b:s15+s16], $0x80, v12, vm0, $0xb8;
	[tilespmem:$0x1E800] =	vst v63  }
0x17f: {  	_ = 	snop  }
0x180: {  	[tilespmem:s31], [sflag:$0x1] =	stream.indirect_vreg.gather [hbm4b:s15+s16], $0x80, v11, vm0, $0xb8;
	[tilespmem:$0x1E800] =	vst v63  }
0x181: {  	v11 =	vld [tilespmem:s3+$0x18820];
	_ =	sdelay $0x4  }
0x182: {  	v62 =	vshll.u32 v11, $0x1  }
0x183: {  	v11 =	vand.u32 $0x7, v11;
	v12 =	vand.u32 $0xFFFFFFF0, v62  }
0x184: {  	v11 =	vor.u32 v11, v12  }
0x185: {  	v12 =	vperm.xlane v11, v7;
	_ =	sdelay $0x1  }
0x186: {  	v11 =	vperm.xlane v11, v9;
	v12 =	vadd.s32 v8, v12;
	_ =	sdelay $0x1  }
0x187: {  	v11 =	vadd.s32 v8, v11;
	_ =	sdelay $0x2  }
0x188: {  	[tilespmem:s0], [sflag:$0x1] =	stream.indirect_vreg.gather [hbm4b:s15+s16], $0x80, v12, vm0, $0xb8;
	[tilespmem:$0x1E800] =	vst v63  }
0x189: {  	_ = 	snop  }
0x18a: {  	[tilespmem:s5], [sflag:$0x1] =	stream.indirect_vreg.gather [hbm4b:s15+s16], $0x80, v11, vm0, $0xb8;
	[tilespmem:$0x1E800] =	vst v63  }
0x18b: {  	v11 =	vld [tilespmem:s3+$0x18830];
	_ =	sdelay $0x4  }
0x18c: {  	v63 =	vshll.u32 v11, $0x1  }
0x18d: {  	v11 =	vand.u32 $0x7, v11;
	v12 =	vand.u32 $0xFFFFFFF0, v63  }
0x18e: {  	v11 =	vor.u32 v11, v12  }
0x18f: {  	v12 =	vperm.xlane v11, v7;
	_ =	sdelay $0x1  }
0x190: {  	v11 =	vperm.xlane v11, v9;
	v12 =	vadd.s32 v8, v12;
	_ =	sdelay $0x1  }
0x191: {  	v11 =	vadd.s32 v8, v11;
	_ =	sdelay $0x2  }
0x192: {  	[tilespmem:s9], [sflag:$0x1] =	stream.indirect_vreg.gather [hbm4b:s15+s16], $0x80, v12, vm0, $0xb8;
	[tilespmem:$0x1E800] =	vst v63  }
0x193: {  	_ = 	snop  }
0x194: {  	[tilespmem:s10], [sflag:$0x1] =	stream.indirect_vreg.gather [hbm4b:s15+s16], $0x80, v11, vm0, $0xb8;
	[tilespmem:$0x1E800] =	vst v63  }
0x195: {  	_ =	swait.ge [sflag:s11], $0x4000  }
0x196: {  	[sflag:s11] =	ssyncset.done $0x0  }
0x197: {  	s4 =	simm.s32 $0x0;
	s13 =	sshll.u32 s2, $0x6;
	[sflag:s11] =	ssyncadd.s32 $0xFFFFC000  }
.LBB2_29:
0x198: {  	s2 =	sadd.s32 s13, s4  }
0x199: {  	v11 =	vmov s2;
	_ =	sdelay $0x3  }
0x19a: {  	s20 =	sshll.u32 s4, $0x8;
	s3 =	sshll.u32 s4, $0x7  }
0x19b: {  	s2 =	sand.u32 $0x3800, s20;
	s3 =	sand.u32 $0x380, s3;
	v12 =	vld.idx.msk [tilespmem:v11+s25+$0x0], $0xffff  }
0x19c: {  	s2 =	sor.u32 s3, s2  }
0x19d: {  	s21 =	sand.u32 $0x400, s16;
	s7 =	sadd.s32 $0x1A800, s2  }
0x19e: {  	s23 =	sand.u32 $0x70, s16;
	s2 =	sadd.s32 s21, s7  }
0x19f: {  	s2 =	sadd.s32 s23, s2;
	v11 =	vld.idx.msk [tilespmem:v11+s26+$0x0], $0xffff  }
0x1a0: {  	v14 =	vld [tilespmem:s2+$0x0];
	v12 =	vshll.u32 v12, $0x8  }
0x1a1: {  	v13 =	vadd.s32 s16, v12  }
0x1a2: {  	v13 =	vadd.s32 v3, v13;
	_ =	sdelay $0x1  }
0x1a3: {  	s20 =	simm.s32 $0x80  }
0x1a4: {  	s18 =	simm.s32 $0x10;
	s21 =	sand.u32 $0x400, s20;
	s2 =	simm.s32 $0x20;
	v14 =	vmul.f32 v14, v11  }
.LBB2_30:
0x1a5: {  	p0 =	sne.s32 s2, $0xF0;
	s3 =	sand.u32 $0x70, s18;
	s21 =	sadd.s32 s21, s7  }
0x1a6: {  	s3 =	sadd.s32 s3, s21;
	[tilespmem:v13+s12+$0x0] =	vst.idx.add.f32.msk $0xffff, v14  }
0x1a7: {  	v14 =	vld [tilespmem:s3+$0x0]  }
.Ltmp19:
0x1a8: {  	v13 =	vadd.s32 s18, v12;
	s18 =	smov.u32 s2;
	(pc) =	sbr.rel @p0 .LBB2_30-.Ltmp19, $3  }
0x1a9: {  	v13 =	vadd.s32 v3, v13;
	_ =	sdelay $0x1  }
0x1aa: {  	s20 =	sadd.s32 $0x80, s20  }
0x1ab: {  	s21 =	sand.u32 $0x400, s20;
	s2 =	sadd.s32 $0x10, s2;
	v14 =	vmul.f32 v14, v11  }
0x1ac: {  	_ =	sdelay $0x2  }
0x1ad: {  	s2 =	sand.u32 $0x70, s18;
	s3 =	sadd.s32 s21, s7  }
0x1ae: {  	s2 =	sadd.s32 s2, s3;
	[tilespmem:v13+s12+$0x0] =	vst.idx.add.f32.msk $0xffff, v14  }
0x1af: {  	v13 =	vld [tilespmem:s2+$0x0]  }
0x1b0: {  	v12 =	vadd.s32 s18, v12;
	s4 =	sadd.s32 $0x1, s4  }
0x1b1: {  	v12 =	vadd.s32 v3, v12;
	p0 =	sne.s32 s4, $0x40  }
.Ltmp20:
0x1b2: {  	_ = 	snop;
	(pc) =	sbr.rel @p0 .LBB2_29-.Ltmp20, $3  }
0x1b3: {  	_ = 	snop  }
0x1b4: {  	v11 =	vmul.f32 v13, v11;
	_ =	sdelay $0x1  }
0x1b5: {  	[tilespmem:v12+s12+$0x0] =	vst.idx.add.f32.msk $0xffff, v11  }
0x1b6: {  	s17 =	sadd.s32 $0x1, s17  }
0x1b7: {  	p0 =	sne.s32 s17, s14  }
.Ltmp21:
0x1b8: {  	_ = 	snop;
	(pc) =	sbr.rel @p0 .LBB2_28-.Ltmp21, $1  }
0x1b9: {  	_ =	sdelay $0x3  }
.LBB2_33:
0x1ba: {  	s14 =	simm.s32 $0x0;
	s2 =	rddreg [dreg:$0xd]  }
0x1bb: {  	[hbm4b:s2+s14] =	stream.linear.scatter [tilespmem:s12], [sflag:$0x2], $0x14000, $0x38;
	[tilespmem:$0x1E800] =	vst v63  }
0x1bc: {  	_ =	swait.ge [sflag:s19], $0x14000  }
0x1bd: {  	[sflag:s19] =	ssyncset.done $0x0  }
0x1be: {  	s4 =	simm.s32 $0x0;
	s2 =	simm.s32 $0x40;
	[sflag:s19] =	ssyncadd.s32 $0xFFFEC000  }
.LBB2_34:
0x1bf: {  	p0 =	sne.s32 s2, $0x51FC0;
	[tilespmem:s4+$0x4000] =	vst v5;
	s3 =	smov.u32 s2;
	s2 =	sadd.s32 $0x40, s2  }
.Ltmp22:
0x1c0: {  	(pc) =	sbr.rel @p0 .LBB2_34-.Ltmp22, $2  }
0x1c1: {  	_ =	sdelay $0x2  }
0x1c2: {  	s4 =	sshra.s32 s3, $0x2  }
.Ltmp23:
0x1c3: {  	(pc) =	sbr.rel .LBB2_36-.Ltmp23, $2  }
0x1c4: {  	_ =	sdelay $0x2  }
0x1c5: {  	[tilespmem:s4+$0x4000] =	vst v5;
	s18 =	simm.s32 $0x0;
	s16 =	simm.s32 $0x0  }
.LBB2_44:
0x1c6: {  	s16 =	sadd.s32 $0x1, s16  }
0x1c7: {  	p0 =	sne.s32 s16, $0x80  }
.Ltmp24:
0x1c8: {  	_ = 	snop;
	(pc) =	sbr.rel @!p0 .LBB2_45-.Ltmp24, $2  }
0x1c9: {  	_ =	sdelay $0x2  }
0x1ca: {  	s22 =	simm.s32 $0x3A80  }
.LBB2_36:
0x1cb: {  	s2 =	smul.u32 $0x540, s16;
	_ =	sdelay $0x1  }
0x1cc: {  	s4 =	rddreg [dreg:$0x3];
	s3 =	sshrl.u32 s2, $0x3  }
0x1cd: {  	s7 =	simm.s32 $0x0;
	s13 =	simm.s32 $0x2F80;
	s4 =	sadd.s32 s4, s3  }
0x1ce: {  	[tilespmem:s13], [sflag:$0x2] =	stream.linear.gather [hbm4b:s4+s7], $0x540, $0x38;
	[tilespmem:$0x1E800] =	vst v63  }
0x1cf: {  	_ =	swait.ge [sflag:s19], $0x540  }
0x1d0: {  	[sflag:s19] =	ssyncset.done $0x0;
	s20 =	rddreg [dreg:$0x4]  }
0x1d1: {  	s21 =	simm.s32 $0x3500;
	[sflag:s19] =	ssyncadd.s32 $0xFFFFFAC0;
	s3 =	sadd.s32 s20, s3  }
0x1d2: {  	[tilespmem:s21], [sflag:$0x2] =	stream.linear.gather [hbm4b:s3+s7], $0x540, $0x38;
	[tilespmem:$0x1E800] =	vst v63  }
0x1d3: {  	s2 =	sadd.s32 s8, s2;
	_ =	swait.ge [sflag:s19], $0x540  }
0x1d4: {  	s2 =	sshrl.u32 s2, $0x3;
	[sflag:s19] =	ssyncset.done $0x0  }
0x1d5: {  	s2 =	sadd.s32 s6, s2;
	[sflag:s19] =	ssyncadd.s32 $0xFFFFFAC0  }
0x1d6: {  	[tilespmem:s22], [sflag:$0x2] =	stream.linear.gather [hbm4b:s2+s7], $0x540, $0x38;
	[tilespmem:$0x1E800] =	vst v63  }
0x1d7: {  	_ =	swait.ge [sflag:s19], $0x540  }
0x1d8: {  	[sflag:s19] =	ssyncset.done $0x0  }
0x1d9: {  	s22 =	simm.s32 $0x0;
	[sflag:s19] =	ssyncadd.s32 $0xFFFFFAC0  }
0x1da: {  	v12 =	vld [tilespmem:s22+$0x3500];
	_ =	sdelay $0x4  }
0x1db: {  	vm1 =	vge.s32 v12, v2;
	vm2 =	vlt.s32 v12, v4  }
0x1dc: {  	vm1 =	vmand vm1, vm2  }
0x1dd: {  	v11 =	vsel vm1, $0x1, v6  }
0x1de: {  	(xrf0) =	vadd.scan.msk.s32 $0xffff, v11;
	_ =	sdelay $0x3  }
0x1df: {  	v13 =	vmov s18  }
0x1e0: {  	v13 =	vadd.s32 $0xFFFFFFFF, v13  }
0x1e1: {  	v13 =	vbroadcast v13, $0x0;
	v11, _, _ =	vpop (xrf0)  }
0x1e2: {  	(v2sf) =	vpush v11, $0xF  }
0x1e3: {  	v11 =	vadd.s32 v11, v13  }
0x1e4: {  	vm2 =	vgt.s32 v11, $0x0  }
0x1e5: {  	v11 =	vnsel vm2, $0x0, v11  }
0x1e6: {  	v13 =	vshll.u32 v11, $0x1  }
0x1e7: {  	v14 =	vand.u32 $0x3F, v11;
	v13 =	vand.u32 $0xF80, v13  }
0x1e8: {  	v15 =	vld [tilespmem:s22+$0x2F80];
	v13 =	vor.u32 v14, v13  }
0x1e9: {  	v11 =	vand.u32 $0x7FF, v11;
	_ =	sdelay $0x3  }
0x1ea: {  	v12 =	vsub.s32 v12, v2;
	[tilespmem:v13+s24+$0x0] =	vst.idx.msk vm1, v15  }
0x1eb: {  	[tilespmem:v11+s25+$0x0] =	vst.idx.msk vm1, v12  }
0x1ec: {  	v12 =	vld [tilespmem:s22+$0x3A80];
	_ =	sdelay $0x1  }
0x1ed: {  	s17 =	smov.u32 s14;
	s23 =	spop (v2sf)  }
0x1ee: {  	s13 =	simm.s32 $0x80;
	s20 =	simm.s32 $0x40;
	s14 =	sadd.s32 s18, s23  }
.LBB2_37:
0x1ef: {  	p0 =	sne.s32 s13, $0x14C0  }
0x1f0: {  	s2 =	sshra.s32 s20, $0x2;
	[tilespmem:v11+s26+$0x0] =	vst.idx.msk vm1, v12;
	s20 =	smov.u32 s13;
	s13 =	sadd.s32 $0x40, s13  }
0x1f1: {  	v12 =	vld [tilespmem:s2+$0x3500];
	_ =	sdelay $0x4  }
0x1f2: {  	vm1 =	vge.s32 v12, v2;
	vm2 =	vlt.s32 v12, v4  }
0x1f3: {  	vm1 =	vmand vm1, vm2  }
0x1f4: {  	v11 =	vsel vm1, $0x1, v6  }
0x1f5: {  	(xrf0) =	vadd.scan.msk.s32 $0xffff, v11;
	_ =	sdelay $0x2  }
0x1f6: {  	v11 =	vmov s14  }
0x1f7: {  	v11 =	vadd.s32 $0xFFFFFFFF, v11  }
0x1f8: {  	v11 =	vbroadcast v11, $0x0  }
0x1f9: {  	v13, _, _ =	vpop (xrf0)  }
0x1fa: {  	v11 =	vadd.s32 v13, v11;
	(v2sf) =	vpush v13, $0xF  }
0x1fb: {  	vm2 =	vgt.s32 v11, $0x0  }
0x1fc: {  	v11 =	vnsel vm2, $0x0, v11  }
0x1fd: {  	v13 =	vshll.u32 v11, $0x1  }
0x1fe: {  	v14 =	vand.u32 $0x3F, v11;
	v13 =	vand.u32 $0xF80, v13  }
0x1ff: {  	v15 =	vld [tilespmem:s2+$0x2F80];
	v13 =	vor.u32 v14, v13  }
0x200: {  	v11 =	vand.u32 $0x7FF, v11;
	_ =	sdelay $0x3  }
0x201: {  	v12 =	vsub.s32 v12, v2;
	[tilespmem:v13+s24+$0x0] =	vst.idx.msk vm1, v15  }
0x202: {  	[tilespmem:v11+s25+$0x0] =	vst.idx.msk vm1, v12  }
.Ltmp25:
0x203: {  	v12 =	vld [tilespmem:s2+$0x3A80];
	(pc) =	sbr.rel @p0 .LBB2_37-.Ltmp25, $3  }
0x204: {  	_ =	sdelay $0x1  }
0x205: {  	s2 =	spop (v2sf)  }
0x206: {  	s14 =	sadd.s32 s14, s2  }
0x207: {  	_ =	sdelay $0x4  }
0x208: {  	s2 =	sshra.s32 s20, $0x2;
	[tilespmem:v11+s26+$0x0] =	vst.idx.msk vm1, v12  }
0x209: {  	v11 =	vld [tilespmem:s2+$0x3500];
	_ =	sdelay $0x4  }
0x20a: {  	vm1 =	vge.s32 v11, v2;
	vm2 =	vlt.s32 v11, v4  }
0x20b: {  	vm1 =	vmand vm1, vm2  }
0x20c: {  	v61 =	vsel vm1, $0x1, v6  }
0x20d: {  	(xrf0) =	vadd.scan.msk.s32 $0xffff, v61;
	_ =	sdelay $0x5  }
0x20e: {  	v13, _, _ =	vpop (xrf0)  }
0x20f: {  	(v2sf) =	vpush v13, $0xF;
	_ =	sdelay $0x1  }
0x210: {  	v62 =	vmov s14  }
0x211: {  	v12 =	vadd.s32 $0xFFFFFFFF, v62  }
0x212: {  	v12 =	vbroadcast v12, $0x0;
	_ =	sdelay $0x1  }
0x213: {  	v12 =	vadd.s32 v13, v12  }
0x214: {  	vm2 =	vgt.s32 v12, $0x0  }
0x215: {  	v12 =	vnsel vm2, $0x0, v12  }
0x216: {  	v63 =	vshll.u32 v12, $0x1  }
0x217: {  	v14 =	vand.u32 $0x3F, v12;
	v13 =	vand.u32 $0xF80, v63  }
0x218: {  	v15 =	vld [tilespmem:s2+$0x2F80];
	v13 =	vor.u32 v14, v13  }
0x219: {  	v12 =	vand.u32 $0x7FF, v12;
	_ =	sdelay $0x2  }
0x21a: {  	s23 =	spop (v2sf)  }
0x21b: {  	v11 =	vsub.s32 v11, v2;
	[tilespmem:v13+s24+$0x0] =	vst.idx.msk vm1, v15;
	s18 =	sadd.s32 s14, s23  }
0x21c: {  	[tilespmem:v12+s25+$0x0] =	vst.idx.msk vm1, v11;
	s14 =	sshrl.u32 s18, $0x6  }
0x21d: {  	v11 =	vld [tilespmem:s2+$0x3A80];
	p0 =	sge.u32 s17, s14  }
.Ltmp26:
0x21e: {  	_ = 	snop;
	(pc) =	sbr.rel @p0 .LBB2_44-.Ltmp26, $2  }
0x21f: {  	_ =	sdelay $0x2  }
0x220: {  	[tilespmem:v12+s26+$0x0] =	vst.idx.msk vm1, v11  }
.LBB2_39:
0x221: {  	s2 =	sand.u32 $0x1F, s17  }
0x222: {  	s3 =	sshll.u32 s2, $0x7  }
0x223: {  	v11 =	vld [tilespmem:s3+$0x18800];
	_ =	sdelay $0x4  }
0x224: {  	v12 =	vshll.u32 v11, $0x1  }
0x225: {  	v11 =	vand.u32 $0x7, v11;
	v12 =	vand.u32 $0xFFFFFFF0, v12  }
0x226: {  	v11 =	vor.u32 v11, v12  }
0x227: {  	v12 =	vperm.xlane v11, v7;
	_ =	sdelay $0x1  }
0x228: {  	v11 =	vperm.xlane v11, v9;
	v12 =	vadd.s32 v8, v12;
	_ =	sdelay $0x1  }
0x229: {  	v11 =	vadd.s32 v8, v11;
	_ =	sdelay $0x1  }
0x22a: {  	s20 =	simm.s32 $0x0  }
0x22b: {  	[tilespmem:s28], [sflag:$0x1] =	stream.indirect_vreg.gather [hbm4b:s15+s20], $0x80, v12, vm0, $0xb8;
	[tilespmem:$0x1E800] =	vst v63  }
0x22c: {  	_ = 	snop  }
0x22d: {  	[tilespmem:s29], [sflag:$0x1] =	stream.indirect_vreg.gather [hbm4b:s15+s20], $0x80, v11, vm0, $0xb8;
	[tilespmem:$0x1E800] =	vst v63  }
0x22e: {  	v11 =	vld [tilespmem:s3+$0x18810];
	_ =	sdelay $0x4  }
0x22f: {  	v61 =	vshll.u32 v11, $0x1  }
0x230: {  	v11 =	vand.u32 $0x7, v11;
	v12 =	vand.u32 $0xFFFFFFF0, v61  }
0x231: {  	v11 =	vor.u32 v11, v12  }
0x232: {  	v12 =	vperm.xlane v11, v7;
	_ =	sdelay $0x1  }
0x233: {  	v11 =	vperm.xlane v11, v9;
	v12 =	vadd.s32 v8, v12;
	_ =	sdelay $0x1  }
0x234: {  	v11 =	vadd.s32 v8, v11;
	_ =	sdelay $0x2  }
0x235: {  	[tilespmem:s30], [sflag:$0x1] =	stream.indirect_vreg.gather [hbm4b:s15+s20], $0x80, v12, vm0, $0xb8;
	[tilespmem:$0x1E800] =	vst v63  }
0x236: {  	_ = 	snop  }
0x237: {  	[tilespmem:s31], [sflag:$0x1] =	stream.indirect_vreg.gather [hbm4b:s15+s20], $0x80, v11, vm0, $0xb8;
	[tilespmem:$0x1E800] =	vst v63  }
0x238: {  	v11 =	vld [tilespmem:s3+$0x18820];
	_ =	sdelay $0x4  }
0x239: {  	v62 =	vshll.u32 v11, $0x1  }
0x23a: {  	v11 =	vand.u32 $0x7, v11;
	v12 =	vand.u32 $0xFFFFFFF0, v62  }
0x23b: {  	v11 =	vor.u32 v11, v12  }
0x23c: {  	v12 =	vperm.xlane v11, v7;
	_ =	sdelay $0x1  }
0x23d: {  	v11 =	vperm.xlane v11, v9;
	v12 =	vadd.s32 v8, v12;
	_ =	sdelay $0x1  }
0x23e: {  	v11 =	vadd.s32 v8, v11;
	_ =	sdelay $0x2  }
0x23f: {  	[tilespmem:s0], [sflag:$0x1] =	stream.indirect_vreg.gather [hbm4b:s15+s20], $0x80, v12, vm0, $0xb8;
	[tilespmem:$0x1E800] =	vst v63  }
0x240: {  	_ = 	snop  }
0x241: {  	[tilespmem:s5], [sflag:$0x1] =	stream.indirect_vreg.gather [hbm4b:s15+s20], $0x80, v11, vm0, $0xb8;
	[tilespmem:$0x1E800] =	vst v63  }
0x242: {  	v11 =	vld [tilespmem:s3+$0x18830];
	_ =	sdelay $0x4  }
0x243: {  	v63 =	vshll.u32 v11, $0x1  }
0x244: {  	v11 =	vand.u32 $0x7, v11;
	v12 =	vand.u32 $0xFFFFFFF0, v63  }
0x245: {  	v11 =	vor.u32 v11, v12  }
0x246: {  	v12 =	vperm.xlane v11, v7;
	_ =	sdelay $0x1  }
0x247: {  	v11 =	vperm.xlane v11, v9;
	v12 =	vadd.s32 v8, v12;
	_ =	sdelay $0x1  }
0x248: {  	v11 =	vadd.s32 v8, v11;
	_ =	sdelay $0x2  }
0x249: {  	[tilespmem:s9], [sflag:$0x1] =	stream.indirect_vreg.gather [hbm4b:s15+s20], $0x80, v12, vm0, $0xb8;
	[tilespmem:$0x1E800] =	vst v63  }
0x24a: {  	_ = 	snop  }
0x24b: {  	[tilespmem:s10], [sflag:$0x1] =	stream.indirect_vreg.gather [hbm4b:s15+s20], $0x80, v11, vm0, $0xb8;
	[tilespmem:$0x1E800] =	vst v63  }
0x24c: {  	_ =	swait.ge [sflag:s11], $0x4000  }
0x24d: {  	[sflag:s11] =	ssyncset.done $0x0  }
0x24e: {  	s4 =	simm.s32 $0x0;
	s13 =	sshll.u32 s2, $0x6;
	[sflag:s11] =	ssyncadd.s32 $0xFFFFC000  }
.LBB2_40:
0x24f: {  	s2 =	sadd.s32 s13, s4  }
0x250: {  	v11 =	vmov s2;
	_ =	sdelay $0x3  }
0x251: {  	s21 =	sshll.u32 s4, $0x8;
	s3 =	sshll.u32 s4, $0x7  }
0x252: {  	s2 =	sand.u32 $0x3800, s21;
	s3 =	sand.u32 $0x380, s3;
	v12 =	vld.idx.msk [tilespmem:v11+s25+$0x0], $0xffff  }
0x253: {  	s2 =	sor.u32 s3, s2  }
0x254: {  	s22 =	sand.u32 $0x400, s20;
	s7 =	sadd.s32 $0x1A800, s2  }
0x255: {  	s23 =	sand.u32 $0x70, s20;
	s2 =	sadd.s32 s22, s7  }
0x256: {  	s2 =	sadd.s32 s23, s2;
	v11 =	vld.idx.msk [tilespmem:v11+s26+$0x0], $0xffff  }
0x257: {  	v14 =	vld [tilespmem:s2+$0x0];
	v12 =	vshll.u32 v12, $0x8  }
0x258: {  	v13 =	vadd.s32 s20, v12  }
0x259: {  	v13 =	vadd.s32 v3, v13;
	_ =	sdelay $0x1  }
0x25a: {  	s22 =	simm.s32 $0x80  }
0x25b: {  	s23 =	simm.s32 $0x10;
	s21 =	sand.u32 $0x400, s22;
	s2 =	simm.s32 $0x20;
	v14 =	vmul.f32 v14, v11  }
.LBB2_41:
0x25c: {  	p0 =	sne.s32 s2, $0xF0;
	s3 =	sand.u32 $0x70, s23;
	s21 =	sadd.s32 s21, s7  }
0x25d: {  	s3 =	sadd.s32 s3, s21;
	[tilespmem:v13+s12+$0x0] =	vst.idx.add.f32.msk $0xffff, v14  }
0x25e: {  	v14 =	vld [tilespmem:s3+$0x0]  }
.Ltmp27:
0x25f: {  	v13 =	vadd.s32 s23, v12;
	s23 =	smov.u32 s2;
	(pc) =	sbr.rel @p0 .LBB2_41-.Ltmp27, $3  }
0x260: {  	v13 =	vadd.s32 v3, v13;
	_ =	sdelay $0x1  }
0x261: {  	s22 =	sadd.s32 $0x80, s22  }
0x262: {  	s21 =	sand.u32 $0x400, s22;
	s2 =	sadd.s32 $0x10, s2;
	v14 =	vmul.f32 v14, v11  }
0x263: {  	_ =	sdelay $0x2  }
0x264: {  	s2 =	sand.u32 $0x70, s23;
	s3 =	sadd.s32 s21, s7  }
0x265: {  	s2 =	sadd.s32 s2, s3;
	[tilespmem:v13+s12+$0x0] =	vst.idx.add.f32.msk $0xffff, v14  }
0x266: {  	v13 =	vld [tilespmem:s2+$0x0]  }
0x267: {  	v12 =	vadd.s32 s23, v12;
	s4 =	sadd.s32 $0x1, s4  }
0x268: {  	v12 =	vadd.s32 v3, v12;
	p0 =	sne.s32 s4, $0x40  }
.Ltmp28:
0x269: {  	_ = 	snop;
	(pc) =	sbr.rel @p0 .LBB2_40-.Ltmp28, $3  }
0x26a: {  	_ = 	snop  }
0x26b: {  	v11 =	vmul.f32 v13, v11;
	_ =	sdelay $0x1  }
0x26c: {  	[tilespmem:v12+s12+$0x0] =	vst.idx.add.f32.msk $0xffff, v11  }
0x26d: {  	s17 =	sadd.s32 $0x1, s17  }
0x26e: {  	p0 =	sne.s32 s17, s14  }
.Ltmp29:
0x26f: {  	_ = 	snop;
	(pc) =	sbr.rel @p0 .LBB2_39-.Ltmp29, $4  }
.Ltmp30:
0x270: {  	_ = 	snop;
	(pc) =	sbr.rel @!p0 .LBB2_44-.Ltmp30, $4  }
0x271: {  	_ = 	snop  }
0x272: {  	_ = 	snop  }
0x273: {  	_ = 	snop  }
0x274: {  	_ = 	snop  }
.LBB2_45:
0x275: {  	v11 =	vadd.s32 s18, v3  }
0x276: {  	v12 =	vshll.u32 v11, $0x1  }
0x277: {  	s2 =	sadd.s32 $0x10, s18;
	v13 =	vand.u32 $0x3F, v11;
	v12 =	vand.u32 $0xF80, v12  }
0x278: {  	v57 =	vadd.s32 s2, v3;
	v12 =	vor.u32 v13, v12  }
0x279: {  	v11 =	vand.u32 $0x7FF, v11;
	v14 =	vshll.u32 v57, $0x1  }
0x27a: {  	s20 =	sadd.s32 $0x20, s18;
	v15 =	vand.u32 $0x3F, v57;
	v14 =	vand.u32 $0xF80, v14  }
0x27b: {  	v58 =	vadd.s32 s20, v3;
	v14 =	vor.u32 v15, v14  }
0x27c: {  	v16 =	vshll.u32 v58, $0x1;
	v13 =	vand.u32 $0x7FF, v57  }
0x27d: {  	s21 =	sadd.s32 $0x30, s18;
	v59 =	vand.u32 $0x3F, v58;
	v16 =	vand.u32 $0xF80, v16;
	[tilespmem:v12+s24+$0x0] =	vst.idx.msk $0xffff, v6  }
0x27e: {  	v60 =	vadd.s32 s21, v3;
	v12 =	vor.u32 v59, v16;
	[tilespmem:v11+s25+$0x0] =	vst.idx.msk $0xffff, v10  }
0x27f: {  	v61 =	vshll.u32 v60, $0x1;
	[tilespmem:v11+s26+$0x0] =	vst.idx.msk $0xffff, v5;
	v11 =	vand.u32 $0x7FF, v58  }
0x280: {  	v62 =	vand.u32 $0x3F, v60;
	v15 =	vand.u32 $0xF80, v61;
	[tilespmem:v14+s24+$0x0] =	vst.idx.msk $0xffff, v6  }
0x281: {  	s23 =	sadd.s32 $0x3F, s18;
	v14 =	vor.u32 v62, v15;
	[tilespmem:v13+s25+$0x0] =	vst.idx.msk $0xffff, v10  }
0x282: {  	s16 =	sshrl.u32 s23, $0x6;
	v63 =	vand.u32 $0x7FF, v60;
	[tilespmem:v13+s26+$0x0] =	vst.idx.msk $0xffff, v5  }
0x283: {  	p0 =	sge.u32 s14, s16;
	[tilespmem:v12+s24+$0x0] =	vst.idx.msk $0xffff, v6  }
.Ltmp31:
0x284: {  	[tilespmem:v11+s25+$0x0] =	vst.idx.msk $0xffff, v10;
	(pc) =	sbr.rel @p0 .LBB2_51-.Ltmp31, $4  }
0x285: {  	[tilespmem:v11+s26+$0x0] =	vst.idx.msk $0xffff, v5  }
0x286: {  	[tilespmem:v14+s24+$0x0] =	vst.idx.msk $0xffff, v6  }
0x287: {  	[tilespmem:v63+s25+$0x0] =	vst.idx.msk $0xffff, v10  }
0x288: {  	[tilespmem:v63+s26+$0x0] =	vst.idx.msk $0xffff, v5  }
.LBB2_46:
0x289: {  	s2 =	sand.u32 $0x1F, s14  }
0x28a: {  	s3 =	sshll.u32 s2, $0x7  }
0x28b: {  	v11 =	vld [tilespmem:s3+$0x18800];
	_ =	sdelay $0x4  }
0x28c: {  	v12 =	vshll.u32 v11, $0x1  }
0x28d: {  	v11 =	vand.u32 $0x7, v11;
	v12 =	vand.u32 $0xFFFFFFF0, v12  }
0x28e: {  	v11 =	vor.u32 v11, v12  }
0x28f: {  	v12 =	vperm.xlane v11, v7;
	_ =	sdelay $0x1  }
0x290: {  	v11 =	vperm.xlane v11, v9;
	v12 =	vadd.s32 v8, v12;
	_ =	sdelay $0x1  }
0x291: {  	v11 =	vadd.s32 v8, v11;
	_ =	sdelay $0x1  }
0x292: {  	s17 =	simm.s32 $0x0  }
0x293: {  	[tilespmem:s28], [sflag:$0x1] =	stream.indirect_vreg.gather [hbm4b:s15+s17], $0x80, v12, vm0, $0xb8;
	[tilespmem:$0x1E800] =	vst v63  }
0x294: {  	_ = 	snop  }
0x295: {  	[tilespmem:s29], [sflag:$0x1] =	stream.indirect_vreg.gather [hbm4b:s15+s17], $0x80, v11, vm0, $0xb8;
	[tilespmem:$0x1E800] =	vst v63  }
0x296: {  	v11 =	vld [tilespmem:s3+$0x18810];
	_ =	sdelay $0x4  }
0x297: {  	v61 =	vshll.u32 v11, $0x1  }
0x298: {  	v11 =	vand.u32 $0x7, v11;
	v12 =	vand.u32 $0xFFFFFFF0, v61  }
0x299: {  	v11 =	vor.u32 v11, v12  }
0x29a: {  	v12 =	vperm.xlane v11, v7;
	_ =	sdelay $0x1  }
0x29b: {  	v11 =	vperm.xlane v11, v9;
	v12 =	vadd.s32 v8, v12;
	_ =	sdelay $0x1  }
0x29c: {  	v11 =	vadd.s32 v8, v11;
	_ =	sdelay $0x2  }
0x29d: {  	[tilespmem:s30], [sflag:$0x1] =	stream.indirect_vreg.gather [hbm4b:s15+s17], $0x80, v12, vm0, $0xb8;
	[tilespmem:$0x1E800] =	vst v63  }
0x29e: {  	_ = 	snop  }
0x29f: {  	[tilespmem:s31], [sflag:$0x1] =	stream.indirect_vreg.gather [hbm4b:s15+s17], $0x80, v11, vm0, $0xb8;
	[tilespmem:$0x1E800] =	vst v63  }
0x2a0: {  	v11 =	vld [tilespmem:s3+$0x18820];
	_ =	sdelay $0x4  }
0x2a1: {  	v62 =	vshll.u32 v11, $0x1  }
0x2a2: {  	v11 =	vand.u32 $0x7, v11;
	v12 =	vand.u32 $0xFFFFFFF0, v62  }
0x2a3: {  	v11 =	vor.u32 v11, v12  }
0x2a4: {  	v12 =	vperm.xlane v11, v7;
	_ =	sdelay $0x1  }
0x2a5: {  	v11 =	vperm.xlane v11, v9;
	v12 =	vadd.s32 v8, v12;
	_ =	sdelay $0x1  }
0x2a6: {  	v11 =	vadd.s32 v8, v11;
	_ =	sdelay $0x2  }
0x2a7: {  	[tilespmem:s0], [sflag:$0x1] =	stream.indirect_vreg.gather [hbm4b:s15+s17], $0x80, v12, vm0, $0xb8;
	[tilespmem:$0x1E800] =	vst v63  }
0x2a8: {  	_ = 	snop  }
0x2a9: {  	[tilespmem:s5], [sflag:$0x1] =	stream.indirect_vreg.gather [hbm4b:s15+s17], $0x80, v11, vm0, $0xb8;
	[tilespmem:$0x1E800] =	vst v63  }
0x2aa: {  	v11 =	vld [tilespmem:s3+$0x18830];
	_ =	sdelay $0x4  }
0x2ab: {  	v63 =	vshll.u32 v11, $0x1  }
0x2ac: {  	v11 =	vand.u32 $0x7, v11;
	v12 =	vand.u32 $0xFFFFFFF0, v63  }
0x2ad: {  	v11 =	vor.u32 v11, v12  }
0x2ae: {  	v12 =	vperm.xlane v11, v7;
	_ =	sdelay $0x1  }
0x2af: {  	v11 =	vperm.xlane v11, v9;
	v12 =	vadd.s32 v8, v12;
	_ =	sdelay $0x1  }
0x2b0: {  	v11 =	vadd.s32 v8, v11;
	_ =	sdelay $0x2  }
0x2b1: {  	[tilespmem:s9], [sflag:$0x1] =	stream.indirect_vreg.gather [hbm4b:s15+s17], $0x80, v12, vm0, $0xb8;
	[tilespmem:$0x1E800] =	vst v63  }
0x2b2: {  	_ = 	snop  }
0x2b3: {  	[tilespmem:s10], [sflag:$0x1] =	stream.indirect_vreg.gather [hbm4b:s15+s17], $0x80, v11, vm0, $0xb8;
	[tilespmem:$0x1E800] =	vst v63  }
0x2b4: {  	_ =	swait.ge [sflag:s11], $0x4000  }
0x2b5: {  	[sflag:s11] =	ssyncset.done $0x0  }
0x2b6: {  	s4 =	simm.s32 $0x0;
	s13 =	sshll.u32 s2, $0x6;
	[sflag:s11] =	ssyncadd.s32 $0xFFFFC000  }
.LBB2_47:
0x2b7: {  	s2 =	sadd.s32 s13, s4  }
0x2b8: {  	v11 =	vmov s2;
	_ =	sdelay $0x3  }
0x2b9: {  	s20 =	sshll.u32 s4, $0x8;
	s3 =	sshll.u32 s4, $0x7  }
0x2ba: {  	s2 =	sand.u32 $0x3800, s20;
	s3 =	sand.u32 $0x380, s3;
	v12 =	vld.idx.msk [tilespmem:v11+s25+$0x0], $0xffff  }
0x2bb: {  	s2 =	sor.u32 s3, s2  }
0x2bc: {  	s21 =	sand.u32 $0x400, s17;
	s7 =	sadd.s32 $0x1A800, s2  }
0x2bd: {  	s23 =	sand.u32 $0x70, s17;
	s2 =	sadd.s32 s21, s7  }
0x2be: {  	s2 =	sadd.s32 s23, s2;
	v11 =	vld.idx.msk [tilespmem:v11+s26+$0x0], $0xffff  }
0x2bf: {  	v14 =	vld [tilespmem:s2+$0x0];
	v12 =	vshll.u32 v12, $0x8  }
0x2c0: {  	v13 =	vadd.s32 s17, v12  }
0x2c1: {  	v13 =	vadd.s32 v3, v13;
	_ =	sdelay $0x1  }
0x2c2: {  	s20 =	simm.s32 $0x80  }
0x2c3: {  	s18 =	simm.s32 $0x10;
	s21 =	sand.u32 $0x400, s20;
	s2 =	simm.s32 $0x20;
	v14 =	vmul.f32 v14, v11  }
.LBB2_48:
0x2c4: {  	p0 =	sne.s32 s2, $0xF0;
	s3 =	sand.u32 $0x70, s18;
	s21 =	sadd.s32 s21, s7  }
0x2c5: {  	s3 =	sadd.s32 s3, s21;
	[tilespmem:v13+s12+$0x0] =	vst.idx.add.f32.msk $0xffff, v14  }
0x2c6: {  	v14 =	vld [tilespmem:s3+$0x0]  }
.Ltmp32:
0x2c7: {  	v13 =	vadd.s32 s18, v12;
	s18 =	smov.u32 s2;
	(pc) =	sbr.rel @p0 .LBB2_48-.Ltmp32, $3  }
0x2c8: {  	v13 =	vadd.s32 v3, v13;
	_ =	sdelay $0x1  }
0x2c9: {  	s20 =	sadd.s32 $0x80, s20  }
0x2ca: {  	s21 =	sand.u32 $0x400, s20;
	s2 =	sadd.s32 $0x10, s2;
	v14 =	vmul.f32 v14, v11  }
0x2cb: {  	_ =	sdelay $0x2  }
0x2cc: {  	s2 =	sand.u32 $0x70, s18;
	s3 =	sadd.s32 s21, s7  }
0x2cd: {  	s2 =	sadd.s32 s2, s3;
	[tilespmem:v13+s12+$0x0] =	vst.idx.add.f32.msk $0xffff, v14  }
0x2ce: {  	v13 =	vld [tilespmem:s2+$0x0]  }
0x2cf: {  	v12 =	vadd.s32 s18, v12;
	s4 =	sadd.s32 $0x1, s4  }
0x2d0: {  	v12 =	vadd.s32 v3, v12;
	p0 =	sne.s32 s4, $0x40  }
.Ltmp33:
0x2d1: {  	_ = 	snop;
	(pc) =	sbr.rel @p0 .LBB2_47-.Ltmp33, $3  }
0x2d2: {  	_ = 	snop  }
0x2d3: {  	v11 =	vmul.f32 v13, v11;
	_ =	sdelay $0x1  }
0x2d4: {  	[tilespmem:v12+s12+$0x0] =	vst.idx.add.f32.msk $0xffff, v11  }
0x2d5: {  	s14 =	sadd.s32 $0x1, s14  }
0x2d6: {  	p0 =	sne.s32 s14, s16  }
.Ltmp34:
0x2d7: {  	_ = 	snop;
	(pc) =	sbr.rel @p0 .LBB2_46-.Ltmp34, $4  }
.Ltmp35:
0x2d8: {  	_ = 	snop;
	(pc) =	sbr.rel @!p0 .LBB2_51-.Ltmp35, $4  }
0x2d9: {  	_ = 	snop  }
0x2da: {  	_ = 	snop  }
0x2db: {  	_ = 	snop  }
0x2dc: {  	_ = 	snop  }
.LBB2_52:
0x2dd: {  	_ =	sfence.sel $0x180000  }
0x2de: {  	[bflag:$0x0] =	sbarrier.arrive $0xFFFF  }
0x2df: {  	_ =	strace $0x9000004A  }
0x2e0: {  	s0 =	stileid.u32;
	[bflag:$0x2] =	sbarrier.arrive $0xFFFF  }
0x2e1: {  	p0 =	sne.s32 s0, $0x0;
	s0 =	rddreg [dreg:$0x2]  }
0x2e2: {  	s0 =	sadd.s32 @!p0 $0x100000, s0  }
0x2e3: {  	[sflag:s0] =	ssyncadd.tile.s32 @!p0 $0x1;
	_ =	shalt  }
.Lfunc_end2:
_tile_overlayer_lowered:
.L_overlay_start_2:
0x2e4: {  	(tag) =	ssettag $0x2  }
0x2e5: {  	s0 =	rddreg [dreg:$0x0];
	s2 =	stileid.u32  }
0x2e6: {  	s1 =	rddreg [dreg:$0x1];
	p0 =	sne.s32 s2, $0x0  }
0x2e7: {  	s3 =	rddreg [dreg:$0x2];
	[bflag:$0x3] =	sbarrier.arrive $0xFFFF;
	s2 =	simm.s32 @!p0 $0x1C02  }
0x2e8: {  	[timem:s3], [sflag:s2] =	dma.local @!p0 [hbm:s0], s1  }
0x2e9: {  	s0 =	simm.s32 @!p0 $0x2  }
0x2ea: {  	_ =	swait.ge @!p0 [sflag:s0], s1  }
0x2eb: {  	s1 =	ssub.s32 @!p0 $0x0, s1;
	[sflag:s0] =	ssyncset.done @!p0 $0x0  }
0x2ec: {  	[sflag:s0] =	ssyncadd.s32 @!p0 s1  }
0x2ed: {  	[bflag:$0x3] =	sbarrier.arrive $0xFFFF  }
0x2ee: {  	_ =	shalt  }

// kernel: kernel.7.cloned.1.call-start
scs
__scs_entry_jumppad:
0x0: {  	(pc) =	sbr.rel $0x88, $3  }
0x1: {  	(tag) =	ssettag $0x0;
	lr =	simm.s32 $0x1  }
0x2: {  	[smem:$0x3F95] =	sst lr;
	_ =	strace $0xD0000000  }
0x3: {  	_ = 	snop  }
0x4: {  	_ = 	snop  }
0x5: {  	_ = 	snop  }
0x6: {  	_ = 	snop  }
0x7: {  	_ = 	snop  }
__scs_overlays_trampoline_lowered:
0x8: {  	[smem:$0x3FA4] =	sst s0  }
0x9: {  	[smem:$0x3FA5] =	sst s1  }
0xa: {  	[smem:$0x3FA6] =	sst s2  }
0xb: {  	[smem:$0x3FA7] =	sst s3  }
0xc: {  	[smem:$0x3FA8] =	sst s4  }
0xd: {  	[smem:$0x3FA9] =	sst s5  }
0xe: {  	[smem:$0x3FAA] =	sst s6  }
0xf: {  	[smem:$0x3FAB] =	sst s7  }
0x10: {  	[smem:$0x3FAC] =	sst s8  }
0x11: {  	[smem:$0x3FAD] =	sst s9;
	s0 =	simm.s32 @!p0 $0x0  }
0x12: {  	s1 =	sld [smem:$0x3F93];
	s0 =	simm.s32 @p0 $0x1  }
0x13: {  	[smem:$0x3FAE] =	sst s0;
	s0 =	simm.s32 @!p1 $0x0  }
0x14: {  	s2 =	sld [smem:$0x3F92];
	s0 =	simm.s32 @p1 $0x1  }
0x15: {  	[smem:$0x3FAF] =	sst s0;
	s0 =	simm.s32 @!p2 $0x0  }
0x16: {  	s3 =	sld [smem:$0x3FDB];
	s0 =	simm.s32 @p2 $0x1  }
0x17: {  	s4 =	simm.s32 $0x1BF5;
	[smem:$0x3FB1] =	sst s0  }
0x18: {  	s0 =	sld [smem:$0x3F94];
	_ =	swait.ge [sflag:s4], $0x0  }
0x19: {  	s7 =	sld [smem:$0x3F95]  }
0x1a: {  	s8 =	sadd.s32 $0xFFFFE003, lr  }
0x1b: {  	s9 =	sadd.s32 $0xFFFFFEF7, lr;
	s5 =	simm.s32 $0xFFFFFFFF;
	p2 =	slt.u32 s8, $0xFFFFF086  }
0x1c: {  	p1 =	slt.u32 s9, $0xF7A;
	s5 =	simm.s32 @!p2 $0x0  }
0x1d: {  	s5 =	simm.s32 @p1 $0x1;
	p0 =	seq.s32 s7, s2  }
0x1e: {  	s7 =	smul.u32 @!p0 $0xF7A, s2;
	p2 =	seq.s32 @!p0 s5, $0x0  }
0x1f: {  	s9 =	smul.u32 $0xF7A, s1;
	s8 =	simm.s32 @!p0 $0x1BF5;
	p2 =	por !p2, p0  }
0x20: {  	[sflag:s8] =	ssyncset.s32 @!p0 $0xFFFFF086;
	s6 =	sadd.s32 @!p0 s3, s7;
	s7 =	simm.s32 @!p0 $0x108  }
0x21: {  	s3 =	sadd.s32 s3, s9;
	s6 =	sadd.s32 @!p0 $0x88, s6;
	s7 =	simm.s32 @p2 $0x1082  }
0x22: {  	[simem:s7], [sflag:s8] =	dma.local @!p0 [hbm:s6], $0xF7A  }
0x23: {  	s9 =	sor.u32 $0xD0000000, s2;
	s6 =	simm.s32 $0x108;
	_ =	swait.ge @!p0 [sflag:s8], $0x0  }
0x24: {  	s3 =	sadd.s32 $0x88, s3;
	s6 =	simm.s32 @!p1 $0x1082;
	[sflag:s4] =	ssyncset.s32 $0xFFFFF086  }
0x25: {  	[simem:s6], [sflag:s4] =	dma.local [hbm:s3], $0xF7A  }
0x26: {  	[smem:$0x3F95] =	sst s1;
	(tag) =	ssettag s2;
	_ =	strace s9  }
0x27: {  	s1 =	sld [smem:$0x3FA5]  }
0x28: {  	s2 =	sld [smem:$0x3FA6]  }
0x29: {  	s4 =	sld [smem:$0x3FA8]  }
0x2a: {  	p0 =	seq.s32 s5, $0x0;
	s5 =	sld [smem:$0x3FA9]  }
0x2b: {  	s6 =	sld [smem:$0x3FAA]  }
0x2c: {  	s7 =	sld [smem:$0x3FAB]  }
0x2d: {  	s3 =	simm.s32 $0x108;
	s8 =	sld [smem:$0x3FAC]  }
0x2e: {  	s3 =	simm.s32 @!p0 $0x1082;
	s9 =	sld [smem:$0x3FAD]  }
0x2f: {  	lr =	sadd.s32 s0, s3;
	s0 =	sld [smem:$0x3FA4]  }
0x30: {  	s3 =	sld [smem:$0x3FA7]  }
0x31: {  	[smem:$0x3FB0] =	sst s10  }
0x32: {  	s10 =	sld [smem:$0x3FAE];
	_ =	sdelay $0x3  }
0x33: {  	p0 =	seq.s32 s10, $0x1;
	s10 =	sld [smem:$0x3FB0];
	_ =	sdelay $0x3  }
0x34: {  	[smem:$0x3FB0] =	sst s10  }
0x35: {  	s10 =	sld [smem:$0x3FAF];
	_ =	sdelay $0x3  }
0x36: {  	p1 =	seq.s32 s10, $0x1;
	s10 =	sld [smem:$0x3FB0];
	_ =	sdelay $0x3  }
0x37: {  	[smem:$0x3FB0] =	sst s10  }
0x38: {  	s10 =	sld [smem:$0x3FB1]  }
0x39: {  	_ = 	snop;
	(pc) =	sbr.ind lr, $3  }
0x3a: {  	_ = 	snop  }
0x3b: {  	_ = 	snop  }
0x3c: {  	p2 =	seq.s32 s10, $0x1;
	s10 =	sld [smem:$0x3FB0]  }
0x3d: {  	_ =	shalt  }
0x3e: {  	_ =	shalt  }
0x3f: {  	_ =	shalt  }
0x40: {  	_ =	shalt  }
0x41: {  	_ =	shalt  }
0x42: {  	_ =	shalt  }
0x43: {  	_ =	shalt  }
0x44: {  	_ =	shalt  }
0x45: {  	_ =	shalt  }
0x46: {  	_ =	shalt  }
0x47: {  	_ =	shalt  }
0x48: {  	_ =	shalt  }
0x49: {  	_ =	shalt  }
0x4a: {  	_ =	shalt  }
0x4b: {  	_ =	shalt  }
0x4c: {  	_ =	shalt  }
0x4d: {  	_ =	shalt  }
0x4e: {  	_ =	shalt  }
0x4f: {  	_ =	shalt  }
0x50: {  	_ =	shalt  }
0x51: {  	_ =	shalt  }
0x52: {  	_ =	shalt  }
0x53: {  	_ =	shalt  }
0x54: {  	_ =	shalt  }
0x55: {  	_ =	shalt  }
0x56: {  	_ =	shalt  }
0x57: {  	_ =	shalt  }
0x58: {  	_ =	shalt  }
0x59: {  	_ =	shalt  }
0x5a: {  	_ =	shalt  }
0x5b: {  	_ =	shalt  }
0x5c: {  	_ =	shalt  }
0x5d: {  	_ =	shalt  }
0x5e: {  	_ =	shalt  }
0x5f: {  	_ =	shalt  }
0x60: {  	_ =	shalt  }
0x61: {  	_ =	shalt  }
0x62: {  	_ =	shalt  }
0x63: {  	_ =	shalt  }
0x64: {  	_ =	shalt  }
0x65: {  	_ =	shalt  }
0x66: {  	_ =	shalt  }
0x67: {  	_ =	shalt  }
0x68: {  	_ =	shalt  }
0x69: {  	_ =	shalt  }
0x6a: {  	_ =	shalt  }
0x6b: {  	_ =	shalt  }
0x6c: {  	_ =	shalt  }
0x6d: {  	_ =	shalt  }
0x6e: {  	_ =	shalt  }
0x6f: {  	_ =	shalt  }
0x70: {  	_ =	shalt  }
0x71: {  	_ =	shalt  }
0x72: {  	_ =	shalt  }
0x73: {  	_ =	shalt  }
0x74: {  	_ =	shalt  }
0x75: {  	_ =	shalt  }
0x76: {  	_ =	shalt  }
0x77: {  	_ =	shalt  }
0x78: {  	_ =	shalt  }
0x79: {  	_ =	shalt  }
0x7a: {  	_ =	shalt  }
0x7b: {  	_ =	shalt  }
0x7c: {  	_ =	shalt  }
0x7d: {  	_ =	shalt  }
0x7e: {  	_ =	shalt  }
0x7f: {  	_ =	shalt  }
0x80: {  	_ =	shalt  }
0x81: {  	_ =	shalt  }
0x82: {  	_ =	shalt  }
0x83: {  	_ =	shalt  }
0x84: {  	_ =	shalt  }
0x85: {  	_ =	shalt  }
0x86: {  	_ =	shalt  }
0x87: {  	_ =	shalt  }
.Lfunc_end0:
.L_simem_size_0:
called_computation_lowered:
.L_overlay_start_0:
0x88: {  	s2 =	sld [smem:$0x3FD9]  }
0x89: {  	s3 =	sld [smem:$0x3FFE];
	_ =	sdelay $0x1  }
0x8a: {  	s1 =	srdreg.scid  }
0x8b: {  	s0 =	sand.u32 $0x1, s1  }
0x8c: {  	s16 =	sshll.u32 s0, $0xA;
	s2 =	sadd.s32 s3, s2  }
0x8d: {  	s2 =	sadd.s32 s2, s16  }
0x8e: {  	[smem:$0x3FBC] =	sst s2  }
0x8f: {  	_ = 	snop  }
0x90: {  	(tm) =	ssettm $0x1  }
0x91: {  	s17 =	sld [smem:$0x3FFB];
	_ =	sdelay $0x3  }
0x92: {  	_ =	strace s17  }
0x93: {  	s2 =	sld [smem:$0x3FFC];
	_ =	sdelay $0x3  }
0x94: {  	_ =	strace s2  }
0x95: {  	s2 =	sld [smem:$0x3FFD];
	_ =	sdelay $0x3  }
0x96: {  	_ =	strace s2  }
0x97: {  	_ =	strace $0x8FFFFFFF  }
0x98: {  	s18 =	sld [smem:$0x3FDB];
	_ =	sdelay $0x1  }
0x99: {  	s19 =	simm.s32 $_scs_section_size  }
0x9a: {  	s4 =	simm.s32 $_size__tile_overlayer_lowered;
	s5 =	simm.s32 $_tile_overlayer_lowered  }
0x9b: {  	s22 =	simm.s32 $0x1BFF;
	s21 =	sshll.u32 s5, $0x1;
	s2 =	sadd.s32 s19, s18  }
0x9c: {  	s6 =	simm.s32 $0x0;
	s20 =	sshll.u32 s4, $0x1;
	s4 =	sadd.s32 s21, s2  }
0x9d: {  	[timem:s6], [sflag:s22] =	dma.local [hbm:s4], s20  }
0x9e: {  	_ =	swait.ge [sflag:s22], s20  }
0x9f: {  	s3 =	ssub.s32 $0x0, s20;
	[sflag:s22] =	ssyncset.done $0x0  }
0xa0: {  	[sflag:s22] =	ssyncadd.s32 s3;
	_ =	sdelay $0x1  }
0xa1: {  	s23 =	simm.s32 $0x1B8B  }
0xa2: {  	_ =	swait.ge [sflag:s23], $0x1  }
0xa3: {  	[sflag:s23] =	ssyncset.done $0x0  }
0xa4: {  	s25 =	simm.s32 $0x1B8E;
	s24 =	sld [smem:$0x3FFE];
	[sflag:s23] =	ssyncadd.s32 $0xFFFFFFFF  }
0xa5: {  	s26 =	simm.s32 $execute0_lowered;
	[smem:$0x3FD2] =	sst s25  }
0xa6: {  	s4 =	sshll.u32 s26, $0x1;
	_ =	strace $0x80000046;
	[dreg:$0x1] =	wrdreg $0xFFFFFFFF  }
0xa7: {  	s28 =	simm.s32 $_size_execute0_lowered;
	s2 =	sadd.s32 s2, s4;
	[dreg:$0x0] =	wrdreg $0x0  }
0xa8: {  	s4 =	sshll.u32 s28, $0x1;
	[dreg:$0x2] =	wrdreg s2  }
0xa9: {  	[dreg:$0x3] =	wrdreg s4  }
0xaa: {  	[dreg:$0x4] =	wrdreg $0xC0  }
0xab: {  	_ =	task [dreg:s6], $0x5FFFF  }
0xac: {  	[dreg:$0x1] =	wrdreg $0xFFFFFFFF  }
0xad: {  	[dreg:$0x0] =	wrdreg $0x60  }
0xae: {  	[dreg:$0x2] =	wrdreg s24  }
0xaf: {  	[dreg:$0x3] =	wrdreg $0x146000  }
0xb0: {  	[dreg:$0x4] =	wrdreg $0x9  }
0xb1: {  	_ =	task.clear_ibuf [dreg:s6], $0x5FFFF;
	_ =	strace $0x90000046  }
0xb2: {  	s29 =	simm.s32 $0x9;
	_ =	strace $0x80000048  }
0xb3: {  	_ =	swait.ge [sflag:s29], $0x1  }
0xb4: {  	[sflag:s29] =	ssyncadd.s32 $0xFFFFFFFF  }
0xb5: {  	_ =	strace $0x90000048  }
0xb6: {  	_ =	sfence  }
0xb7: {  	s30 =	sld [smem:$0x0];
	_ =	sdelay $0x2  }
0xb8: {  	s31 =	sshll.u32 s1, $0xD;
	s1 =	sshrl.u32 s1, $0x2  }
0xb9: {  	s3 =	sand.u32 $0x4000, s31;
	s1 =	sadd.s32 s1, s30  }
0xba: {  	s0 =	sor.u32 s3, s0;
	s1 =	sshll.u32 s1, $0x11  }
0xbb: {  	s0 =	sor.u32 s1, s0  }
0xbc: {  	s0 =	sadd.s32 $0x8F2B, s0  }
0xbd: {  	[sflag:s0] =	ssyncadd.remote.s32 $0x1  }
0xbe: {  	_ =	sfence.sel $0xFFFF  }
0xbf: {  	[dreg:$0x0] =	wrdreg $0xFFFFFFFF;
	(pc) =	sbr.abs _section_cstart, $3  }
0xc0: {  	[dreg:$0x1] =	wrdreg $0xFFFFFFFF  }
0xc1: {  	_ =	task.clear_ibuf [dreg:s6], $0x2FFFF;
	_ =	strace $0x9FFFFFFF  }
0xc2: {  	(tm) =	ssettm $0x7FFFFFFF  }
0xc3: {  	_ =	shalt  }
tec
execute0_lowered:
.L_overlay_start_1:
0x0: {  	(tag) =	ssettag $0x1  }
0x1: {  	s1 =	srdreg.scid;
	s5 =	rddreg [dreg:$0x0]  }
0x2: {  	s0 =	stileid.u32;
	s11 =	rddreg [dreg:$0x1];
	s16 =	simm.s32 $0x1  }
0x3: {  	s17 =	simm.s32 $0x4E80;
	s18 =	simm.s32 $0xED00;
	s19 =	simm.s32 $0x10200  }
0x4: {  	s20 =	simm.s32 $0x9D00;
	s21 =	simm.s32 $0xC500;
	s7 =	smul.u32 $0x280, s0  }
0x5: {  	s22 =	simm.s32 $0x11700;
	s23 =	simm.s32 $0x12C00;
	s9 =	smul.u32 $0x14000, s0  }
0x6: {  	s24 =	simm.s32 $0x80;
	s28 =	simm.s32 $0x14100;
	s12 =	smul.u32 $0x1400, s0  }
0x7: {  	s29 =	simm.s32 $0x0;
	s1 =	sand.u32 $0x1, s1;
	s15 =	smul.u32 $0x2A00, s0  }
0x8: {  	s2 =	sshll.u32 s0, $0x1;
	s3 =	sadd.s32 $0xC200, s5;
	s8 =	smul.u32 $0x5000, s1  }
0x9: {  	s2 =	sor.u32 s1, s2;
	s30 =	ssub.s32 $0x2, s1;
	s1 =	smul.u32 $0x1500, s1  }
0xa: {  	s4 =	sadd.s32 $0xCC00, s5;
	s6 =	smul.u32 $0x1500, s2;
	s2 =	simm.s32 $0x0  }
0xb: {  	s31 =	sshrl.u32 s30, $0x1;
	s9 =	sshrl.u32 s9, $0x2;
	s12 =	sshrl.u32 s12, $0x2  }
0xc: {  	[smem:$0x7FF] =	sst s2;
	s7 =	sadd.s32 s7, s8;
	s14 =	ssub.s32 s30, s31  }
0xd: {  	s9 =	sadd.s32 s9, s11;
	s11 =	sadd.s32 s12, s11;
	s1 =	sadd.s32 s1, s15  }
0xe: {  	_ =	strace $0x80000047;
	s6 =	sshrl.u32 s6, $0x3;
	s26 =	sshrl.u32 s7, $0x3  }
0xf: {  	s10 =	sadd.s32 $0x80, s9;
	s14 =	smax.u32 s14, $0x1;
	s25 =	sadd.s32 s6, s5  }
0x10: {  	s13 =	sadd.s32 s26, s5;
	s26 =	simm.s32 $0x14380;
	s5 =	sadd.s32 $0x6E00, s25  }
0x11: {  	s6 =	sadd.s32 $0x1A00, s25;
	s7 =	sadd.s32 $0xD600, s25;
	s8 =	sadd.s32 $0x12A00, s25  }
0x12: {  	v0 =	vimm.f32 $0.0e+00;
	s12 =	sadd.s32 $0x17E00, s13;
	s13 =	sadd.s32 $0x18300, s13;
	s25 =	simm.s32 $0x100  }
.LBB2_1:
0x13: {  	[tilespmem:s2], [sflag:$0x1] =	stream.linear.gather [hbm4b:s3+s2], $0x4E80, $0x38;
	[tilespmem:$0x19600] =	vst v63  }
0x14: {  	_ =	swait.ge [sflag:s16], $0x4E80  }
0x15: {  	[sflag:s16] =	ssyncset.done $0x0  }
0x16: {  	[sflag:s16] =	ssyncadd.s32 $0xFFFFB180  }
0x17: {  	[tilespmem:s17], [sflag:$0x1] =	stream.linear.gather [hbm4b:s4+s2], $0x4E80, $0x38;
	[tilespmem:$0x19600] =	vst v63  }
0x18: {  	_ =	swait.ge [sflag:s16], $0x4E80  }
0x19: {  	[sflag:s16] =	ssyncset.done $0x0  }
0x1a: {  	[sflag:s16] =	ssyncadd.s32 $0xFFFFB180  }
0x1b: {  	[tilespmem:s18], [sflag:$0x1] =	stream.linear.gather [hbm4b:s5+s2], $0x1500, $0x38;
	[tilespmem:$0x19600] =	vst v63  }
0x1c: {  	_ =	swait.ge [sflag:s16], $0x1500  }
0x1d: {  	[sflag:s16] =	ssyncset.done $0x0  }
0x1e: {  	[sflag:s16] =	ssyncadd.s32 $0xFFFFEB00  }
0x1f: {  	[tilespmem:s19], [sflag:$0x1] =	stream.linear.gather [hbm4b:s6+s2], $0x1500, $0x38;
	[tilespmem:$0x19600] =	vst v63  }
0x20: {  	_ =	swait.ge [sflag:s16], $0x1500  }
0x21: {  	[sflag:s16] =	ssyncset.done $0x0  }
0x22: {  	s15 =	simm.s32 $0x0;
	[sflag:s16] =	ssyncadd.s32 $0xFFFFEB00  }
.LBB2_2:
0x23: {  	p0 =	sne.s32 s15, $0x9FC0  }
.Ltmp0:
0x24: {  	_ = 	snop;
	(pc) =	sbr.rel @p0 .LBB2_2-.Ltmp0, $4  }
0x25: {  	_ = 	snop  }
0x26: {  	s30 =	sshra.s32 s15, $0x2  }
0x27: {  	[tilespmem:s30+$0x9D00] =	vst v0  }
0x28: {  	s15 =	sadd.s32 $0x40, s15;
	[tilespmem:s30+$0xC500] =	vst v0  }
0x29: {  	s30 =	simm.s32 $0x0  }
0x2a: {  	v2 =	vld [tilespmem:s30+$0xED00]  }
0x2b: {  	v1 =	vld [tilespmem:s30+$0x10200];
	_ =	sdelay $0x3  }
0x2c: {  	v2 =	vshll.u32 v2, $0x1  }
0x2d: {  	v3 =	vshll.u32 v1, $0x1;
	v4 =	vor.u32 $0x1, v2  }
0x2e: {  	v5 =	vor.u32 $0x1, v3;
	_ =	sdelay $0x2  }
0x2f: {  	v2 =	vld.idx.msk [tilespmem:v2+s2+$0x0], $0xffff  }
0x30: {  	v4 =	vld.idx.msk [tilespmem:v4+s2+$0x0], $0xffff  }
0x31: {  	v5 =	vld.idx.msk [tilespmem:v5+s17+$0x0], $0xffff  }
0x32: {  	v3 =	vld.idx.msk [tilespmem:v3+s17+$0x0], $0xffff;
	_ =	sdelay $0x3  }
0x33: {  	v4 =	vadd.f32 v5, v4  }
0x34: {  	v2 =	vadd.f32 v3, v2  }
0x35: {  	v3 =	vmul.f32 $2.000000030e-01, v4  }
0x36: {  	v5 =	vmul.f32 $2.000000030e-01, v2  }
0x37: {  	v3 =	vmax.f32 v4, v3  }
0x38: {  	v2 =	vmax.f32 v2, v5;
	v3 =	vmul.f32 $1.442695020e+00, v3  }
0x39: {  	v2 =	vmul.f32 $1.442695020e+00, v2  }
0x3a: {  	(erf) = vpow2.f32 v3  }
0x3b: {  	(erf) = vpow2.f32 v2;
	_ =	sdelay $0x7  }
0x3c: {  	p0 =	slt.u32 s1, $0x29810;
	v2 =	vpop (erf)  }
0x3d: {  	v2 =	vpsel !p0, $0x0, v2;
	v3 =	vpop (erf)  }
0x3e: {  	s31 =	simm.s32 $0x40;
	s15 =	smov.u32 s1;
	v3 =	vpsel !p0, $0x0, v3;
	[tilespmem:s30+$0x12C00] =	vst v2  }
.LBB2_4:
0x3f: {  	p0 =	sne.s32 s31, $0x53C0  }
0x40: {  	[tilespmem:s30+$0x11700] =	vst v3;
	s15 =	sadd.s32 $0x10, s15;
	s30 =	smov.u32 s31;
	s31 =	sadd.s32 $0x40, s31  }
0x41: {  	[tilespmem:v1+s20+$0x0] =	vst.idx.add.f32.msk $0xffff, v3  }
0x42: {  	s30 =	sshra.s32 s30, $0x2;
	[tilespmem:v1+s21+$0x0] =	vst.idx.add.f32.msk $0xffff, v2  }
0x43: {  	v2 =	vld [tilespmem:s30+$0xED00]  }
0x44: {  	v1 =	vld [tilespmem:s30+$0x10200];
	_ =	sdelay $0x3  }
0x45: {  	v2 =	vshll.u32 v2, $0x1  }
0x46: {  	v3 =	vshll.u32 v1, $0x1;
	v4 =	vor.u32 $0x1, v2  }
0x47: {  	v5 =	vor.u32 $0x1, v3;
	_ =	sdelay $0x2  }
0x48: {  	v2 =	vld.idx.msk [tilespmem:v2+s2+$0x0], $0xffff  }
0x49: {  	v4 =	vld.idx.msk [tilespmem:v4+s2+$0x0], $0xffff  }
0x4a: {  	v5 =	vld.idx.msk [tilespmem:v5+s17+$0x0], $0xffff  }
0x4b: {  	v3 =	vld.idx.msk [tilespmem:v3+s17+$0x0], $0xffff;
	_ =	sdelay $0x4  }
0x4c: {  	v4 =	vadd.f32 v5, v4  }
0x4d: {  	v2 =	vadd.f32 v3, v2  }
0x4e: {  	v3 =	vmul.f32 $2.000000030e-01, v4  }
0x4f: {  	v5 =	vmul.f32 $2.000000030e-01, v2  }
0x50: {  	v3 =	vmax.f32 v4, v3  }
0x51: {  	v2 =	vmax.f32 v2, v5;
	v3 =	vmul.f32 $1.442695020e+00, v3  }
0x52: {  	v2 =	vmul.f32 $1.442695020e+00, v2  }
0x53: {  	(erf) = vpow2.f32 v3  }
0x54: {  	(erf) = vpow2.f32 v2;
	_ =	sdelay $0x5  }
.Ltmp1:
0x55: {  	(pc) =	sbr.rel @p0 .LBB2_4-.Ltmp1, $4  }
0x56: {  	_ = 	snop  }
0x57: {  	p1 =	slt.u32 s15, $0x29810;
	v2 =	vpop (erf)  }
0x58: {  	v2 =	vpsel !p1, $0x0, v2;
	v3 =	vpop (erf)  }
0x59: {  	v3 =	vpsel !p1, $0x0, v3;
	[tilespmem:s30+$0x12C00] =	vst v2  }
0x5a: {  	_ =	sdelay $0x2  }
0x5b: {  	[tilespmem:s30+$0x11700] =	vst v3  }
0x5c: {  	[tilespmem:v1+s20+$0x0] =	vst.idx.add.f32.msk $0xffff, v3  }
0x5d: {  	s30 =	simm.s32 $0x0;
	[tilespmem:v1+s21+$0x0] =	vst.idx.add.f32.msk $0xffff, v2  }
0x5e: {  	[hbm4b:s7+s30] =	stream.linear.scatter [tilespmem:s22], [sflag:$0x1], $0x1500, $0x38;
	[tilespmem:$0x19600] =	vst v63  }
0x5f: {  	_ =	swait.ge [sflag:s16], $0x1500  }
0x60: {  	[sflag:s16] =	ssyncset.done $0x0  }
0x61: {  	[sflag:s16] =	ssyncadd.s32 $0xFFFFEB00  }
0x62: {  	[hbm4b:s8+s30] =	stream.linear.scatter [tilespmem:s23], [sflag:$0x1], $0x1500, $0x38;
	[tilespmem:$0x19600] =	vst v63  }
0x63: {  	_ =	swait.ge [sflag:s16], $0x1500  }
0x64: {  	[sflag:s16] =	ssyncset.done $0x0  }
0x65: {  	[sflag:s16] =	ssyncadd.s32 $0xFFFFEB00  }
0x66: {  	[spmem:s9] =	stream.strided.scatter [tilespmem:s20], [sflag:$0x1], $0x2800, s25, s24, $0x38;
	[tilespmem:$0x19600] =	vst v63  }
0x67: {  	_ =	swait.ge [sflag:s16], $0x2800  }
0x68: {  	[sflag:s16] =	ssyncset.done $0x0  }
0x69: {  	[sflag:s16] =	ssyncadd.s32 $0xFFFFD800  }
0x6a: {  	[spmem:s10] =	stream.strided.scatter [tilespmem:s21], [sflag:$0x1], $0x2800, s25, s24, $0x38;
	[tilespmem:$0x19600] =	vst v63  }
0x6b: {  	_ =	swait.ge [sflag:s16], $0x2800  }
0x6c: {  	[sflag:s16] =	ssyncset.done $0x0  }
0x6d: {  	[sflag:s16] =	ssyncadd.s32 $0xFFFFD800  }
0x6e: {  	[bflag:$0x0] =	sbarrier.arrive $0xFFFF  }
0x6f: {  	[tilespmem:$0x14100] =	vst v0  }
0x70: {  	[tilespmem:$0x14110] =	vst v0  }
0x71: {  	[tilespmem:$0x14120] =	vst v0  }
0x72: {  	[tilespmem:$0x14130] =	vst v0  }
0x73: {  	[tilespmem:$0x14140] =	vst v0  }
0x74: {  	[tilespmem:$0x14150] =	vst v0  }
0x75: {  	[tilespmem:$0x14160] =	vst v0  }
0x76: {  	[tilespmem:$0x14170] =	vst v0  }
0x77: {  	[tilespmem:$0x14180] =	vst v0  }
0x78: {  	[tilespmem:$0x14190] =	vst v0  }
0x79: {  	[tilespmem:$0x141A0] =	vst v0  }
0x7a: {  	[tilespmem:$0x141B0] =	vst v0  }
0x7b: {  	[tilespmem:$0x141C0] =	vst v0  }
0x7c: {  	[tilespmem:$0x141D0] =	vst v0  }
0x7d: {  	[tilespmem:$0x141E0] =	vst v0  }
0x7e: {  	[tilespmem:$0x141F0] =	vst v0  }
0x7f: {  	[tilespmem:$0x14200] =	vst v0  }
0x80: {  	[tilespmem:$0x14210] =	vst v0  }
0x81: {  	[tilespmem:$0x14220] =	vst v0  }
0x82: {  	[tilespmem:$0x14230] =	vst v0  }
0x83: {  	[tilespmem:$0x14240] =	vst v0  }
0x84: {  	[tilespmem:$0x14250] =	vst v0  }
0x85: {  	[tilespmem:$0x14260] =	vst v0  }
0x86: {  	[tilespmem:$0x14270] =	vst v0  }
0x87: {  	[tilespmem:$0x14280] =	vst v0  }
0x88: {  	[tilespmem:$0x14290] =	vst v0  }
0x89: {  	[tilespmem:$0x142A0] =	vst v0  }
0x8a: {  	[tilespmem:$0x142B0] =	vst v0  }
0x8b: {  	[tilespmem:$0x142C0] =	vst v0  }
0x8c: {  	[tilespmem:$0x142D0] =	vst v0  }
0x8d: {  	[tilespmem:$0x142E0] =	vst v0  }
0x8e: {  	[tilespmem:$0x142F0] =	vst v0  }
0x8f: {  	[tilespmem:$0x14300] =	vst v0  }
0x90: {  	[tilespmem:$0x14310] =	vst v0  }
0x91: {  	[tilespmem:$0x14320] =	vst v0  }
0x92: {  	[tilespmem:$0x14330] =	vst v0  }
0x93: {  	[tilespmem:$0x14340] =	vst v0  }
0x94: {  	[tilespmem:$0x14350] =	vst v0  }
0x95: {  	[tilespmem:$0x14360] =	vst v0  }
0x96: {  	[tilespmem:$0x14370] =	vst v0  }
.LBB2_6:
0x97: {  	s15 =	smul.u32 $0x14000, s30;
	_ =	sdelay $0x1  }
0x98: {  	s15 =	sshra.s32 s15, $0x2  }
0x99: {  	s15 =	sadd.s32 s15, s11  }
0x9a: {  	[tilespmem:s26], [sflag:$0x1] =	stream.strided.gather [spmem:s15], $0x280, s25, s24, $0x38;
	[tilespmem:$0x19600] =	vst v63  }
0x9b: {  	_ =	swait.ge [sflag:s16], $0x280  }
0x9c: {  	[sflag:s16] =	ssyncset.done $0x0  }
0x9d: {  	s15 =	simm.s32 $0x0;
	[sflag:s16] =	ssyncadd.s32 $0xFFFFFD80  }
0x9e: {  	s31 =	simm.s32 $0x40;
	v1 =	vld [tilespmem:s15+$0x14380]  }
.LBB2_7:
0x9f: {  	p0 =	sne.s32 s31, $0x9C0;
	v2 =	vld [tilespmem:s15+$0x14100];
	_ =	sdelay $0x2  }
.Ltmp2:
0xa0: {  	(pc) =	sbr.rel @p0 .LBB2_7-.Ltmp2, $4  }
0xa1: {  	_ = 	snop  }
0xa2: {  	v2 =	vadd.f32 v1, v2  }
0xa3: {  	s0 =	sshra.s32 s31, $0x2  }
0xa4: {  	s31 =	sadd.s32 $0x40, s31;
	v1 =	vld [tilespmem:s0+$0x14380];
	[tilespmem:s15+$0x14100] =	vst v2;
	s15 =	smov.u32 s0  }
0xa5: {  	v2 =	vld [tilespmem:s15+$0x14100]  }
0xa6: {  	s30 =	sadd.s32 $0x1, s30  }
0xa7: {  	p0 =	sne.s32 s30, $0x10  }
.Ltmp3:
0xa8: {  	_ = 	snop;
	(pc) =	sbr.rel @p0 .LBB2_6-.Ltmp3, $3  }
0xa9: {  	_ = 	snop  }
0xaa: {  	v1 =	vadd.f32 v1, v2;
	_ =	sdelay $0x1  }
0xab: {  	[tilespmem:s15+$0x14100] =	vst v1  }
0xac: {  	s30 =	simm.s32 $0x0  }
0xad: {  	[hbm4b:s12+s30] =	stream.linear.scatter [tilespmem:s28], [sflag:$0x1], $0x280, $0x38;
	[tilespmem:$0x19600] =	vst v63  }
0xae: {  	_ =	swait.ge [sflag:s16], $0x280  }
0xaf: {  	[sflag:s16] =	ssyncset.done $0x0  }
0xb0: {  	[sflag:s16] =	ssyncadd.s32 $0xFFFFFD80  }
0xb1: {  	[tilespmem:$0x14100] =	vst v0  }
0xb2: {  	[tilespmem:$0x14110] =	vst v0  }
0xb3: {  	[tilespmem:$0x14120] =	vst v0  }
0xb4: {  	[tilespmem:$0x14130] =	vst v0  }
0xb5: {  	[tilespmem:$0x14140] =	vst v0  }
0xb6: {  	[tilespmem:$0x14150] =	vst v0  }
0xb7: {  	[tilespmem:$0x14160] =	vst v0  }
0xb8: {  	[tilespmem:$0x14170] =	vst v0  }
0xb9: {  	[tilespmem:$0x14180] =	vst v0  }
0xba: {  	[tilespmem:$0x14190] =	vst v0  }
0xbb: {  	[tilespmem:$0x141A0] =	vst v0  }
0xbc: {  	[tilespmem:$0x141B0] =	vst v0  }
0xbd: {  	[tilespmem:$0x141C0] =	vst v0  }
0xbe: {  	[tilespmem:$0x141D0] =	vst v0  }
0xbf: {  	[tilespmem:$0x141E0] =	vst v0  }
0xc0: {  	[tilespmem:$0x141F0] =	vst v0  }
0xc1: {  	[tilespmem:$0x14200] =	vst v0  }
0xc2: {  	[tilespmem:$0x14210] =	vst v0  }
0xc3: {  	[tilespmem:$0x14220] =	vst v0  }
0xc4: {  	[tilespmem:$0x14230] =	vst v0  }
0xc5: {  	[tilespmem:$0x14240] =	vst v0  }
0xc6: {  	[tilespmem:$0x14250] =	vst v0  }
0xc7: {  	[tilespmem:$0x14260] =	vst v0  }
0xc8: {  	[tilespmem:$0x14270] =	vst v0  }
0xc9: {  	[tilespmem:$0x14280] =	vst v0  }
0xca: {  	[tilespmem:$0x14290] =	vst v0  }
0xcb: {  	[tilespmem:$0x142A0] =	vst v0  }
0xcc: {  	[tilespmem:$0x142B0] =	vst v0  }
0xcd: {  	[tilespmem:$0x142C0] =	vst v0  }
0xce: {  	[tilespmem:$0x142D0] =	vst v0  }
0xcf: {  	[tilespmem:$0x142E0] =	vst v0  }
0xd0: {  	[tilespmem:$0x142F0] =	vst v0  }
0xd1: {  	[tilespmem:$0x14300] =	vst v0  }
0xd2: {  	[tilespmem:$0x14310] =	vst v0  }
0xd3: {  	[tilespmem:$0x14320] =	vst v0  }
0xd4: {  	[tilespmem:$0x14330] =	vst v0  }
0xd5: {  	[tilespmem:$0x14340] =	vst v0  }
0xd6: {  	[tilespmem:$0x14350] =	vst v0  }
0xd7: {  	[tilespmem:$0x14360] =	vst v0  }
0xd8: {  	[tilespmem:$0x14370] =	vst v0  }
.LBB2_10:
0xd9: {  	s0 =	smul.u32 $0x14000, s30;
	_ =	sdelay $0x1  }
0xda: {  	s0 =	sshra.s32 s0, $0x2  }
0xdb: {  	s0 =	sadd.s32 s0, s11  }
0xdc: {  	s0 =	sadd.s32 $0x80, s0  }
0xdd: {  	[tilespmem:s26], [sflag:$0x1] =	stream.strided.gather [spmem:s0], $0x280, s25, s24, $0x38;
	[tilespmem:$0x19600] =	vst v63  }
0xde: {  	_ =	swait.ge [sflag:s16], $0x280  }
0xdf: {  	[sflag:s16] =	ssyncset.done $0x0  }
0xe0: {  	s15 =	simm.s32 $0x0;
	[sflag:s16] =	ssyncadd.s32 $0xFFFFFD80  }
0xe1: {  	s31 =	simm.s32 $0x40;
	v1 =	vld [tilespmem:s15+$0x14380]  }
.LBB2_11:
0xe2: {  	p0 =	sne.s32 s31, $0x9C0;
	v2 =	vld [tilespmem:s15+$0x14100];
	_ =	sdelay $0x2  }
.Ltmp4:
0xe3: {  	(pc) =	sbr.rel @p0 .LBB2_11-.Ltmp4, $4  }
0xe4: {  	_ = 	snop  }
0xe5: {  	v2 =	vadd.f32 v1, v2  }
0xe6: {  	s0 =	sshra.s32 s31, $0x2  }
0xe7: {  	s31 =	sadd.s32 $0x40, s31;
	v1 =	vld [tilespmem:s0+$0x14380];
	[tilespmem:s15+$0x14100] =	vst v2;
	s15 =	smov.u32 s0  }
0xe8: {  	v2 =	vld [tilespmem:s15+$0x14100]  }
0xe9: {  	s30 =	sadd.s32 $0x1, s30  }
0xea: {  	p0 =	sne.s32 s30, $0x10  }
.Ltmp5:
0xeb: {  	_ = 	snop;
	(pc) =	sbr.rel @p0 .LBB2_10-.Ltmp5, $3  }
0xec: {  	_ = 	snop  }
0xed: {  	v1 =	vadd.f32 v1, v2;
	_ =	sdelay $0x1  }
0xee: {  	[tilespmem:s15+$0x14100] =	vst v1  }
0xef: {  	s29 =	sadd.s32 $0x1, s29  }
0xf0: {  	p0 =	sne.s32 s29, s14  }
.Ltmp6:
0xf1: {  	_ = 	snop;
	(pc) =	sbr.rel @p0 .LBB2_1-.Ltmp6, $4  }
0xf2: {  	[hbm4b:s13+s2] =	stream.linear.scatter [tilespmem:s28], [sflag:$0x1], $0x280, $0x38;
	[tilespmem:$0x19600] =	vst v63  }
0xf3: {  	_ =	swait.ge [sflag:s16], $0x280  }
0xf4: {  	[sflag:s16] =	ssyncset.done $0x0  }
0xf5: {  	[sflag:s16] =	ssyncadd.s32 $0xFFFFFD80  }
0xf6: {  	_ =	sfence.sel $0x180000  }
0xf7: {  	[bflag:$0x0] =	sbarrier.arrive $0xFFFF  }
0xf8: {  	_ =	strace $0x90000047  }
0xf9: {  	s0 =	stileid.u32;
	[bflag:$0x2] =	sbarrier.arrive $0xFFFF  }
0xfa: {  	p0 =	sne.s32 s0, $0x0;
	s0 =	rddreg [dreg:$0x2]  }
0xfb: {  	s0 =	sadd.s32 @!p0 $0x100000, s0  }
0xfc: {  	[sflag:s0] =	ssyncadd.tile.s32 @!p0 $0x1;
	_ =	shalt  }
.Lfunc_end2:
_tile_overlayer_lowered:
.L_overlay_start_2:
0xfd: {  	(tag) =	ssettag $0x2  }
0xfe: {  	s0 =	rddreg [dreg:$0x0];
	s2 =	stileid.u32  }
0xff: {  	s1 =	rddreg [dreg:$0x1];
	p0 =	sne.s32 s2, $0x0  }
0x100: {  	s3 =	rddreg [dreg:$0x2];
	[bflag:$0x3] =	sbarrier.arrive $0xFFFF;
	s2 =	simm.s32 @!p0 $0x1C01  }
0x101: {  	[timem:s3], [sflag:s2] =	dma.local @!p0 [hbm:s0], s1  }
0x102: {  	s0 =	simm.s32 @!p0 $0x1  }
0x103: {  	_ =	swait.ge @!p0 [sflag:s0], s1  }
0x104: {  	s1 =	ssub.s32 @!p0 $0x0, s1;
	[sflag:s0] =	ssyncset.done @!p0 $0x0  }
0x105: {  	[sflag:s0] =	ssyncadd.s32 @!p0 s1  }
0x106: {  	[bflag:$0x3] =	sbarrier.arrive $0xFFFF  }
0x107: {  	_ =	shalt  }

</sc_bundles>
